<compile_context>
chip_gen: v7x
topology: tpu7x:2x2x1
jax: 0.10.2.dev20260603
libtpu: 0.0.44.dev20260713+nightly
codegen_flags: <defaults>
</compile_context>

<pallas_src>
import functools

import jax
import jax.numpy as jnp
from jax import lax
from jax.experimental import pallas as pl
from jax.experimental.pallas import tpu as pltpu
from jax.experimental.pallas import tpu_sc as plsc


def _swish(x):
    return x * jax.nn.sigmoid(x)


def _prep_tables(v, u, batchc, W1a, W1b, W1d, Wn1a, Wn1c, be1r, bn1r):
    n, d = v.shape
    g = u.shape[0]
    R = 1000
    grid = n // R

    def body(v_ref, u_ref, b_ref, w1a, w1b, w1d, wn1a, wn1c, be1_, bn1_,
             a2_ref, bt_ref, vn0_ref):
        oh = (b_ref[...] == lax.broadcasted_iota(jnp.int32, (1, g), 1)
              ).astype(jnp.float32)
        cu = jnp.dot(u_ref[...], w1d[...], preferred_element_type=jnp.float32)
        cn = jnp.dot(u_ref[...], wn1c[...], preferred_element_type=jnp.float32)
        vb = v_ref[...]
        def pack_u32(x):
            lo = jax.lax.bitcast_convert_type(
                x[:, :64].astype(jnp.bfloat16), jnp.uint16).astype(jnp.uint32)
            hi = jax.lax.bitcast_convert_type(
                x[:, 64:].astype(jnp.bfloat16), jnp.uint16).astype(jnp.uint32)
            return lo | (hi << jnp.uint32(16))

        a2_ref[...] = pack_u32(
            jnp.dot(vb, w1a[...], preferred_element_type=jnp.float32)
            + jnp.dot(oh, cu, preferred_element_type=jnp.float32)
            + be1_[...])
        bt_ref[...] = pack_u32(
            jnp.dot(vb, w1b[...], preferred_element_type=jnp.float32))
        vn0_ref[...] = (jnp.dot(vb, wn1a[...], preferred_element_type=jnp.float32)
                        + jnp.dot(oh, cn, preferred_element_type=jnp.float32)
                        + bn1_[...])

    wspec = pl.BlockSpec((128, 128), lambda i: (0, 0))
    bspec = pl.BlockSpec((1, 128), lambda i: (0, 0))
    return pl.pallas_call(
        body,
        grid=(grid,),
        in_specs=[
            pl.BlockSpec((R, d), lambda i: (i, 0)),
            pl.BlockSpec((g, d), lambda i: (0, 0)),
            pl.BlockSpec((R, 1), lambda i: (i, 0)),
            wspec, wspec, wspec, wspec, wspec, bspec, bspec,
        ],
        out_specs=[
            pl.BlockSpec((R, 64), lambda i: (i, 0)),
            pl.BlockSpec((R, 64), lambda i: (i, 0)),
            pl.BlockSpec((R, 128), lambda i: (i, 0)),
        ],
        out_shape=[
            jax.ShapeDtypeStruct((n, 64), jnp.uint32),
            jax.ShapeDtypeStruct((n, 64), jnp.uint32),
            jax.ShapeDtypeStruct((n, 128), jnp.float32),
        ],
    )(v, u, batchc, W1a, W1b, W1d, Wn1a, Wn1c, be1r, bn1r)


def _gather_pairsum(A2, Bt, rcp, nchpad, pc0, pc1):
    n, d = A2.shape
    assert 16 * (pc0 + pc1) == nchpad
    assert (pc0 - 4) % 3 == 0 and (pc1 - 4) % 3 == 0
    pmax = max(pc0, pc1)

    mesh = plsc.VectorSubcoreMesh(core_axis_name="core",
                                  subcore_axis_name="subcore")

    @functools.partial(
        pl.kernel,
        out_type=jax.ShapeDtypeStruct((nchpad * 128, d), jnp.uint32),
        mesh=mesh,
        compiler_params=pltpu.CompilerParams(needs_layout_passes=False,
                                             use_tc_tiling_on_sc=False),
        scratch_types=(
            [pltpu.VMEM((pmax, 2, 128), jnp.int32)]
            + [pltpu.VMEM((128, d), jnp.uint32)] * 6
            + [pltpu.SemaphoreType.DMA] * 6
        ),
    )
    def k(a_hbm, b_hbm, rc_hbm, o_hbm, idxall,
          a0, a1, a2, b0, b1, b2, sg0, sg1, sg2, sw0, sw1, sw2):
        cid = lax.axis_index("core")
        sid = lax.axis_index("subcore")
        pc = jnp.where(cid == 0, pc0, pc1)
        base = jnp.where(cid == 0, sid * pc0, 16 * pc0 + sid * pc1)
        avs, bvs = (a0, a1, a2), (b0, b1, b2)
        sgs, sws = (sg0, sg1, sg2), (sw0, sw1, sw2)

        pltpu.sync_copy(rc_hbm.at[pl.ds(base, pmax)], idxall)

        def g_descs(kk, s):
            return (pltpu.make_async_copy(a_hbm.at[idxall.at[kk, 0]],
                                          avs[s], sgs[s]),
                    pltpu.make_async_copy(b_hbm.at[idxall.at[kk, 1]],
                                          bvs[s], sgs[s]))

        def w_desc(kk, s):
            off = pl.multiple_of((base + kk) * 128, 128)
            return pltpu.make_async_copy(avs[s], o_hbm.at[pl.ds(off, 128)],
                                         sws[s])

        def add_slot(s):
            av, bv = avs[s], bvs[s]

            @pl.loop(0, 128)
            def _(r):
                for c in range(0, d, 16):
                    sl = (r, pl.ds(c, 16))
                    x = plsc.bitcast(av.at[sl][...], jnp.bfloat16)
                    y = plsc.bitcast(bv.at[sl][...], jnp.bfloat16)
                    av.at[sl][...] = plsc.bitcast(x + y, jnp.uint32)

        def issue_g(kk, s):
            for cp in g_descs(kk, s):
                cp.start()

        def wait_g(kk, s):
            for cp in g_descs(kk, s):
                cp.wait()

        issue_g(0, 0)
        wait_g(0, 0)
        issue_g(1, 1)
        add_slot(0)
        w_desc(0, 0).start()
        wait_g(1, 1)
        issue_g(2, 2)
        add_slot(1)
        w_desc(1, 1).start()

        @pl.loop(0, (pc - 4) // 3)
        def _(j):
            kk0 = 2 + 3 * j
            for b in range(3):
                kk = kk0 + b
                s = (2 + b) % 3
                wait_g(kk, s)
                w_desc(kk - 2, b).wait()
                issue_g(kk + 1, b)
                add_slot(s)
                w_desc(kk, s).start()

        k1, k2 = pc - 2, pc - 1
        wait_g(k1, 2)
        w_desc(k1 - 2, 0).wait()
        issue_g(k2, 0)
        add_slot(2)
        w_desc(k1, 2).start()
        wait_g(k2, 0)
        w_desc(k2 - 2, 1).wait()
        add_slot(0)
        w_desc(k2, 0).start()
        w_desc(k1, 2).wait()
        w_desc(k2, 0).wait()

    return k(A2, Bt, rcp)


def _edge_mlp(GAB, e, W1c, We2, be2r):
    m, d = e.shape
    RE = 4000
    grid = m // RE

    def body(gab_ref, e_ref, w1c, we2, be2_, o_ref):
        w = gab_ref[...]
        glo = jax.lax.bitcast_convert_type(w << jnp.uint32(16), jnp.float32)
        ghi = jax.lax.bitcast_convert_type(w & jnp.uint32(0xFFFF0000),
                                           jnp.float32)
        x = (jnp.concatenate([glo, ghi], axis=1)
             + jnp.dot(e_ref[...], w1c[...],
                       preferred_element_type=jnp.float32))
        h = _swish(x)
        y = jnp.dot(h, we2[...], preferred_element_type=jnp.float32) + be2_[...]
        o_ref[...] = _swish(y)

    return pl.pallas_call(
        body,
        grid=(grid,),
        in_specs=[
            pl.BlockSpec((RE, 64), lambda i: (i, 0)),
            pl.BlockSpec((RE, d), lambda i: (i, 0)),
            pl.BlockSpec((d, 128), lambda i: (0, 0)),
            pl.BlockSpec((128, 128), lambda i: (0, 0)),
            pl.BlockSpec((1, 128), lambda i: (0, 0)),
        ],
        out_specs=pl.BlockSpec((RE, 128), lambda i: (i, 0)),
        out_shape=jax.ShapeDtypeStruct((m, 128), jnp.float32),
    )(GAB, e, W1c, We2, be2r)


def _scatter_partials(ep, col3p, n_pad):
    m, d = ep.shape
    nreal = m // 128
    nchpad = col3p.shape[0]
    ntiles = 32
    per_tile = nchpad // ntiles
    assert per_tile * ntiles == nchpad and per_tile % 2 == 0
    rows_per_sub = n_pad // 16
    zfull = rows_per_sub // 128
    zrem = rows_per_sub - zfull * 128

    mesh = plsc.VectorSubcoreMesh(core_axis_name="core",
                                  subcore_axis_name="subcore")

    @functools.partial(
        pl.kernel,
        out_type=jax.ShapeDtypeStruct((2, n_pad, d), jnp.float32),
        mesh=mesh,
        scratch_types=(
            [pltpu.VMEM((per_tile, 1, 128), jnp.int32)]
            + [pltpu.VMEM((128, d), jnp.float32)] * 2
            + [pltpu.SemaphoreType.DMA] * 4
            + [pltpu.VMEM_SHARED((n_pad, d), jnp.float32)]
        ),
    )
    def k(ep_hbm, col_hbm, o_hbm, idxall, d0, d1,
          sr0, sr1, ss0, ss1, agg_sh):
        cid = lax.axis_index("core")
        sid = lax.axis_index("subcore")
        wid = sid * 2 + cid
        base = wid * per_tile
        dvs = (d0, d1)
        srs, sss = (sr0, sr1), (ss0, ss1)

        pltpu.sync_copy(col_hbm.at[pl.ds(base, per_tile)], idxall)

        @pl.loop(0, 128)
        def _(r):
            for c in range(0, d, 16):
                d0.at[pl.ds(r, 1), pl.ds(c, 16)][...] = jnp.zeros(
                    (1, 16), jnp.float32)

        @pl.loop(0, zfull)
        def _(j):
            pltpu.sync_copy(d0,
                            agg_sh.at[pl.ds(sid * rows_per_sub + j * 128, 128)])

        if zrem:
            pltpu.sync_copy(
                d0.at[pl.ds(0, zrem)],
                agg_sh.at[pl.ds(sid * rows_per_sub + zfull * 128, zrem)])

        plsc.subcore_barrier()

        def r_desc(kk, s):
            cc = jnp.minimum(base + kk, nreal - 1)
            off = pl.multiple_of(cc * 128, 128)
            return pltpu.make_async_copy(ep_hbm.at[pl.ds(off, 128)],
                                         dvs[s], srs[s])

        def s_desc(kk, s):
            return pltpu.make_async_copy(dvs[s],
                                         agg_sh.at[idxall.at[kk, 0]], sss[s])

        def issue_s(kk, s):
            pltpu.async_copy(dvs[s], agg_sh.at[idxall.at[kk, 0]], sss[s],
                             add=True)

        r_desc(0, 0).start()
        r_desc(0, 0).wait()
        r_desc(1, 1).start()
        issue_s(0, 0)

        @pl.loop(0, (per_tile - 2) // 2)
        def _(j):
            for b in range(2):
                kk = 1 + 2 * j + b
                s = (1 + b) % 2
                r_desc(kk, s).wait()
                s_desc(kk - 1, 1 - s).wait()
                r_desc(kk + 1, 1 - s).start()
                issue_s(kk, s)

        k2 = per_tile - 1
        r_desc(k2, k2 % 2).wait()
        s_desc(k2 - 1, 1 - k2 % 2).wait()
        issue_s(k2, k2 % 2)
        s_desc(k2, k2 % 2).wait()

        plsc.subcore_barrier()
        pltpu.sync_copy(agg_sh.at[pl.ds(sid * rows_per_sub, rows_per_sub)],
                        o_hbm.at[cid, pl.ds(sid * rows_per_sub, rows_per_sub)])

    return k(ep, col3p)


def _node_mlp(P0, P1, Vn0, batchr, Wn1b, Wn2, bn2r, g):
    n, d = Vn0.shape
    R = 1000
    grid = n // R

    def body(p0_ref, p1_ref, vn0_ref, b_ref, wn1b, wn2, bn2_,
             vp_ref, agge_ref, aggn_ref):
        i = pl.program_id(0)
        agg = p0_ref[...] + p1_ref[...]
        x = vn0_ref[...] + jnp.dot(agg, wn1b[...],
                                   preferred_element_type=jnp.float32)
        h = _swish(x)
        vp = _swish(jnp.dot(h, wn2[...], preferred_element_type=jnp.float32)
                    + bn2_[...])
        vp_ref[...] = vp
        oht = (lax.broadcasted_iota(jnp.int32, (g, 1), 0) == b_ref[0]
               ).astype(jnp.float32)
        de = jnp.dot(oht, agg, preferred_element_type=jnp.float32)
        dn = jnp.dot(oht, vp, preferred_element_type=jnp.float32)

        @pl.when(i == 0)
        def _():
            agge_ref[...] = de
            aggn_ref[...] = dn

        @pl.when(i != 0)
        def _():
            agge_ref[...] = agge_ref[...] + de
            aggn_ref[...] = aggn_ref[...] + dn

    return pl.pallas_call(
        body,
        grid=(grid,),
        in_specs=[
            pl.BlockSpec((R, d), lambda i: (i, 0)),
            pl.BlockSpec((R, d), lambda i: (i, 0)),
            pl.BlockSpec((R, 128), lambda i: (i, 0)),
            pl.BlockSpec((1, 1, R), lambda i: (i, 0, 0)),
            pl.BlockSpec((128, 128), lambda i: (0, 0)),
            pl.BlockSpec((128, 128), lambda i: (0, 0)),
            pl.BlockSpec((1, 128), lambda i: (0, 0)),
        ],
        out_specs=[
            pl.BlockSpec((R, 128), lambda i: (i, 0)),
            pl.BlockSpec((g, 128), lambda i: (0, 0)),
            pl.BlockSpec((g, 128), lambda i: (0, 0)),
        ],
        out_shape=[
            jax.ShapeDtypeStruct((n, 128), jnp.float32),
            jax.ShapeDtypeStruct((g, 128), jnp.float32),
            jax.ShapeDtypeStruct((g, 128), jnp.float32),
        ],
    )(P0, P1, Vn0, batchr, Wn1b, Wn2, bn2r)


def _global_mlp(u, aggE, aggN, Wg1a, Wg1b, Wg1c, bg1r, Wg2, bg2r):
    g, d = u.shape

    def body(u_ref, ae_ref, an_ref, wa, wb, wc, bg1_, wg2, bg2_, o_ref):
        x = (jnp.dot(u_ref[...], wa[...], preferred_element_type=jnp.float32)
             + jnp.dot(ae_ref[...], wb[...], preferred_element_type=jnp.float32)
             + jnp.dot(an_ref[...], wc[...], preferred_element_type=jnp.float32)
             + bg1_[...])
        h = _swish(x)
        o_ref[...] = _swish(jnp.dot(h, wg2[...],
                                    preferred_element_type=jnp.float32)
                            + bg2_[...])

    return pl.pallas_call(
        body,
        out_shape=jax.ShapeDtypeStruct((g, 128), jnp.float32),
    )(u, aggE, aggN, Wg1a, Wg1b, Wg1c, bg1r, Wg2, bg2r)


def kernel(v, e, u, edge_index, batch,
           We1, be1, We2, be2, Wn1, bn1, Wn2, bn2, Wg1, bg1, Wg2, bg2):
    n, d = v.shape
    m = e.shape[0]
    g = u.shape[0]

    row = edge_index[0]
    col = edge_index[1]
    nchunks = m // 128
    nchpad = ((nchunks + 31) // 32) * 32
    pad = nchpad - nchunks
    n_pad = ((n + 127) // 128) * 128
    pc0, pc1 = 61, 19
    rc = jnp.stack([row.reshape(nchunks, 128), col.reshape(nchunks, 128)],
                   axis=1)
    rcp = jnp.pad(rc, ((0, pad + max(pc0, pc1)), (0, 0), (0, 0)))
    col3p = jnp.pad(col.reshape(nchunks, 1, 128),
                    ((0, pad), (0, 0), (0, 0)),
                    constant_values=n)
    batchc = batch.reshape(n, 1)
    batchr = batch.reshape(n // 1000, 1, 1000)

    W1a, W1b, W1c, W1d = We1[0:d], We1[d:2 * d], We1[2 * d:3 * d], We1[3 * d:]
    Wn1a, Wn1b, Wn1c = Wn1[0:d], Wn1[d:d + 128], Wn1[d + 128:]
    Wg1a, Wg1b, Wg1c = Wg1[0:d], Wg1[d:d + 128], Wg1[d + 128:]

    be1r = be1.reshape(1, -1)
    be2r = be2.reshape(1, -1)
    bn1r = bn1.reshape(1, -1)
    bn2r = bn2.reshape(1, -1)
    bg1r = bg1.reshape(1, -1)
    bg2r = bg2.reshape(1, -1)

    A2, Bt, Vn0 = _prep_tables(v, u, batchc, W1a, W1b, W1d, Wn1a, Wn1c,
                               be1r, bn1r)
    GAB = _gather_pairsum(A2, Bt, rcp, nchpad, pc0, pc1)
    ep = _edge_mlp(GAB, e, W1c, We2, be2r)
    P = _scatter_partials(ep, col3p, n_pad)
    vp, aggE, aggN = _node_mlp(P[0], P[1], Vn0, batchr, Wn1b, Wn2, bn2r, g)
    up = _global_mlp(u, aggE, aggN, Wg1a, Wg1b, Wg1c, bg1r, Wg2, bg2r)
    return (vp, ep, up)

# --- scband reference (transcript-rebuilt; emitter-appended) ---
"""Pipeline reference for scband-gnlayer-63402307223699 (READ-ONLY COPY).

The authoritative reference and input builder live on the scoring server;
editing this copy changes nothing except your own understanding.
"""

import jax, jax.numpy as jnp
import numpy as np

N, E, G, D, K = 10000, 160000, 64, 128, 128

def swish(x):
    return x * jax.nn.sigmoid(x)

def _lin_init(key, fan_in, fan_out):
    k1, k2 = jax.random.split(key)
    bound = 1.0 / np.sqrt(fan_in)
    W = jax.random.uniform(k1, (fan_in, fan_out), jnp.float32, -bound, bound)
    b = jax.random.uniform(k2, (fan_out,), jnp.float32, -bound, bound)
    return W, b

def setup_inputs(seed: int = 0):
    key = jax.random.key(seed)
    ks = jax.random.split(key, 12)
    v = jax.random.normal(ks[0], (N, D), jnp.float32)
    e = jax.random.normal(ks[1], (E, D), jnp.float32)
    u = jax.random.normal(ks[2], (G, D), jnp.float32)
    edge_index = jax.random.randint(ks[3], (2, E), 0, N, jnp.int32)
    batch = jnp.sort(jax.random.randint(ks[4], (N,), 0, G, jnp.int32))
    # EdgeModel MLP: in = 2*D + D + D = 512
    We1, be1 = _lin_init(ks[5], 2 * D + D + D, K)
    We2, be2 = _lin_init(ks[6], K, K)
    # NodeModel MLP: in = D + K + D = 384
    Wn1, bn1 = _lin_init(ks[7], D + K + D, K)
    Wn2, bn2 = _lin_init(ks[8], K, K)
    # GlobalModel MLP: in = D + K + K = 384
    Wg1, bg1 = _lin_init(ks[9], D + K + K, K)
    Wg2, bg2 = _lin_init(ks[10], K, K)
    return {"v": v, "e": e, "u": u, "edge_index": edge_index, "batch": batch,
            "We1": We1, "be1": be1, "We2": We2, "be2": be2,
            "Wn1": Wn1, "bn1": bn1, "Wn2": Wn2, "bn2": bn2,
            "Wg1": Wg1, "bg1": bg1, "Wg2": Wg2, "bg2": bg2}

def reference(v, e, u, edge_index, batch,
              We1, be1, We2, be2, Wn1, bn1, Wn2, bn2, Wg1, bg1, Wg2, bg2):
    row = edge_index[0]
    col = edge_index[1]
    # EdgeModel: src=v[row], dest=v[col], edge_attr=e, u[batch[row]]
    edge_in = jnp.concatenate([v[row], v[col], e, u[batch[row]]], axis=1)
    ep = swish(swish(edge_in @ We1 + be1) @ We2 + be2)
    # NodeModel: scatter_add edge features to dst nodes
    agg_edges_node = jax.ops.segment_sum(ep, col, num_segments=v.shape[0])
    node_in = jnp.concatenate([v, agg_edges_node, u[batch]], axis=1)
    vp = swish(swish(node_in @ Wn1 + bn1) @ Wn2 + bn2)
    # GlobalModel: aggregates updated edges and updated nodes per graph
    agg_edges_glob = jax.ops.segment_sum(ep, batch[col], num_segments=u.shape[0])
    agg_nodes_glob = jax.ops.segment_sum(vp, batch, num_segments=u.shape[0])
    glob_in = jnp.concatenate([u, agg_edges_glob, agg_nodes_glob], axis=1)
    up = swish(swish(glob_in @ Wg1 + bg1) @ Wg2 + bg2)
    return (vp, ep, up)

if __name__ == "__main__":
    import jax
    _d = setup_inputs()
    print(jax.jit(kernel)(*tuple(_d.values())))

</pallas_src>

<mosaic_0001>
#map = affine_map<(d0, d1) -> (0, 0)>
#map1 = affine_map<(d0, d1) -> (0, 0, 0)>
module attributes {stable_mosaic.version = 14 : i64} {
  func.func @k(%arg0: i32, %arg1: i32, %arg2: memref<160000x128xf32, #tpu.memory_space<hbm>>, %arg3: memref<1280x1x128xi32, #tpu.memory_space<hbm>>, %arg4: memref<2x10112x128xf32, #tpu.memory_space<hbm>>, %arg5: memref<40x1x128xi32, #tpu.memory_space<vmem>>, %arg6: memref<128x128xf32, #tpu.memory_space<vmem>>, %arg7: memref<128x128xf32, #tpu.memory_space<vmem>>, %arg8: memref<!tpu.dma_semaphore, #tpu.memory_space<semaphore_mem>>, %arg9: memref<!tpu.dma_semaphore, #tpu.memory_space<semaphore_mem>>, %arg10: memref<!tpu.dma_semaphore, #tpu.memory_space<semaphore_mem>>, %arg11: memref<!tpu.dma_semaphore, #tpu.memory_space<semaphore_mem>>, %arg12: memref<10112x128xf32, #tpu.memory_space<vmem_shared>>) attributes {dimension_semantics = [#tpu.dimension_semantics<core_parallel>, #tpu.dimension_semantics<subcore_parallel>], iteration_bounds = array<i64: 2, 16>, scalar_prefetch = 0 : i64, scratch_operands = 8 : i64, tpu.core_type = #tpu.core_type<sc_vector_subcore>, window_params = [{transform_indices = #map}, {transform_indices = #map1}, {transform_indices = #map1}]} {
    %mul3A = arith.constant 2 : i32
    %mul3A_0 = arith.muli %arg1, %mul3A : i32
    %add3A = arith.addi %mul3A_0, %arg0 : i32
    %mul3A_1 = arith.constant 40 : i32
    %mul3A_2 = arith.muli %add3A, %mul3A_1 : i32
    "tpu.region"() ({
      %run_scoped3A = tpu.sem_alloc : memref<!tpu.dma_semaphore, #tpu.memory_space<semaphore_mem>>
      %dma_start3A_98 = arith.constant 0 : i32
      %dma_start3A_99 = arith.constant 0 : i32
      %dma_start3A_100 = tpu.memref_slice %arg3[%mul3A_2, %dma_start3A_98, %dma_start3A_99] : memref<1280x1x128xi32, #tpu.memory_space<hbm>> -> memref<40x1x128xi32, #tpu.memory_space<hbm>>
      %dma_start3A_101 = arith.constant 0 : i32
      %dma_start3A_102 = arith.constant 0 : i32
      %dma_start3A_103 = tpu.memref_slice %arg3[%mul3A_2, %dma_start3A_101, %dma_start3A_102] : memref<1280x1x128xi32, #tpu.memory_space<hbm>> -> memref<40x1x128xi32, #tpu.memory_space<hbm>>
      tpu.enqueue_dma source(%dma_start3A_103 : memref<40x1x128xi32, #tpu.memory_space<hbm>>) target(%arg5 : memref<40x1x128xi32, #tpu.memory_space<vmem>>) target_semaphore(%run_scoped3A : memref<!tpu.dma_semaphore, #tpu.memory_space<semaphore_mem>>)
      %dma_wait3A_104 = arith.constant 0 : i32
      %dma_wait3A_105 = arith.constant 0 : i32
      %dma_wait3A_106 = tpu.memref_slice %arg3[%mul3A_2, %dma_wait3A_104, %dma_wait3A_105] : memref<1280x1x128xi32, #tpu.memory_space<hbm>> -> memref<40x1x128xi32, #tpu.memory_space<hbm>>
      %dma_wait3A_107 = arith.constant 0 : i32
      %dma_wait3A_108 = arith.constant 0 : i32
      %dma_wait3A_109 = tpu.memref_slice %arg3[%mul3A_2, %dma_wait3A_107, %dma_wait3A_108] : memref<1280x1x128xi32, #tpu.memory_space<hbm>> -> memref<40x1x128xi32, #tpu.memory_space<hbm>>
      tpu.wait_dma2 semaphore(%run_scoped3A : memref<!tpu.dma_semaphore, #tpu.memory_space<semaphore_mem>>) src(%dma_wait3A_109 : memref<40x1x128xi32, #tpu.memory_space<hbm>>) dst(%arg5 : memref<40x1x128xi32, #tpu.memory_space<vmem>>)
      tpu.yield
    }) : () -> ()
    %scan3A = arith.constant 0 : i32
    %scan3A_3 = arith.constant 128 : i32
    %scan3A_4 = arith.addi %scan3A, %scan3A_3 : i32
    %scan3A_5 = arith.constant 1 : i32
    scf.for %scan3A_98 = %scan3A to %scan3A_4 step %scan3A_5  : i32 {
      %mul3A_99 = arith.constant 1 : i32
      %mul3A_100 = arith.muli %scan3A_98, %mul3A_99 : i32
      %add3A_101 = arith.constant 0 : i32
      %add3A_102 = arith.addi %add3A_101, %mul3A_100 : i32
      %broadcast_in_dim3A = arith.constant 0.000000e+00 : f32
      %broadcast_in_dim3A_103 = vector.broadcast %broadcast_in_dim3A : f32 to vector<1x16xf32>
      %swap3A = arith.index_cast %add3A_102 : i32 to index
      %swap3A_104 = arith.constant 0 : index
      %swap3A_105 = tpu.vector_load %arg6[%swap3A, %swap3A_104] {strides = array<i32>} : memref<128x128xf32, #tpu.memory_space<vmem>>, vector<1x16xf32>,
      %swap3A_106 = vector.shape_cast %swap3A_105 : vector<1x16xf32> to vector<1x16xf32>
      %swap3A_107 = vector.shape_cast %broadcast_in_dim3A_103 : vector<1x16xf32> to vector<1x16xf32>
      tpu.vector_store %arg6[%swap3A, %swap3A_104], %swap3A_107 {strides = array<i32>} : memref<128x128xf32, #tpu.memory_space<vmem>>, vector<1x16xf32>,
      %broadcast_in_dim3A_108 = arith.constant 0.000000e+00 : f32
      %broadcast_in_dim3A_109 = vector.broadcast %broadcast_in_dim3A_108 : f32 to vector<1x16xf32>
      %swap3A_110 = arith.index_cast %add3A_102 : i32 to index
      %swap3A_111 = arith.constant 16 : index
      %swap3A_112 = tpu.vector_load %arg6[%swap3A_110, %swap3A_111] {strides = array<i32>} : memref<128x128xf32, #tpu.memory_space<vmem>>, vector<1x16xf32>,
      %swap3A_113 = vector.shape_cast %swap3A_112 : vector<1x16xf32> to vector<1x16xf32>
      %swap3A_114 = vector.shape_cast %broadcast_in_dim3A_109 : vector<1x16xf32> to vector<1x16xf32>
      tpu.vector_store %arg6[%swap3A_110, %swap3A_111], %swap3A_114 {strides = array<i32>} : memref<128x128xf32, #tpu.memory_space<vmem>>, vector<1x16xf32>,
      %broadcast_in_dim3A_115 = arith.constant 0.000000e+00 : f32
      %broadcast_in_dim3A_116 = vector.broadcast %broadcast_in_dim3A_115 : f32 to vector<1x16xf32>
      %swap3A_117 = arith.index_cast %add3A_102 : i32 to index
      %swap3A_118 = arith.constant 32 : index
      %swap3A_119 = tpu.vector_load %arg6[%swap3A_117, %swap3A_118] {strides = array<i32>} : memref<128x128xf32, #tpu.memory_space<vmem>>, vector<1x16xf32>,
      %swap3A_120 = vector.shape_cast %swap3A_119 : vector<1x16xf32> to vector<1x16xf32>
      %swap3A_121 = vector.shape_cast %broadcast_in_dim3A_116 : vector<1x16xf32> to vector<1x16xf32>
      tpu.vector_store %arg6[%swap3A_117, %swap3A_118], %swap3A_121 {strides = array<i32>} : memref<128x128xf32, #tpu.memory_space<vmem>>, vector<1x16xf32>,
      %broadcast_in_dim3A_122 = arith.constant 0.000000e+00 : f32
      %broadcast_in_dim3A_123 = vector.broadcast %broadcast_in_dim3A_122 : f32 to vector<1x16xf32>
      %swap3A_124 = arith.index_cast %add3A_102 : i32 to index
      %swap3A_125 = arith.constant 48 : index
      %swap3A_126 = tpu.vector_load %arg6[%swap3A_124, %swap3A_125] {strides = array<i32>} : memref<128x128xf32, #tpu.memory_space<vmem>>, vector<1x16xf32>,
      %swap3A_127 = vector.shape_cast %swap3A_126 : vector<1x16xf32> to vector<1x16xf32>
      %swap3A_128 = vector.shape_cast %broadcast_in_dim3A_123 : vector<1x16xf32> to vector<1x16xf32>
      tpu.vector_store %arg6[%swap3A_124, %swap3A_125], %swap3A_128 {strides = array<i32>} : memref<128x128xf32, #tpu.memory_space<vmem>>, vector<1x16xf32>,
      %broadcast_in_dim3A_129 = arith.constant 0.000000e+00 : f32
      %broadcast_in_dim3A_130 = vector.broadcast %broadcast_in_dim3A_129 : f32 to vector<1x16xf32>
      %swap3A_131 = arith.index_cast %add3A_102 : i32 to index
      %swap3A_132 = arith.constant 64 : index
      %swap3A_133 = tpu.vector_load %arg6[%swap3A_131, %swap3A_132] {strides = array<i32>} : memref<128x128xf32, #tpu.memory_space<vmem>>, vector<1x16xf32>,
      %swap3A_134 = vector.shape_cast %swap3A_133 : vector<1x16xf32> to vector<1x16xf32>
      %swap3A_135 = vector.shape_cast %broadcast_in_dim3A_130 : vector<1x16xf32> to vector<1x16xf32>
      tpu.vector_store %arg6[%swap3A_131, %swap3A_132], %swap3A_135 {strides = array<i32>} : memref<128x128xf32, #tpu.memory_space<vmem>>, vector<1x16xf32>,
      %broadcast_in_dim3A_136 = arith.constant 0.000000e+00 : f32
      %broadcast_in_dim3A_137 = vector.broadcast %broadcast_in_dim3A_136 : f32 to vector<1x16xf32>
      %swap3A_138 = arith.index_cast %add3A_102 : i32 to index
      %swap3A_139 = arith.constant 80 : index
      %swap3A_140 = tpu.vector_load %arg6[%swap3A_138, %swap3A_139] {strides = array<i32>} : memref<128x128xf32, #tpu.memory_space<vmem>>, vector<1x16xf32>,
      %swap3A_141 = vector.shape_cast %swap3A_140 : vector<1x16xf32> to vector<1x16xf32>
      %swap3A_142 = vector.shape_cast %broadcast_in_dim3A_137 : vector<1x16xf32> to vector<1x16xf32>
      tpu.vector_store %arg6[%swap3A_138, %swap3A_139], %swap3A_142 {strides = array<i32>} : memref<128x128xf32, #tpu.memory_space<vmem>>, vector<1x16xf32>,
      %broadcast_in_dim3A_143 = arith.constant 0.000000e+00 : f32
      %broadcast_in_dim3A_144 = vector.broadcast %broadcast_in_dim3A_143 : f32 to vector<1x16xf32>
      %swap3A_145 = arith.index_cast %add3A_102 : i32 to index
      %swap3A_146 = arith.constant 96 : index
      %swap3A_147 = tpu.vector_load %arg6[%swap3A_145, %swap3A_146] {strides = array<i32>} : memref<128x128xf32, #tpu.memory_space<vmem>>, vector<1x16xf32>,
      %swap3A_148 = vector.shape_cast %swap3A_147 : vector<1x16xf32> to vector<1x16xf32>
      %swap3A_149 = vector.shape_cast %broadcast_in_dim3A_144 : vector<1x16xf32> to vector<1x16xf32>
      tpu.vector_store %arg6[%swap3A_145, %swap3A_146], %swap3A_149 {strides = array<i32>} : memref<128x128xf32, #tpu.memory_space<vmem>>, vector<1x16xf32>,
      %broadcast_in_dim3A_150 = arith.constant 0.000000e+00 : f32
      %broadcast_in_dim3A_151 = vector.broadcast %broadcast_in_dim3A_150 : f32 to vector<1x16xf32>
      %swap3A_152 = arith.index_cast %add3A_102 : i32 to index
      %swap3A_153 = arith.constant 112 : index
      %swap3A_154 = tpu.vector_load %arg6[%swap3A_152, %swap3A_153] {strides = array<i32>} : memref<128x128xf32, #tpu.memory_space<vmem>>, vector<1x16xf32>,
      %swap3A_155 = vector.shape_cast %swap3A_154 : vector<1x16xf32> to vector<1x16xf32>
      %swap3A_156 = vector.shape_cast %broadcast_in_dim3A_151 : vector<1x16xf32> to vector<1x16xf32>
      tpu.vector_store %arg6[%swap3A_152, %swap3A_153], %swap3A_156 {strides = array<i32>} : memref<128x128xf32, #tpu.memory_space<vmem>>, vector<1x16xf32>,
    }
    %scan3A_6 = arith.constant 128 : i32
    %scan3A_7 = arith.constant 0 : i32
    %scan3A_8 = arith.constant 4 : i32
    %scan3A_9 = arith.addi %scan3A_7, %scan3A_8 : i32
    %scan3A_10 = arith.constant 1 : i32
    scf.for %scan3A_98 = %scan3A_7 to %scan3A_9 step %scan3A_10  : i32 {
      %mul3A_99 = arith.constant 1 : i32
      %mul3A_100 = arith.muli %scan3A_98, %mul3A_99 : i32
      %add3A_101 = arith.constant 0 : i32
      %add3A_102 = arith.addi %add3A_101, %mul3A_100 : i32
      %mul3A_103 = arith.constant 632 : i32
      %mul3A_104 = arith.muli %arg1, %mul3A_103 : i32
      %mul3A_105 = arith.constant 128 : i32
      %mul3A_106 = arith.muli %add3A_102, %mul3A_105 : i32
      %add3A_107 = arith.addi %mul3A_104, %mul3A_106 : i32
      "tpu.region"() ({
        %run_scoped3A = tpu.sem_alloc : memref<!tpu.dma_semaphore, #tpu.memory_space<semaphore_mem>>
        %dma_start3A_108 = arith.constant 0 : i32
        %dma_start3A_109 = tpu.memref_slice %arg12[%add3A_107, %dma_start3A_108] : memref<10112x128xf32, #tpu.memory_space<vmem_shared>> -> memref<128x128xf32, #tpu.memory_space<vmem_shared>>
        %dma_start3A_110 = arith.constant 0 : i32
        %dma_start3A_111 = tpu.memref_slice %arg12[%add3A_107, %dma_start3A_110] : memref<10112x128xf32, #tpu.memory_space<vmem_shared>> -> memref<128x128xf32, #tpu.memory_space<vmem_shared>>
        tpu.enqueue_dma source(%arg6 : memref<128x128xf32, #tpu.memory_space<vmem>>) target(%dma_start3A_111 : memref<128x128xf32, #tpu.memory_space<vmem_shared>>) target_semaphore(%run_scoped3A : memref<!tpu.dma_semaphore, #tpu.memory_space<semaphore_mem>>)
        %dma_wait3A_112 = arith.constant 0 : i32
        %dma_wait3A_113 = tpu.memref_slice %arg12[%add3A_107, %dma_wait3A_112] : memref<10112x128xf32, #tpu.memory_space<vmem_shared>> -> memref<128x128xf32, #tpu.memory_space<vmem_shared>>
        %dma_wait3A_114 = arith.constant 0 : i32
        %dma_wait3A_115 = tpu.memref_slice %arg12[%add3A_107, %dma_wait3A_114] : memref<10112x128xf32, #tpu.memory_space<vmem_shared>> -> memref<128x128xf32, #tpu.memory_space<vmem_shared>>
        tpu.wait_dma2 semaphore(%run_scoped3A : memref<!tpu.dma_semaphore, #tpu.memory_space<semaphore_mem>>) src(%arg6 : memref<128x128xf32, #tpu.memory_space<vmem>>) dst(%dma_wait3A_115 : memref<128x128xf32, #tpu.memory_space<vmem_shared>>)
        tpu.yield
      }) : () -> ()
    }
    %scan3A_11 = arith.constant 4 : i32
    %mul3A_12 = arith.constant 632 : i32
    %mul3A_13 = arith.muli %arg1, %mul3A_12 : i32
    %add3A_14 = arith.constant 512 : i32
    %add3A_15 = arith.addi %mul3A_13, %add3A_14 : i32
    "tpu.region"() ({
      %run_scoped3A = tpu.sem_alloc : memref<!tpu.dma_semaphore, #tpu.memory_space<semaphore_mem>>
      %dma_start3A_98 = arith.constant 0 : i32
      %dma_start3A_99 = arith.constant 0 : i32
      %dma_start3A_100 = tpu.memref_slice %arg6[%dma_start3A_98, %dma_start3A_99] : memref<128x128xf32, #tpu.memory_space<vmem>> -> memref<120x128xf32, #tpu.memory_space<vmem>>
      %dma_start3A_101 = arith.constant 0 : i32
      %dma_start3A_102 = tpu.memref_slice %arg12[%add3A_15, %dma_start3A_101] : memref<10112x128xf32, #tpu.memory_space<vmem_shared>> -> memref<120x128xf32, #tpu.memory_space<vmem_shared>>
      %dma_start3A_103 = arith.constant 0 : i32
      %dma_start3A_104 = tpu.memref_slice %arg12[%add3A_15, %dma_start3A_103] : memref<10112x128xf32, #tpu.memory_space<vmem_shared>> -> memref<120x128xf32, #tpu.memory_space<vmem_shared>>
      %dma_start3A_105 = arith.constant 0 : i32
      %dma_start3A_106 = arith.constant 0 : i32
      %dma_start3A_107 = tpu.memref_slice %arg6[%dma_start3A_105, %dma_start3A_106] : memref<128x128xf32, #tpu.memory_space<vmem>> -> memref<120x128xf32, #tpu.memory_space<vmem>>
      tpu.enqueue_dma source(%dma_start3A_107 : memref<120x128xf32, #tpu.memory_space<vmem>>) target(%dma_start3A_104 : memref<120x128xf32, #tpu.memory_space<vmem_shared>>) target_semaphore(%run_scoped3A : memref<!tpu.dma_semaphore, #tpu.memory_space<semaphore_mem>>)
      %dma_wait3A_108 = arith.constant 0 : i32
      %dma_wait3A_109 = arith.constant 0 : i32
      %dma_wait3A_110 = tpu.memref_slice %arg6[%dma_wait3A_108, %dma_wait3A_109] : memref<128x128xf32, #tpu.memory_space<vmem>> -> memref<120x128xf32, #tpu.memory_space<vmem>>
      %dma_wait3A_111 = arith.constant 0 : i32
      %dma_wait3A_112 = tpu.memref_slice %arg12[%add3A_15, %dma_wait3A_111] : memref<10112x128xf32, #tpu.memory_space<vmem_shared>> -> memref<120x128xf32, #tpu.memory_space<vmem_shared>>
      %dma_wait3A_113 = arith.constant 0 : i32
      %dma_wait3A_114 = tpu.memref_slice %arg12[%add3A_15, %dma_wait3A_113] : memref<10112x128xf32, #tpu.memory_space<vmem_shared>> -> memref<120x128xf32, #tpu.memory_space<vmem_shared>>
      %dma_wait3A_115 = arith.constant 0 : i32
      %dma_wait3A_116 = arith.constant 0 : i32
      %dma_wait3A_117 = tpu.memref_slice %arg6[%dma_wait3A_115, %dma_wait3A_116] : memref<128x128xf32, #tpu.memory_space<vmem>> -> memref<120x128xf32, #tpu.memory_space<vmem>>
      tpu.wait_dma2 semaphore(%run_scoped3A : memref<!tpu.dma_semaphore, #tpu.memory_space<semaphore_mem>>) src(%dma_wait3A_117 : memref<120x128xf32, #tpu.memory_space<vmem>>) dst(%dma_wait3A_114 : memref<120x128xf32, #tpu.memory_space<vmem_shared>>)
      tpu.yield
    }) : () -> ()
    %barrier3A = arith.constant 0 : index
    tpu.barrier barrier_id(%barrier3A)
    %add3A_16 = arith.constant 0 : i32
    %add3A_17 = arith.addi %mul3A_2, %add3A_16 : i32
    %min3A = arith.constant 1249 : i32
    %min3A_18 = arith.minsi %add3A_17, %min3A : i32
    %mul3A_19 = arith.constant 128 : i32
    %mul3A_20 = arith.muli %min3A_18, %mul3A_19 : i32
    %multiple_of3A = tpu.assume_multiple %mul3A_20, 128 : i32
    %dma_start3A = arith.constant 0 : i32
    %dma_start3A_21 = tpu.memref_slice %arg2[%multiple_of3A, %dma_start3A] : memref<160000x128xf32, #tpu.memory_space<hbm>> -> memref<128x128xf32, #tpu.memory_space<hbm>>
    %dma_start3A_22 = arith.constant 0 : i32
    %dma_start3A_23 = tpu.memref_slice %arg2[%multiple_of3A, %dma_start3A_22] : memref<160000x128xf32, #tpu.memory_space<hbm>> -> memref<128x128xf32, #tpu.memory_space<hbm>>
    tpu.enqueue_dma source(%dma_start3A_23 : memref<128x128xf32, #tpu.memory_space<hbm>>) target(%arg6 : memref<128x128xf32, #tpu.memory_space<vmem>>) target_semaphore(%arg8 : memref<!tpu.dma_semaphore, #tpu.memory_space<semaphore_mem>>)
    %add3A_24 = arith.constant 0 : i32
    %add3A_25 = arith.addi %mul3A_2, %add3A_24 : i32
    %min3A_26 = arith.constant 1249 : i32
    %min3A_27 = arith.minsi %add3A_25, %min3A_26 : i32
    %mul3A_28 = arith.constant 128 : i32
    %mul3A_29 = arith.muli %min3A_27, %mul3A_28 : i32
    %multiple_of3A_30 = tpu.assume_multiple %mul3A_29, 128 : i32
    %dma_wait3A = arith.constant 0 : i32
    %dma_wait3A_31 = tpu.memref_slice %arg2[%multiple_of3A_30, %dma_wait3A] : memref<160000x128xf32, #tpu.memory_space<hbm>> -> memref<128x128xf32, #tpu.memory_space<hbm>>
    %dma_wait3A_32 = arith.constant 0 : i32
    %dma_wait3A_33 = tpu.memref_slice %arg2[%multiple_of3A_30, %dma_wait3A_32] : memref<160000x128xf32, #tpu.memory_space<hbm>> -> memref<128x128xf32, #tpu.memory_space<hbm>>
    tpu.wait_dma2 semaphore(%arg8 : memref<!tpu.dma_semaphore, #tpu.memory_space<semaphore_mem>>) src(%dma_wait3A_33 : memref<128x128xf32, #tpu.memory_space<hbm>>) dst(%arg6 : memref<128x128xf32, #tpu.memory_space<vmem>>)
    %add3A_34 = arith.constant 1 : i32
    %add3A_35 = arith.addi %mul3A_2, %add3A_34 : i32
    %min3A_36 = arith.constant 1249 : i32
    %min3A_37 = arith.minsi %add3A_35, %min3A_36 : i32
    %mul3A_38 = arith.constant 128 : i32
    %mul3A_39 = arith.muli %min3A_37, %mul3A_38 : i32
    %multiple_of3A_40 = tpu.assume_multiple %mul3A_39, 128 : i32
    %dma_start3A_41 = arith.constant 0 : i32
    %dma_start3A_42 = tpu.memref_slice %arg2[%multiple_of3A_40, %dma_start3A_41] : memref<160000x128xf32, #tpu.memory_space<hbm>> -> memref<128x128xf32, #tpu.memory_space<hbm>>
    %dma_start3A_43 = arith.constant 0 : i32
    %dma_start3A_44 = tpu.memref_slice %arg2[%multiple_of3A_40, %dma_start3A_43] : memref<160000x128xf32, #tpu.memory_space<hbm>> -> memref<128x128xf32, #tpu.memory_space<hbm>>
    tpu.enqueue_dma source(%dma_start3A_44 : memref<128x128xf32, #tpu.memory_space<hbm>>) target(%arg7 : memref<128x128xf32, #tpu.memory_space<vmem>>) target_semaphore(%arg9 : memref<!tpu.dma_semaphore, #tpu.memory_space<semaphore_mem>>)
    %dma_start3A_45 = arith.constant 0 : i32
    %dma_start3A_46 = arith.constant 0 : i32
    %dma_start3A_47 = arith.constant 0 : i32
    %dma_start3A_48 = tpu.memref_slice %arg5[%dma_start3A_45, %dma_start3A_46, %dma_start3A_47] : memref<40x1x128xi32, #tpu.memory_space<vmem>> -> memref<1x1x128xi32, #tpu.memory_space<vmem>>
    %dma_start3A_49 = tpu.memref_squeeze %dma_start3A_48 : memref<1x1x128xi32, #tpu.memory_space<vmem>> -> memref<128xi32, #tpu.memory_space<vmem>>
    %dma_start3A_50 = arith.constant 0 : i32
    %dma_start3A_51 = arith.constant 0 : i32
    %dma_start3A_52 = tpu.memref_slice %arg12[%dma_start3A_50, %dma_start3A_51] : memref<10112x128xf32, #tpu.memory_space<vmem_shared>> -> memref<10112x128xf32, #tpu.memory_space<vmem_shared>>
    tpu.enqueue_indirect_dma source(%arg6 : memref<128x128xf32, #tpu.memory_space<vmem>>) target(%dma_start3A_52 : memref<10112x128xf32, #tpu.memory_space<vmem_shared>>) offsets(%dma_start3A_49 : memref<128xi32, #tpu.memory_space<vmem>>) semaphore(%arg10 : memref<!tpu.dma_semaphore, #tpu.memory_space<semaphore_mem>>) {add = true}
    %scan3A_53 = arith.constant 0 : i32
    %scan3A_54 = arith.constant 19 : i32
    %scan3A_55 = arith.addi %scan3A_53, %scan3A_54 : i32
    %scan3A_56 = arith.constant 1 : i32
    scf.for %scan3A_98 = %scan3A_53 to %scan3A_55 step %scan3A_56  : i32 {
      %mul3A_99 = arith.constant 1 : i32
      %mul3A_100 = arith.muli %scan3A_98, %mul3A_99 : i32
      %add3A_101 = arith.constant 0 : i32
      %add3A_102 = arith.addi %add3A_101, %mul3A_100 : i32
      %mul3A_103 = arith.constant 2 : i32
      %mul3A_104 = arith.muli %mul3A_103, %add3A_102 : i32
      %add3A_105 = arith.constant 1 : i32
      %add3A_106 = arith.addi %add3A_105, %mul3A_104 : i32
      %add3A_107 = arith.constant 0 : i32
      %add3A_108 = arith.addi %add3A_106, %add3A_107 : i32
      %add3A_109 = arith.addi %mul3A_2, %add3A_108 : i32
      %min3A_110 = arith.constant 1249 : i32
      %min3A_111 = arith.minsi %add3A_109, %min3A_110 : i32
      %mul3A_112 = arith.constant 128 : i32
      %mul3A_113 = arith.muli %min3A_111, %mul3A_112 : i32
      %multiple_of3A_114 = tpu.assume_multiple %mul3A_113, 128 : i32
      %dma_wait3A_115 = arith.constant 0 : i32
      %dma_wait3A_116 = tpu.memref_slice %arg2[%multiple_of3A_114, %dma_wait3A_115] : memref<160000x128xf32, #tpu.memory_space<hbm>> -> memref<128x128xf32, #tpu.memory_space<hbm>>
      %dma_wait3A_117 = arith.constant 0 : i32
      %dma_wait3A_118 = tpu.memref_slice %arg2[%multiple_of3A_114, %dma_wait3A_117] : memref<160000x128xf32, #tpu.memory_space<hbm>> -> memref<128x128xf32, #tpu.memory_space<hbm>>
      tpu.wait_dma2 semaphore(%arg9 : memref<!tpu.dma_semaphore, #tpu.memory_space<semaphore_mem>>) src(%dma_wait3A_118 : memref<128x128xf32, #tpu.memory_space<hbm>>) dst(%arg7 : memref<128x128xf32, #tpu.memory_space<vmem>>)
      %sub3A = arith.constant 1 : i32
      %sub3A_119 = arith.subi %add3A_108, %sub3A : i32
      %dma_wait3A_120 = arith.constant 0 : i32
      %dma_wait3A_121 = arith.constant 0 : i32
      %dma_wait3A_122 = tpu.memref_slice %arg5[%sub3A_119, %dma_wait3A_120, %dma_wait3A_121] : memref<40x1x128xi32, #tpu.memory_space<vmem>> -> memref<1x1x128xi32, #tpu.memory_space<vmem>>
      %dma_wait3A_123 = tpu.memref_squeeze %dma_wait3A_122 : memref<1x1x128xi32, #tpu.memory_space<vmem>> -> memref<128xi32, #tpu.memory_space<vmem>>
      %dma_wait3A_124 = arith.constant 0 : i32
      %dma_wait3A_125 = arith.constant 0 : i32
      %dma_wait3A_126 = tpu.memref_slice %arg12[%dma_wait3A_124, %dma_wait3A_125] : memref<10112x128xf32, #tpu.memory_space<vmem_shared>> -> memref<10112x128xf32, #tpu.memory_space<vmem_shared>>
      tpu.wait_indirect_dma semaphore(%arg10 : memref<!tpu.dma_semaphore, #tpu.memory_space<semaphore_mem>>) src(%arg6 : memref<128x128xf32, #tpu.memory_space<vmem>>) dst(%dma_wait3A_126 : memref<10112x128xf32, #tpu.memory_space<vmem_shared>>)
      %add3A_127 = arith.constant 1 : i32
      %add3A_128 = arith.addi %add3A_108, %add3A_127 : i32
      %add3A_129 = arith.addi %mul3A_2, %add3A_128 : i32
      %min3A_130 = arith.constant 1249 : i32
      %min3A_131 = arith.minsi %add3A_129, %min3A_130 : i32
      %mul3A_132 = arith.constant 128 : i32
      %mul3A_133 = arith.muli %min3A_131, %mul3A_132 : i32
      %multiple_of3A_134 = tpu.assume_multiple %mul3A_133, 128 : i32
      %dma_start3A_135 = arith.constant 0 : i32
      %dma_start3A_136 = tpu.memref_slice %arg2[%multiple_of3A_134, %dma_start3A_135] : memref<160000x128xf32, #tpu.memory_space<hbm>> -> memref<128x128xf32, #tpu.memory_space<hbm>>
      %dma_start3A_137 = arith.constant 0 : i32
      %dma_start3A_138 = tpu.memref_slice %arg2[%multiple_of3A_134, %dma_start3A_137] : memref<160000x128xf32, #tpu.memory_space<hbm>> -> memref<128x128xf32, #tpu.memory_space<hbm>>
      tpu.enqueue_dma source(%dma_start3A_138 : memref<128x128xf32, #tpu.memory_space<hbm>>) target(%arg6 : memref<128x128xf32, #tpu.memory_space<vmem>>) target_semaphore(%arg8 : memref<!tpu.dma_semaphore, #tpu.memory_space<semaphore_mem>>)
      %dma_start3A_139 = arith.constant 0 : i32
      %dma_start3A_140 = arith.constant 0 : i32
      %dma_start3A_141 = tpu.memref_slice %arg5[%add3A_108, %dma_start3A_139, %dma_start3A_140] : memref<40x1x128xi32, #tpu.memory_space<vmem>> -> memref<1x1x128xi32, #tpu.memory_space<vmem>>
      %dma_start3A_142 = tpu.memref_squeeze %dma_start3A_141 : memref<1x1x128xi32, #tpu.memory_space<vmem>> -> memref<128xi32, #tpu.memory_space<vmem>>
      %dma_start3A_143 = arith.constant 0 : i32
      %dma_start3A_144 = arith.constant 0 : i32
      %dma_start3A_145 = tpu.memref_slice %arg12[%dma_start3A_143, %dma_start3A_144] : memref<10112x128xf32, #tpu.memory_space<vmem_shared>> -> memref<10112x128xf32, #tpu.memory_space<vmem_shared>>
      tpu.enqueue_indirect_dma source(%arg7 : memref<128x128xf32, #tpu.memory_space<vmem>>) target(%dma_start3A_145 : memref<10112x128xf32, #tpu.memory_space<vmem_shared>>) offsets(%dma_start3A_142 : memref<128xi32, #tpu.memory_space<vmem>>) semaphore(%arg11 : memref<!tpu.dma_semaphore, #tpu.memory_space<semaphore_mem>>) {add = true}
      %mul3A_146 = arith.constant 2 : i32
      %mul3A_147 = arith.muli %mul3A_146, %add3A_102 : i32
      %add3A_148 = arith.constant 1 : i32
      %add3A_149 = arith.addi %add3A_148, %mul3A_147 : i32
      %add3A_150 = arith.constant 1 : i32
      %add3A_151 = arith.addi %add3A_149, %add3A_150 : i32
      %add3A_152 = arith.addi %mul3A_2, %add3A_151 : i32
      %min3A_153 = arith.constant 1249 : i32
      %min3A_154 = arith.minsi %add3A_152, %min3A_153 : i32
      %mul3A_155 = arith.constant 128 : i32
      %mul3A_156 = arith.muli %min3A_154, %mul3A_155 : i32
      %multiple_of3A_157 = tpu.assume_multiple %mul3A_156, 128 : i32
      %dma_wait3A_158 = arith.constant 0 : i32
      %dma_wait3A_159 = tpu.memref_slice %arg2[%multiple_of3A_157, %dma_wait3A_158] : memref<160000x128xf32, #tpu.memory_space<hbm>> -> memref<128x128xf32, #tpu.memory_space<hbm>>
      %dma_wait3A_160 = arith.constant 0 : i32
      %dma_wait3A_161 = tpu.memref_slice %arg2[%multiple_of3A_157, %dma_wait3A_160] : memref<160000x128xf32, #tpu.memory_space<hbm>> -> memref<128x128xf32, #tpu.memory_space<hbm>>
      tpu.wait_dma2 semaphore(%arg8 : memref<!tpu.dma_semaphore, #tpu.memory_space<semaphore_mem>>) src(%dma_wait3A_161 : memref<128x128xf32, #tpu.memory_space<hbm>>) dst(%arg6 : memref<128x128xf32, #tpu.memory_space<vmem>>)
      %sub3A_162 = arith.constant 1 : i32
      %sub3A_163 = arith.subi %add3A_151, %sub3A_162 : i32
      %dma_wait3A_164 = arith.constant 0 : i32
      %dma_wait3A_165 = arith.constant 0 : i32
      %dma_wait3A_166 = tpu.memref_slice %arg5[%sub3A_163, %dma_wait3A_164, %dma_wait3A_165] : memref<40x1x128xi32, #tpu.memory_space<vmem>> -> memref<1x1x128xi32, #tpu.memory_space<vmem>>
      %dma_wait3A_167 = tpu.memref_squeeze %dma_wait3A_166 : memref<1x1x128xi32, #tpu.memory_space<vmem>> -> memref<128xi32, #tpu.memory_space<vmem>>
      %dma_wait3A_168 = arith.constant 0 : i32
      %dma_wait3A_169 = arith.constant 0 : i32
      %dma_wait3A_170 = tpu.memref_slice %arg12[%dma_wait3A_168, %dma_wait3A_169] : memref<10112x128xf32, #tpu.memory_space<vmem_shared>> -> memref<10112x128xf32, #tpu.memory_space<vmem_shared>>
      tpu.wait_indirect_dma semaphore(%arg11 : memref<!tpu.dma_semaphore, #tpu.memory_space<semaphore_mem>>) src(%arg7 : memref<128x128xf32, #tpu.memory_space<vmem>>) dst(%dma_wait3A_170 : memref<10112x128xf32, #tpu.memory_space<vmem_shared>>)
      %add3A_171 = arith.constant 1 : i32
      %add3A_172 = arith.addi %add3A_151, %add3A_171 : i32
      %add3A_173 = arith.addi %mul3A_2, %add3A_172 : i32
      %min3A_174 = arith.constant 1249 : i32
      %min3A_175 = arith.minsi %add3A_173, %min3A_174 : i32
      %mul3A_176 = arith.constant 128 : i32
      %mul3A_177 = arith.muli %min3A_175, %mul3A_176 : i32
      %multiple_of3A_178 = tpu.assume_multiple %mul3A_177, 128 : i32
      %dma_start3A_179 = arith.constant 0 : i32
      %dma_start3A_180 = tpu.memref_slice %arg2[%multiple_of3A_178, %dma_start3A_179] : memref<160000x128xf32, #tpu.memory_space<hbm>> -> memref<128x128xf32, #tpu.memory_space<hbm>>
      %dma_start3A_181 = arith.constant 0 : i32
      %dma_start3A_182 = tpu.memref_slice %arg2[%multiple_of3A_178, %dma_start3A_181] : memref<160000x128xf32, #tpu.memory_space<hbm>> -> memref<128x128xf32, #tpu.memory_space<hbm>>
      tpu.enqueue_dma source(%dma_start3A_182 : memref<128x128xf32, #tpu.memory_space<hbm>>) target(%arg7 : memref<128x128xf32, #tpu.memory_space<vmem>>) target_semaphore(%arg9 : memref<!tpu.dma_semaphore, #tpu.memory_space<semaphore_mem>>)
      %dma_start3A_183 = arith.constant 0 : i32
      %dma_start3A_184 = arith.constant 0 : i32
      %dma_start3A_185 = tpu.memref_slice %arg5[%add3A_151, %dma_start3A_183, %dma_start3A_184] : memref<40x1x128xi32, #tpu.memory_space<vmem>> -> memref<1x1x128xi32, #tpu.memory_space<vmem>>
      %dma_start3A_186 = tpu.memref_squeeze %dma_start3A_185 : memref<1x1x128xi32, #tpu.memory_space<vmem>> -> memref<128xi32, #tpu.memory_space<vmem>>
      %dma_start3A_187 = arith.constant 0 : i32
      %dma_start3A_188 = arith.constant 0 : i32
      %dma_start3A_189 = tpu.memref_slice %arg12[%dma_start3A_187, %dma_start3A_188] : memref<10112x128xf32, #tpu.memory_space<vmem_shared>> -> memref<10112x128xf32, #tpu.memory_space<vmem_shared>>
      tpu.enqueue_indirect_dma source(%arg6 : memref<128x128xf32, #tpu.memory_space<vmem>>) target(%dma_start3A_189 : memref<10112x128xf32, #tpu.memory_space<vmem_shared>>) offsets(%dma_start3A_186 : memref<128xi32, #tpu.memory_space<vmem>>) semaphore(%arg10 : memref<!tpu.dma_semaphore, #tpu.memory_space<semaphore_mem>>) {add = true}
    }
    %scan3A_57 = arith.constant 19 : i32
    %add3A_58 = arith.constant 39 : i32
    %add3A_59 = arith.addi %mul3A_2, %add3A_58 : i32
    %min3A_60 = arith.constant 1249 : i32
    %min3A_61 = arith.minsi %add3A_59, %min3A_60 : i32
    %mul3A_62 = arith.constant 128 : i32
    %mul3A_63 = arith.muli %min3A_61, %mul3A_62 : i32
    %multiple_of3A_64 = tpu.assume_multiple %mul3A_63, 128 : i32
    %dma_wait3A_65 = arith.constant 0 : i32
    %dma_wait3A_66 = tpu.memref_slice %arg2[%multiple_of3A_64, %dma_wait3A_65] : memref<160000x128xf32, #tpu.memory_space<hbm>> -> memref<128x128xf32, #tpu.memory_space<hbm>>
    %dma_wait3A_67 = arith.constant 0 : i32
    %dma_wait3A_68 = tpu.memref_slice %arg2[%multiple_of3A_64, %dma_wait3A_67] : memref<160000x128xf32, #tpu.memory_space<hbm>> -> memref<128x128xf32, #tpu.memory_space<hbm>>
    tpu.wait_dma2 semaphore(%arg9 : memref<!tpu.dma_semaphore, #tpu.memory_space<semaphore_mem>>) src(%dma_wait3A_68 : memref<128x128xf32, #tpu.memory_space<hbm>>) dst(%arg7 : memref<128x128xf32, #tpu.memory_space<vmem>>)
    %dma_wait3A_69 = arith.constant 38 : i32
    %dma_wait3A_70 = arith.constant 0 : i32
    %dma_wait3A_71 = arith.constant 0 : i32
    %dma_wait3A_72 = tpu.memref_slice %arg5[%dma_wait3A_69, %dma_wait3A_70, %dma_wait3A_71] : memref<40x1x128xi32, #tpu.memory_space<vmem>> -> memref<1x1x128xi32, #tpu.memory_space<vmem>>
    %dma_wait3A_73 = tpu.memref_squeeze %dma_wait3A_72 : memref<1x1x128xi32, #tpu.memory_space<vmem>> -> memref<128xi32, #tpu.memory_space<vmem>>
    %dma_wait3A_74 = arith.constant 0 : i32
    %dma_wait3A_75 = arith.constant 0 : i32
    %dma_wait3A_76 = tpu.memref_slice %arg12[%dma_wait3A_74, %dma_wait3A_75] : memref<10112x128xf32, #tpu.memory_space<vmem_shared>> -> memref<10112x128xf32, #tpu.memory_space<vmem_shared>>
    tpu.wait_indirect_dma semaphore(%arg10 : memref<!tpu.dma_semaphore, #tpu.memory_space<semaphore_mem>>) src(%arg6 : memref<128x128xf32, #tpu.memory_space<vmem>>) dst(%dma_wait3A_76 : memref<10112x128xf32, #tpu.memory_space<vmem_shared>>)
    %dma_start3A_77 = arith.constant 39 : i32
    %dma_start3A_78 = arith.constant 0 : i32
    %dma_start3A_79 = arith.constant 0 : i32
    %dma_start3A_80 = tpu.memref_slice %arg5[%dma_start3A_77, %dma_start3A_78, %dma_start3A_79] : memref<40x1x128xi32, #tpu.memory_space<vmem>> -> memref<1x1x128xi32, #tpu.memory_space<vmem>>
    %dma_start3A_81 = tpu.memref_squeeze %dma_start3A_80 : memref<1x1x128xi32, #tpu.memory_space<vmem>> -> memref<128xi32, #tpu.memory_space<vmem>>
    %dma_start3A_82 = arith.constant 0 : i32
    %dma_start3A_83 = arith.constant 0 : i32
    %dma_start3A_84 = tpu.memref_slice %arg12[%dma_start3A_82, %dma_start3A_83] : memref<10112x128xf32, #tpu.memory_space<vmem_shared>> -> memref<10112x128xf32, #tpu.memory_space<vmem_shared>>
    tpu.enqueue_indirect_dma source(%arg7 : memref<128x128xf32, #tpu.memory_space<vmem>>) target(%dma_start3A_84 : memref<10112x128xf32, #tpu.memory_space<vmem_shared>>) offsets(%dma_start3A_81 : memref<128xi32, #tpu.memory_space<vmem>>) semaphore(%arg11 : memref<!tpu.dma_semaphore, #tpu.memory_space<semaphore_mem>>) {add = true}
    %dma_wait3A_85 = arith.constant 39 : i32
    %dma_wait3A_86 = arith.constant 0 : i32
    %dma_wait3A_87 = arith.constant 0 : i32
    %dma_wait3A_88 = tpu.memref_slice %arg5[%dma_wait3A_85, %dma_wait3A_86, %dma_wait3A_87] : memref<40x1x128xi32, #tpu.memory_space<vmem>> -> memref<1x1x128xi32, #tpu.memory_space<vmem>>
    %dma_wait3A_89 = tpu.memref_squeeze %dma_wait3A_88 : memref<1x1x128xi32, #tpu.memory_space<vmem>> -> memref<128xi32, #tpu.memory_space<vmem>>
    %dma_wait3A_90 = arith.constant 0 : i32
    %dma_wait3A_91 = arith.constant 0 : i32
    %dma_wait3A_92 = tpu.memref_slice %arg12[%dma_wait3A_90, %dma_wait3A_91] : memref<10112x128xf32, #tpu.memory_space<vmem_shared>> -> memref<10112x128xf32, #tpu.memory_space<vmem_shared>>
    tpu.wait_indirect_dma semaphore(%arg11 : memref<!tpu.dma_semaphore, #tpu.memory_space<semaphore_mem>>) src(%arg7 : memref<128x128xf32, #tpu.memory_space<vmem>>) dst(%dma_wait3A_92 : memref<10112x128xf32, #tpu.memory_space<vmem_shared>>)
    %barrier3A_93 = arith.constant 0 : index
    tpu.barrier barrier_id(%barrier3A_93)
    %mul3A_94 = arith.constant 632 : i32
    %mul3A_95 = arith.muli %arg1, %mul3A_94 : i32
    %mul3A_96 = arith.constant 632 : i32
    %mul3A_97 = arith.muli %arg1, %mul3A_96 : i32
    "tpu.region"() ({
      %run_scoped3A = tpu.sem_alloc : memref<!tpu.dma_semaphore, #tpu.memory_space<semaphore_mem>>
      %dma_start3A_98 = arith.constant 0 : i32
      %dma_start3A_99 = tpu.memref_slice %arg4[%arg0, %mul3A_97, %dma_start3A_98] : memref<2x10112x128xf32, #tpu.memory_space<hbm>> -> memref<1x632x128xf32, #tpu.memory_space<hbm>>
      %dma_start3A_100 = tpu.memref_squeeze %dma_start3A_99 : memref<1x632x128xf32, #tpu.memory_space<hbm>> -> memref<632x128xf32, #tpu.memory_space<hbm>>
      %dma_start3A_101 = arith.constant 0 : i32
      %dma_start3A_102 = tpu.memref_slice %arg12[%mul3A_95, %dma_start3A_101] : memref<10112x128xf32, #tpu.memory_space<vmem_shared>> -> memref<632x128xf32, #tpu.memory_space<vmem_shared>>
      tpu.enqueue_dma source(%dma_start3A_102 : memref<632x128xf32, #tpu.memory_space<vmem_shared>>) target(%dma_start3A_100 : memref<632x128xf32, #tpu.memory_space<hbm>>) target_semaphore(%run_scoped3A : memref<!tpu.dma_semaphore, #tpu.memory_space<semaphore_mem>>)
      %dma_wait3A_103 = arith.constant 0 : i32
      %dma_wait3A_104 = tpu.memref_slice %arg4[%arg0, %mul3A_97, %dma_wait3A_103] : memref<2x10112x128xf32, #tpu.memory_space<hbm>> -> memref<1x632x128xf32, #tpu.memory_space<hbm>>
      %dma_wait3A_105 = tpu.memref_squeeze %dma_wait3A_104 : memref<1x632x128xf32, #tpu.memory_space<hbm>> -> memref<632x128xf32, #tpu.memory_space<hbm>>
      %dma_wait3A_106 = arith.constant 0 : i32
      %dma_wait3A_107 = tpu.memref_slice %arg12[%mul3A_95, %dma_wait3A_106] : memref<10112x128xf32, #tpu.memory_space<vmem_shared>> -> memref<632x128xf32, #tpu.memory_space<vmem_shared>>
      tpu.wait_dma2 semaphore(%run_scoped3A : memref<!tpu.dma_semaphore, #tpu.memory_space<semaphore_mem>>) src(%dma_wait3A_107 : memref<632x128xf32, #tpu.memory_space<vmem_shared>>) dst(%dma_wait3A_105 : memref<632x128xf32, #tpu.memory_space<hbm>>)
      tpu.yield
    }) : () -> ()
    return
  }
}

#map = affine_map<(d0, d1) -> (0, 0)>
#map1 = affine_map<(d0, d1) -> (0, 0, 0)>
module attributes {stable_mosaic.version = 14 : i64} {
  func.func @k(%arg0: i32, %arg1: i32, %arg2: memref<10000x64xi32, #tpu.memory_space<hbm>>, %arg3: memref<10000x64xi32, #tpu.memory_space<hbm>>, %arg4: memref<1341x2x128xi32, #tpu.memory_space<hbm>>, %arg5: memref<163840x64xi32, #tpu.memory_space<hbm>>, %arg6: memref<61x2x128xi32, #tpu.memory_space<vmem>>, %arg7: memref<128x64xi32, #tpu.memory_space<vmem>>, %arg8: memref<128x64xi32, #tpu.memory_space<vmem>>, %arg9: memref<128x64xi32, #tpu.memory_space<vmem>>, %arg10: memref<128x64xi32, #tpu.memory_space<vmem>>, %arg11: memref<128x64xi32, #tpu.memory_space<vmem>>, %arg12: memref<128x64xi32, #tpu.memory_space<vmem>>, %arg13: memref<!tpu.dma_semaphore, #tpu.memory_space<semaphore_mem>>, %arg14: memref<!tpu.dma_semaphore, #tpu.memory_space<semaphore_mem>>, %arg15: memref<!tpu.dma_semaphore, #tpu.memory_space<semaphore_mem>>, %arg16: memref<!tpu.dma_semaphore, #tpu.memory_space<semaphore_mem>>, %arg17: memref<!tpu.dma_semaphore, #tpu.memory_space<semaphore_mem>>, %arg18: memref<!tpu.dma_semaphore, #tpu.memory_space<semaphore_mem>>) attributes {dimension_semantics = [#tpu.dimension_semantics<core_parallel>, #tpu.dimension_semantics<subcore_parallel>], iteration_bounds = array<i64: 2, 16>, scalar_prefetch = 0 : i64, scratch_operands = 13 : i64, tpu.core_type = #tpu.core_type<sc_vector_subcore>, window_params = [{transform_indices = #map}, {transform_indices = #map}, {transform_indices = #map1}, {transform_indices = #map}]} {
    %eq3A = arith.constant 0 : i32
    %eq3A_0 = arith.cmpi eq, %arg0, %eq3A : i32
    %jit3A = arith.constant 61 : i32
    %jit3A_1 = arith.constant 19 : i32
    %select_n3A = arith.select %eq3A_0, %jit3A, %jit3A_1 : i32
    %eq3A_2 = arith.constant 0 : i32
    %eq3A_3 = arith.cmpi eq, %arg0, %eq3A_2 : i32
    %mul3A = arith.constant 61 : i32
    %mul3A_4 = arith.muli %arg1, %mul3A : i32
    %mul3A_5 = arith.constant 19 : i32
    %mul3A_6 = arith.muli %arg1, %mul3A_5 : i32
    %add3A = arith.constant 976 : i32
    %add3A_7 = arith.addi %add3A, %mul3A_6 : i32
    %select_n3A_8 = arith.select %eq3A_3, %mul3A_4, %add3A_7 : i32
    "tpu.region"() ({
      %run_scoped3A = tpu.sem_alloc : memref<!tpu.dma_semaphore, #tpu.memory_space<semaphore_mem>>
      %dma_start3A_259 = arith.constant 0 : i32
      %dma_start3A_260 = arith.constant 0 : i32
      %dma_start3A_261 = tpu.memref_slice %arg4[%select_n3A_8, %dma_start3A_259, %dma_start3A_260] : memref<1341x2x128xi32, #tpu.memory_space<hbm>> -> memref<61x2x128xi32, #tpu.memory_space<hbm>>
      %dma_start3A_262 = arith.constant 0 : i32
      %dma_start3A_263 = arith.constant 0 : i32
      %dma_start3A_264 = tpu.memref_slice %arg4[%select_n3A_8, %dma_start3A_262, %dma_start3A_263] : memref<1341x2x128xi32, #tpu.memory_space<hbm>> -> memref<61x2x128xi32, #tpu.memory_space<hbm>>
      tpu.enqueue_dma source(%dma_start3A_264 : memref<61x2x128xi32, #tpu.memory_space<hbm>>) target(%arg6 : memref<61x2x128xi32, #tpu.memory_space<vmem>>) target_semaphore(%run_scoped3A : memref<!tpu.dma_semaphore, #tpu.memory_space<semaphore_mem>>)
      %dma_wait3A_265 = arith.constant 0 : i32
      %dma_wait3A_266 = arith.constant 0 : i32
      %dma_wait3A_267 = tpu.memref_slice %arg4[%select_n3A_8, %dma_wait3A_265, %dma_wait3A_266] : memref<1341x2x128xi32, #tpu.memory_space<hbm>> -> memref<61x2x128xi32, #tpu.memory_space<hbm>>
      %dma_wait3A_268 = arith.constant 0 : i32
      %dma_wait3A_269 = arith.constant 0 : i32
      %dma_wait3A_270 = tpu.memref_slice %arg4[%select_n3A_8, %dma_wait3A_268, %dma_wait3A_269] : memref<1341x2x128xi32, #tpu.memory_space<hbm>> -> memref<61x2x128xi32, #tpu.memory_space<hbm>>
      tpu.wait_dma2 semaphore(%run_scoped3A : memref<!tpu.dma_semaphore, #tpu.memory_space<semaphore_mem>>) src(%dma_wait3A_270 : memref<61x2x128xi32, #tpu.memory_space<hbm>>) dst(%arg6 : memref<61x2x128xi32, #tpu.memory_space<vmem>>)
      tpu.yield
    }) : () -> ()
    %dma_start3A = arith.constant 0 : i32
    %dma_start3A_9 = arith.constant 0 : i32
    %dma_start3A_10 = arith.constant 0 : i32
    %dma_start3A_11 = tpu.memref_slice %arg6[%dma_start3A, %dma_start3A_9, %dma_start3A_10] : memref<61x2x128xi32, #tpu.memory_space<vmem>> -> memref<1x1x128xi32, #tpu.memory_space<vmem>>
    %dma_start3A_12 = tpu.memref_squeeze %dma_start3A_11 : memref<1x1x128xi32, #tpu.memory_space<vmem>> -> memref<128xi32, #tpu.memory_space<vmem>>
    %dma_start3A_13 = arith.constant 0 : i32
    %dma_start3A_14 = arith.constant 0 : i32
    %dma_start3A_15 = tpu.memref_slice %arg2[%dma_start3A_13, %dma_start3A_14] : memref<10000x64xi32, #tpu.memory_space<hbm>> -> memref<10000x64xi32, #tpu.memory_space<hbm>>
    tpu.enqueue_indirect_dma source(%dma_start3A_15 : memref<10000x64xi32, #tpu.memory_space<hbm>>) target(%arg7 : memref<128x64xi32, #tpu.memory_space<vmem>>) offsets(%dma_start3A_12 : memref<128xi32, #tpu.memory_space<vmem>>) semaphore(%arg13 : memref<!tpu.dma_semaphore, #tpu.memory_space<semaphore_mem>>)
    %dma_start3A_16 = arith.constant 0 : i32
    %dma_start3A_17 = arith.constant 1 : i32
    %dma_start3A_18 = arith.constant 0 : i32
    %dma_start3A_19 = tpu.memref_slice %arg6[%dma_start3A_16, %dma_start3A_17, %dma_start3A_18] : memref<61x2x128xi32, #tpu.memory_space<vmem>> -> memref<1x1x128xi32, #tpu.memory_space<vmem>>
    %dma_start3A_20 = tpu.memref_squeeze %dma_start3A_19 : memref<1x1x128xi32, #tpu.memory_space<vmem>> -> memref<128xi32, #tpu.memory_space<vmem>>
    %dma_start3A_21 = arith.constant 0 : i32
    %dma_start3A_22 = arith.constant 0 : i32
    %dma_start3A_23 = tpu.memref_slice %arg3[%dma_start3A_21, %dma_start3A_22] : memref<10000x64xi32, #tpu.memory_space<hbm>> -> memref<10000x64xi32, #tpu.memory_space<hbm>>
    tpu.enqueue_indirect_dma source(%dma_start3A_23 : memref<10000x64xi32, #tpu.memory_space<hbm>>) target(%arg10 : memref<128x64xi32, #tpu.memory_space<vmem>>) offsets(%dma_start3A_20 : memref<128xi32, #tpu.memory_space<vmem>>) semaphore(%arg13 : memref<!tpu.dma_semaphore, #tpu.memory_space<semaphore_mem>>)
    %dma_wait3A = arith.constant 0 : i32
    %dma_wait3A_24 = arith.constant 0 : i32
    %dma_wait3A_25 = arith.constant 0 : i32
    %dma_wait3A_26 = tpu.memref_slice %arg6[%dma_wait3A, %dma_wait3A_24, %dma_wait3A_25] : memref<61x2x128xi32, #tpu.memory_space<vmem>> -> memref<1x1x128xi32, #tpu.memory_space<vmem>>
    %dma_wait3A_27 = tpu.memref_squeeze %dma_wait3A_26 : memref<1x1x128xi32, #tpu.memory_space<vmem>> -> memref<128xi32, #tpu.memory_space<vmem>>
    %dma_wait3A_28 = arith.constant 0 : i32
    %dma_wait3A_29 = arith.constant 0 : i32
    %dma_wait3A_30 = tpu.memref_slice %arg2[%dma_wait3A_28, %dma_wait3A_29] : memref<10000x64xi32, #tpu.memory_space<hbm>> -> memref<10000x64xi32, #tpu.memory_space<hbm>>
    tpu.wait_indirect_dma semaphore(%arg13 : memref<!tpu.dma_semaphore, #tpu.memory_space<semaphore_mem>>) src(%dma_wait3A_30 : memref<10000x64xi32, #tpu.memory_space<hbm>>) dst(%arg7 : memref<128x64xi32, #tpu.memory_space<vmem>>)
    %dma_wait3A_31 = arith.constant 0 : i32
    %dma_wait3A_32 = arith.constant 1 : i32
    %dma_wait3A_33 = arith.constant 0 : i32
    %dma_wait3A_34 = tpu.memref_slice %arg6[%dma_wait3A_31, %dma_wait3A_32, %dma_wait3A_33] : memref<61x2x128xi32, #tpu.memory_space<vmem>> -> memref<1x1x128xi32, #tpu.memory_space<vmem>>
    %dma_wait3A_35 = tpu.memref_squeeze %dma_wait3A_34 : memref<1x1x128xi32, #tpu.memory_space<vmem>> -> memref<128xi32, #tpu.memory_space<vmem>>
    %dma_wait3A_36 = arith.constant 0 : i32
    %dma_wait3A_37 = arith.constant 0 : i32
    %dma_wait3A_38 = tpu.memref_slice %arg3[%dma_wait3A_36, %dma_wait3A_37] : memref<10000x64xi32, #tpu.memory_space<hbm>> -> memref<10000x64xi32, #tpu.memory_space<hbm>>
    tpu.wait_indirect_dma semaphore(%arg13 : memref<!tpu.dma_semaphore, #tpu.memory_space<semaphore_mem>>) src(%dma_wait3A_38 : memref<10000x64xi32, #tpu.memory_space<hbm>>) dst(%arg10 : memref<128x64xi32, #tpu.memory_space<vmem>>)
    %dma_start3A_39 = arith.constant 1 : i32
    %dma_start3A_40 = arith.constant 0 : i32
    %dma_start3A_41 = arith.constant 0 : i32
    %dma_start3A_42 = tpu.memref_slice %arg6[%dma_start3A_39, %dma_start3A_40, %dma_start3A_41] : memref<61x2x128xi32, #tpu.memory_space<vmem>> -> memref<1x1x128xi32, #tpu.memory_space<vmem>>
    %dma_start3A_43 = tpu.memref_squeeze %dma_start3A_42 : memref<1x1x128xi32, #tpu.memory_space<vmem>> -> memref<128xi32, #tpu.memory_space<vmem>>
    %dma_start3A_44 = arith.constant 0 : i32
    %dma_start3A_45 = arith.constant 0 : i32
    %dma_start3A_46 = tpu.memref_slice %arg2[%dma_start3A_44, %dma_start3A_45] : memref<10000x64xi32, #tpu.memory_space<hbm>> -> memref<10000x64xi32, #tpu.memory_space<hbm>>
    tpu.enqueue_indirect_dma source(%dma_start3A_46 : memref<10000x64xi32, #tpu.memory_space<hbm>>) target(%arg8 : memref<128x64xi32, #tpu.memory_space<vmem>>) offsets(%dma_start3A_43 : memref<128xi32, #tpu.memory_space<vmem>>) semaphore(%arg14 : memref<!tpu.dma_semaphore, #tpu.memory_space<semaphore_mem>>)
    %dma_start3A_47 = arith.constant 1 : i32
    %dma_start3A_48 = arith.constant 1 : i32
    %dma_start3A_49 = arith.constant 0 : i32
    %dma_start3A_50 = tpu.memref_slice %arg6[%dma_start3A_47, %dma_start3A_48, %dma_start3A_49] : memref<61x2x128xi32, #tpu.memory_space<vmem>> -> memref<1x1x128xi32, #tpu.memory_space<vmem>>
    %dma_start3A_51 = tpu.memref_squeeze %dma_start3A_50 : memref<1x1x128xi32, #tpu.memory_space<vmem>> -> memref<128xi32, #tpu.memory_space<vmem>>
    %dma_start3A_52 = arith.constant 0 : i32
    %dma_start3A_53 = arith.constant 0 : i32
    %dma_start3A_54 = tpu.memref_slice %arg3[%dma_start3A_52, %dma_start3A_53] : memref<10000x64xi32, #tpu.memory_space<hbm>> -> memref<10000x64xi32, #tpu.memory_space<hbm>>
    tpu.enqueue_indirect_dma source(%dma_start3A_54 : memref<10000x64xi32, #tpu.memory_space<hbm>>) target(%arg11 : memref<128x64xi32, #tpu.memory_space<vmem>>) offsets(%dma_start3A_51 : memref<128xi32, #tpu.memory_space<vmem>>) semaphore(%arg14 : memref<!tpu.dma_semaphore, #tpu.memory_space<semaphore_mem>>)
    %scan3A = arith.constant 0 : i32
    %scan3A_55 = arith.constant 128 : i32
    %scan3A_56 = arith.addi %scan3A, %scan3A_55 : i32
    %scan3A_57 = arith.constant 1 : i32
    scf.for %scan3A_259 = %scan3A to %scan3A_56 step %scan3A_57  : i32 {
      %mul3A_260 = arith.constant 1 : i32
      %mul3A_261 = arith.muli %scan3A_259, %mul3A_260 : i32
      %add3A_262 = arith.constant 0 : i32
      %add3A_263 = arith.addi %add3A_262, %mul3A_261 : i32
      %get3A = arith.index_cast %add3A_263 : i32 to index
      %get3A_264 = arith.constant 0 : index
      %get3A_265 = tpu.vector_load %arg7[%get3A, %get3A_264] {strides = array<i32>} : memref<128x64xi32, #tpu.memory_space<vmem>>, vector<16xi32>,
      %bitcast3A = vector.bitcast %get3A_265 : vector<16xi32> to vector<32xbf16>
      %get3A_266 = arith.index_cast %add3A_263 : i32 to index
      %get3A_267 = arith.constant 0 : index
      %get3A_268 = tpu.vector_load %arg10[%get3A_266, %get3A_267] {strides = array<i32>} : memref<128x64xi32, #tpu.memory_space<vmem>>, vector<16xi32>,
      %bitcast3A_269 = vector.bitcast %get3A_268 : vector<16xi32> to vector<32xbf16>
      %add3A_270 = arith.addf %bitcast3A, %bitcast3A_269 : vector<32xbf16>
      %bitcast3A_271 = vector.bitcast %add3A_270 : vector<32xbf16> to vector<16xi32>
      %swap3A = arith.index_cast %add3A_263 : i32 to index
      %swap3A_272 = arith.constant 0 : index
      %swap3A_273 = tpu.vector_load %arg7[%swap3A, %swap3A_272] {strides = array<i32>} : memref<128x64xi32, #tpu.memory_space<vmem>>, vector<16xi32>,
      tpu.vector_store %arg7[%swap3A, %swap3A_272], %bitcast3A_271 {strides = array<i32>} : memref<128x64xi32, #tpu.memory_space<vmem>>, vector<16xi32>,
      %get3A_274 = arith.index_cast %add3A_263 : i32 to index
      %get3A_275 = arith.constant 16 : index
      %get3A_276 = tpu.vector_load %arg7[%get3A_274, %get3A_275] {strides = array<i32>} : memref<128x64xi32, #tpu.memory_space<vmem>>, vector<16xi32>,
      %bitcast3A_277 = vector.bitcast %get3A_276 : vector<16xi32> to vector<32xbf16>
      %get3A_278 = arith.index_cast %add3A_263 : i32 to index
      %get3A_279 = arith.constant 16 : index
      %get3A_280 = tpu.vector_load %arg10[%get3A_278, %get3A_279] {strides = array<i32>} : memref<128x64xi32, #tpu.memory_space<vmem>>, vector<16xi32>,
      %bitcast3A_281 = vector.bitcast %get3A_280 : vector<16xi32> to vector<32xbf16>
      %add3A_282 = arith.addf %bitcast3A_277, %bitcast3A_281 : vector<32xbf16>
      %bitcast3A_283 = vector.bitcast %add3A_282 : vector<32xbf16> to vector<16xi32>
      %swap3A_284 = arith.index_cast %add3A_263 : i32 to index
      %swap3A_285 = arith.constant 16 : index
      %swap3A_286 = tpu.vector_load %arg7[%swap3A_284, %swap3A_285] {strides = array<i32>} : memref<128x64xi32, #tpu.memory_space<vmem>>, vector<16xi32>,
      tpu.vector_store %arg7[%swap3A_284, %swap3A_285], %bitcast3A_283 {strides = array<i32>} : memref<128x64xi32, #tpu.memory_space<vmem>>, vector<16xi32>,
      %get3A_287 = arith.index_cast %add3A_263 : i32 to index
      %get3A_288 = arith.constant 32 : index
      %get3A_289 = tpu.vector_load %arg7[%get3A_287, %get3A_288] {strides = array<i32>} : memref<128x64xi32, #tpu.memory_space<vmem>>, vector<16xi32>,
      %bitcast3A_290 = vector.bitcast %get3A_289 : vector<16xi32> to vector<32xbf16>
      %get3A_291 = arith.index_cast %add3A_263 : i32 to index
      %get3A_292 = arith.constant 32 : index
      %get3A_293 = tpu.vector_load %arg10[%get3A_291, %get3A_292] {strides = array<i32>} : memref<128x64xi32, #tpu.memory_space<vmem>>, vector<16xi32>,
      %bitcast3A_294 = vector.bitcast %get3A_293 : vector<16xi32> to vector<32xbf16>
      %add3A_295 = arith.addf %bitcast3A_290, %bitcast3A_294 : vector<32xbf16>
      %bitcast3A_296 = vector.bitcast %add3A_295 : vector<32xbf16> to vector<16xi32>
      %swap3A_297 = arith.index_cast %add3A_263 : i32 to index
      %swap3A_298 = arith.constant 32 : index
      %swap3A_299 = tpu.vector_load %arg7[%swap3A_297, %swap3A_298] {strides = array<i32>} : memref<128x64xi32, #tpu.memory_space<vmem>>, vector<16xi32>,
      tpu.vector_store %arg7[%swap3A_297, %swap3A_298], %bitcast3A_296 {strides = array<i32>} : memref<128x64xi32, #tpu.memory_space<vmem>>, vector<16xi32>,
      %get3A_300 = arith.index_cast %add3A_263 : i32 to index
      %get3A_301 = arith.constant 48 : index
      %get3A_302 = tpu.vector_load %arg7[%get3A_300, %get3A_301] {strides = array<i32>} : memref<128x64xi32, #tpu.memory_space<vmem>>, vector<16xi32>,
      %bitcast3A_303 = vector.bitcast %get3A_302 : vector<16xi32> to vector<32xbf16>
      %get3A_304 = arith.index_cast %add3A_263 : i32 to index
      %get3A_305 = arith.constant 48 : index
      %get3A_306 = tpu.vector_load %arg10[%get3A_304, %get3A_305] {strides = array<i32>} : memref<128x64xi32, #tpu.memory_space<vmem>>, vector<16xi32>,
      %bitcast3A_307 = vector.bitcast %get3A_306 : vector<16xi32> to vector<32xbf16>
      %add3A_308 = arith.addf %bitcast3A_303, %bitcast3A_307 : vector<32xbf16>
      %bitcast3A_309 = vector.bitcast %add3A_308 : vector<32xbf16> to vector<16xi32>
      %swap3A_310 = arith.index_cast %add3A_263 : i32 to index
      %swap3A_311 = arith.constant 48 : index
      %swap3A_312 = tpu.vector_load %arg7[%swap3A_310, %swap3A_311] {strides = array<i32>} : memref<128x64xi32, #tpu.memory_space<vmem>>, vector<16xi32>,
      tpu.vector_store %arg7[%swap3A_310, %swap3A_311], %bitcast3A_309 {strides = array<i32>} : memref<128x64xi32, #tpu.memory_space<vmem>>, vector<16xi32>,
    }
    %scan3A_58 = arith.constant 128 : i32
    %add3A_59 = arith.constant 0 : i32
    %add3A_60 = arith.addi %select_n3A_8, %add3A_59 : i32
    %mul3A_61 = arith.constant 128 : i32
    %mul3A_62 = arith.muli %add3A_60, %mul3A_61 : i32
    %multiple_of3A = tpu.assume_multiple %mul3A_62, 128 : i32
    %dma_start3A_63 = arith.constant 0 : i32
    %dma_start3A_64 = tpu.memref_slice %arg5[%multiple_of3A, %dma_start3A_63] : memref<163840x64xi32, #tpu.memory_space<hbm>> -> memref<128x64xi32, #tpu.memory_space<hbm>>
    %dma_start3A_65 = arith.constant 0 : i32
    %dma_start3A_66 = tpu.memref_slice %arg5[%multiple_of3A, %dma_start3A_65] : memref<163840x64xi32, #tpu.memory_space<hbm>> -> memref<128x64xi32, #tpu.memory_space<hbm>>
    tpu.enqueue_dma source(%arg7 : memref<128x64xi32, #tpu.memory_space<vmem>>) target(%dma_start3A_66 : memref<128x64xi32, #tpu.memory_space<hbm>>) target_semaphore(%arg16 : memref<!tpu.dma_semaphore, #tpu.memory_space<semaphore_mem>>)
    %dma_wait3A_67 = arith.constant 1 : i32
    %dma_wait3A_68 = arith.constant 0 : i32
    %dma_wait3A_69 = arith.constant 0 : i32
    %dma_wait3A_70 = tpu.memref_slice %arg6[%dma_wait3A_67, %dma_wait3A_68, %dma_wait3A_69] : memref<61x2x128xi32, #tpu.memory_space<vmem>> -> memref<1x1x128xi32, #tpu.memory_space<vmem>>
    %dma_wait3A_71 = tpu.memref_squeeze %dma_wait3A_70 : memref<1x1x128xi32, #tpu.memory_space<vmem>> -> memref<128xi32, #tpu.memory_space<vmem>>
    %dma_wait3A_72 = arith.constant 0 : i32
    %dma_wait3A_73 = arith.constant 0 : i32
    %dma_wait3A_74 = tpu.memref_slice %arg2[%dma_wait3A_72, %dma_wait3A_73] : memref<10000x64xi32, #tpu.memory_space<hbm>> -> memref<10000x64xi32, #tpu.memory_space<hbm>>
    tpu.wait_indirect_dma semaphore(%arg14 : memref<!tpu.dma_semaphore, #tpu.memory_space<semaphore_mem>>) src(%dma_wait3A_74 : memref<10000x64xi32, #tpu.memory_space<hbm>>) dst(%arg8 : memref<128x64xi32, #tpu.memory_space<vmem>>)
    %dma_wait3A_75 = arith.constant 1 : i32
    %dma_wait3A_76 = arith.constant 1 : i32
    %dma_wait3A_77 = arith.constant 0 : i32
    %dma_wait3A_78 = tpu.memref_slice %arg6[%dma_wait3A_75, %dma_wait3A_76, %dma_wait3A_77] : memref<61x2x128xi32, #tpu.memory_space<vmem>> -> memref<1x1x128xi32, #tpu.memory_space<vmem>>
    %dma_wait3A_79 = tpu.memref_squeeze %dma_wait3A_78 : memref<1x1x128xi32, #tpu.memory_space<vmem>> -> memref<128xi32, #tpu.memory_space<vmem>>
    %dma_wait3A_80 = arith.constant 0 : i32
    %dma_wait3A_81 = arith.constant 0 : i32
    %dma_wait3A_82 = tpu.memref_slice %arg3[%dma_wait3A_80, %dma_wait3A_81] : memref<10000x64xi32, #tpu.memory_space<hbm>> -> memref<10000x64xi32, #tpu.memory_space<hbm>>
    tpu.wait_indirect_dma semaphore(%arg14 : memref<!tpu.dma_semaphore, #tpu.memory_space<semaphore_mem>>) src(%dma_wait3A_82 : memref<10000x64xi32, #tpu.memory_space<hbm>>) dst(%arg11 : memref<128x64xi32, #tpu.memory_space<vmem>>)
    %dma_start3A_83 = arith.constant 2 : i32
    %dma_start3A_84 = arith.constant 0 : i32
    %dma_start3A_85 = arith.constant 0 : i32
    %dma_start3A_86 = tpu.memref_slice %arg6[%dma_start3A_83, %dma_start3A_84, %dma_start3A_85] : memref<61x2x128xi32, #tpu.memory_space<vmem>> -> memref<1x1x128xi32, #tpu.memory_space<vmem>>
    %dma_start3A_87 = tpu.memref_squeeze %dma_start3A_86 : memref<1x1x128xi32, #tpu.memory_space<vmem>> -> memref<128xi32, #tpu.memory_space<vmem>>
    %dma_start3A_88 = arith.constant 0 : i32
    %dma_start3A_89 = arith.constant 0 : i32
    %dma_start3A_90 = tpu.memref_slice %arg2[%dma_start3A_88, %dma_start3A_89] : memref<10000x64xi32, #tpu.memory_space<hbm>> -> memref<10000x64xi32, #tpu.memory_space<hbm>>
    tpu.enqueue_indirect_dma source(%dma_start3A_90 : memref<10000x64xi32, #tpu.memory_space<hbm>>) target(%arg9 : memref<128x64xi32, #tpu.memory_space<vmem>>) offsets(%dma_start3A_87 : memref<128xi32, #tpu.memory_space<vmem>>) semaphore(%arg15 : memref<!tpu.dma_semaphore, #tpu.memory_space<semaphore_mem>>)
    %dma_start3A_91 = arith.constant 2 : i32
    %dma_start3A_92 = arith.constant 1 : i32
    %dma_start3A_93 = arith.constant 0 : i32
    %dma_start3A_94 = tpu.memref_slice %arg6[%dma_start3A_91, %dma_start3A_92, %dma_start3A_93] : memref<61x2x128xi32, #tpu.memory_space<vmem>> -> memref<1x1x128xi32, #tpu.memory_space<vmem>>
    %dma_start3A_95 = tpu.memref_squeeze %dma_start3A_94 : memref<1x1x128xi32, #tpu.memory_space<vmem>> -> memref<128xi32, #tpu.memory_space<vmem>>
    %dma_start3A_96 = arith.constant 0 : i32
    %dma_start3A_97 = arith.constant 0 : i32
    %dma_start3A_98 = tpu.memref_slice %arg3[%dma_start3A_96, %dma_start3A_97] : memref<10000x64xi32, #tpu.memory_space<hbm>> -> memref<10000x64xi32, #tpu.memory_space<hbm>>
    tpu.enqueue_indirect_dma source(%dma_start3A_98 : memref<10000x64xi32, #tpu.memory_space<hbm>>) target(%arg12 : memref<128x64xi32, #tpu.memory_space<vmem>>) offsets(%dma_start3A_95 : memref<128xi32, #tpu.memory_space<vmem>>) semaphore(%arg15 : memref<!tpu.dma_semaphore, #tpu.memory_space<semaphore_mem>>)
    %scan3A_99 = arith.constant 0 : i32
    %scan3A_100 = arith.constant 128 : i32
    %scan3A_101 = arith.addi %scan3A_99, %scan3A_100 : i32
    %scan3A_102 = arith.constant 1 : i32
    scf.for %scan3A_259 = %scan3A_99 to %scan3A_101 step %scan3A_102  : i32 {
      %mul3A_260 = arith.constant 1 : i32
      %mul3A_261 = arith.muli %scan3A_259, %mul3A_260 : i32
      %add3A_262 = arith.constant 0 : i32
      %add3A_263 = arith.addi %add3A_262, %mul3A_261 : i32
      %get3A = arith.index_cast %add3A_263 : i32 to index
      %get3A_264 = arith.constant 0 : index
      %get3A_265 = tpu.vector_load %arg8[%get3A, %get3A_264] {strides = array<i32>} : memref<128x64xi32, #tpu.memory_space<vmem>>, vector<16xi32>,
      %bitcast3A = vector.bitcast %get3A_265 : vector<16xi32> to vector<32xbf16>
      %get3A_266 = arith.index_cast %add3A_263 : i32 to index
      %get3A_267 = arith.constant 0 : index
      %get3A_268 = tpu.vector_load %arg11[%get3A_266, %get3A_267] {strides = array<i32>} : memref<128x64xi32, #tpu.memory_space<vmem>>, vector<16xi32>,
      %bitcast3A_269 = vector.bitcast %get3A_268 : vector<16xi32> to vector<32xbf16>
      %add3A_270 = arith.addf %bitcast3A, %bitcast3A_269 : vector<32xbf16>
      %bitcast3A_271 = vector.bitcast %add3A_270 : vector<32xbf16> to vector<16xi32>
      %swap3A = arith.index_cast %add3A_263 : i32 to index
      %swap3A_272 = arith.constant 0 : index
      %swap3A_273 = tpu.vector_load %arg8[%swap3A, %swap3A_272] {strides = array<i32>} : memref<128x64xi32, #tpu.memory_space<vmem>>, vector<16xi32>,
      tpu.vector_store %arg8[%swap3A, %swap3A_272], %bitcast3A_271 {strides = array<i32>} : memref<128x64xi32, #tpu.memory_space<vmem>>, vector<16xi32>,
      %get3A_274 = arith.index_cast %add3A_263 : i32 to index
      %get3A_275 = arith.constant 16 : index
      %get3A_276 = tpu.vector_load %arg8[%get3A_274, %get3A_275] {strides = array<i32>} : memref<128x64xi32, #tpu.memory_space<vmem>>, vector<16xi32>,
      %bitcast3A_277 = vector.bitcast %get3A_276 : vector<16xi32> to vector<32xbf16>
      %get3A_278 = arith.index_cast %add3A_263 : i32 to index
      %get3A_279 = arith.constant 16 : index
      %get3A_280 = tpu.vector_load %arg11[%get3A_278, %get3A_279] {strides = array<i32>} : memref<128x64xi32, #tpu.memory_space<vmem>>, vector<16xi32>,
      %bitcast3A_281 = vector.bitcast %get3A_280 : vector<16xi32> to vector<32xbf16>
      %add3A_282 = arith.addf %bitcast3A_277, %bitcast3A_281 : vector<32xbf16>
      %bitcast3A_283 = vector.bitcast %add3A_282 : vector<32xbf16> to vector<16xi32>
      %swap3A_284 = arith.index_cast %add3A_263 : i32 to index
      %swap3A_285 = arith.constant 16 : index
      %swap3A_286 = tpu.vector_load %arg8[%swap3A_284, %swap3A_285] {strides = array<i32>} : memref<128x64xi32, #tpu.memory_space<vmem>>, vector<16xi32>,
      tpu.vector_store %arg8[%swap3A_284, %swap3A_285], %bitcast3A_283 {strides = array<i32>} : memref<128x64xi32, #tpu.memory_space<vmem>>, vector<16xi32>,
      %get3A_287 = arith.index_cast %add3A_263 : i32 to index
      %get3A_288 = arith.constant 32 : index
      %get3A_289 = tpu.vector_load %arg8[%get3A_287, %get3A_288] {strides = array<i32>} : memref<128x64xi32, #tpu.memory_space<vmem>>, vector<16xi32>,
      %bitcast3A_290 = vector.bitcast %get3A_289 : vector<16xi32> to vector<32xbf16>
      %get3A_291 = arith.index_cast %add3A_263 : i32 to index
      %get3A_292 = arith.constant 32 : index
      %get3A_293 = tpu.vector_load %arg11[%get3A_291, %get3A_292] {strides = array<i32>} : memref<128x64xi32, #tpu.memory_space<vmem>>, vector<16xi32>,
      %bitcast3A_294 = vector.bitcast %get3A_293 : vector<16xi32> to vector<32xbf16>
      %add3A_295 = arith.addf %bitcast3A_290, %bitcast3A_294 : vector<32xbf16>
      %bitcast3A_296 = vector.bitcast %add3A_295 : vector<32xbf16> to vector<16xi32>
      %swap3A_297 = arith.index_cast %add3A_263 : i32 to index
      %swap3A_298 = arith.constant 32 : index
      %swap3A_299 = tpu.vector_load %arg8[%swap3A_297, %swap3A_298] {strides = array<i32>} : memref<128x64xi32, #tpu.memory_space<vmem>>, vector<16xi32>,
      tpu.vector_store %arg8[%swap3A_297, %swap3A_298], %bitcast3A_296 {strides = array<i32>} : memref<128x64xi32, #tpu.memory_space<vmem>>, vector<16xi32>,
      %get3A_300 = arith.index_cast %add3A_263 : i32 to index
      %get3A_301 = arith.constant 48 : index
      %get3A_302 = tpu.vector_load %arg8[%get3A_300, %get3A_301] {strides = array<i32>} : memref<128x64xi32, #tpu.memory_space<vmem>>, vector<16xi32>,
      %bitcast3A_303 = vector.bitcast %get3A_302 : vector<16xi32> to vector<32xbf16>
      %get3A_304 = arith.index_cast %add3A_263 : i32 to index
      %get3A_305 = arith.constant 48 : index
      %get3A_306 = tpu.vector_load %arg11[%get3A_304, %get3A_305] {strides = array<i32>} : memref<128x64xi32, #tpu.memory_space<vmem>>, vector<16xi32>,
      %bitcast3A_307 = vector.bitcast %get3A_306 : vector<16xi32> to vector<32xbf16>
      %add3A_308 = arith.addf %bitcast3A_303, %bitcast3A_307 : vector<32xbf16>
      %bitcast3A_309 = vector.bitcast %add3A_308 : vector<32xbf16> to vector<16xi32>
      %swap3A_310 = arith.index_cast %add3A_263 : i32 to index
      %swap3A_311 = arith.constant 48 : index
      %swap3A_312 = tpu.vector_load %arg8[%swap3A_310, %swap3A_311] {strides = array<i32>} : memref<128x64xi32, #tpu.memory_space<vmem>>, vector<16xi32>,
      tpu.vector_store %arg8[%swap3A_310, %swap3A_311], %bitcast3A_309 {strides = array<i32>} : memref<128x64xi32, #tpu.memory_space<vmem>>, vector<16xi32>,
    }
    %scan3A_103 = arith.constant 128 : i32
    %add3A_104 = arith.constant 1 : i32
    %add3A_105 = arith.addi %select_n3A_8, %add3A_104 : i32
    %mul3A_106 = arith.constant 128 : i32
    %mul3A_107 = arith.muli %add3A_105, %mul3A_106 : i32
    %multiple_of3A_108 = tpu.assume_multiple %mul3A_107, 128 : i32
    %dma_start3A_109 = arith.constant 0 : i32
    %dma_start3A_110 = tpu.memref_slice %arg5[%multiple_of3A_108, %dma_start3A_109] : memref<163840x64xi32, #tpu.memory_space<hbm>> -> memref<128x64xi32, #tpu.memory_space<hbm>>
    %dma_start3A_111 = arith.constant 0 : i32
    %dma_start3A_112 = tpu.memref_slice %arg5[%multiple_of3A_108, %dma_start3A_111] : memref<163840x64xi32, #tpu.memory_space<hbm>> -> memref<128x64xi32, #tpu.memory_space<hbm>>
    tpu.enqueue_dma source(%arg8 : memref<128x64xi32, #tpu.memory_space<vmem>>) target(%dma_start3A_112 : memref<128x64xi32, #tpu.memory_space<hbm>>) target_semaphore(%arg17 : memref<!tpu.dma_semaphore, #tpu.memory_space<semaphore_mem>>)
    %sub3A = arith.constant 4 : i32
    %sub3A_113 = arith.subi %select_n3A, %sub3A : i32
    %jit3A_114 = arith.constant 3 : i32
    %div3A = arith.divsi %sub3A_113, %jit3A_114 : i32
    %sign3A = arith.constant 0 : i32
    %sign3A_115 = arith.cmpi sgt, %sub3A_113, %sign3A : i32
    %sign3A_116 = arith.extui %sign3A_115 : i1 to i32
    %sign3A_117 = arith.constant 0 : i32
    %sign3A_118 = arith.cmpi slt, %sub3A_113, %sign3A_117 : i32
    %sign3A_119 = arith.extui %sign3A_118 : i1 to i32
    %sign3A_120 = arith.subi %sign3A_116, %sign3A_119 : i32
    %sign3A_121 = arith.constant 0 : i32
    %sign3A_122 = arith.cmpi sgt, %jit3A_114, %sign3A_121 : i32
    %sign3A_123 = arith.extui %sign3A_122 : i1 to i32
    %sign3A_124 = arith.constant 0 : i32
    %sign3A_125 = arith.cmpi slt, %jit3A_114, %sign3A_124 : i32
    %sign3A_126 = arith.extui %sign3A_125 : i1 to i32
    %sign3A_127 = arith.subi %sign3A_123, %sign3A_126 : i32
    %ne3A = arith.cmpi ne, %sign3A_120, %sign3A_127 : i32
    %rem3A = arith.remsi %sub3A_113, %jit3A_114 : i32
    %ne3A_128 = arith.constant 0 : i32
    %ne3A_129 = arith.cmpi ne, %rem3A, %ne3A_128 : i32
    %and3A = arith.andi %ne3A, %ne3A_129 : i1
    %sub3A_130 = arith.constant 1 : i32
    %sub3A_131 = arith.subi %div3A, %sub3A_130 : i32
    %select_n3A_132 = arith.select %and3A, %sub3A_131, %div3A : i32
    %sub3A_133 = arith.constant 0 : i32
    %sub3A_134 = arith.subi %select_n3A_132, %sub3A_133 : i32
    %sub3A_135 = arith.constant 1 : i32
    %sub3A_136 = arith.constant 1 : i32
    %sub3A_137 = arith.subi %sub3A_135, %sub3A_136 : i32
    %add3A_138 = arith.addi %sub3A_134, %sub3A_137 : i32
    %div3A_139 = arith.constant 1 : i32
    %div3A_140 = arith.divsi %add3A_138, %div3A_139 : i32
    %while3A = arith.constant 1 : i32
    %while3A_141 = arith.constant 0 : i32
    %while3A_142 = arith.constant 0 : i32
    %while3A_143 = arith.subi %div3A_140, %while3A_142 : i32
    %while3A_144 = arith.addi %while3A_142, %while3A_143 : i32
    %while3A_145 = arith.constant 1 : i32
    %while3A_146 = arith.divsi %while3A_143, %while3A_145 : i32
    %while3A_147 = arith.muli %while3A_146, %while3A_145 : i32
    %while3A_148 = arith.addi %while3A_142, %while3A_147 : i32
    %while3A_149 = arith.constant 1 : i32
    scf.for %while3A_259 = %while3A_142 to %while3A_148 step %while3A_149  : i32 {
      %mul3A_260 = arith.muli %while3A_259, %while3A : i32
      %add3A_261 = arith.addi %while3A_141, %mul3A_260 : i32
      %mul3A_262 = arith.constant 3 : i32
      %mul3A_263 = arith.muli %mul3A_262, %add3A_261 : i32
      %add3A_264 = arith.constant 2 : i32
      %add3A_265 = arith.addi %add3A_264, %mul3A_263 : i32
      %add3A_266 = arith.constant 0 : i32
      %add3A_267 = arith.addi %add3A_265, %add3A_266 : i32
      %dma_wait3A_268 = arith.constant 0 : i32
      %dma_wait3A_269 = arith.constant 0 : i32
      %dma_wait3A_270 = tpu.memref_slice %arg6[%add3A_267, %dma_wait3A_268, %dma_wait3A_269] : memref<61x2x128xi32, #tpu.memory_space<vmem>> -> memref<1x1x128xi32, #tpu.memory_space<vmem>>
      %dma_wait3A_271 = tpu.memref_squeeze %dma_wait3A_270 : memref<1x1x128xi32, #tpu.memory_space<vmem>> -> memref<128xi32, #tpu.memory_space<vmem>>
      %dma_wait3A_272 = arith.constant 0 : i32
      %dma_wait3A_273 = arith.constant 0 : i32
      %dma_wait3A_274 = tpu.memref_slice %arg2[%dma_wait3A_272, %dma_wait3A_273] : memref<10000x64xi32, #tpu.memory_space<hbm>> -> memref<10000x64xi32, #tpu.memory_space<hbm>>
      tpu.wait_indirect_dma semaphore(%arg15 : memref<!tpu.dma_semaphore, #tpu.memory_space<semaphore_mem>>) src(%dma_wait3A_274 : memref<10000x64xi32, #tpu.memory_space<hbm>>) dst(%arg9 : memref<128x64xi32, #tpu.memory_space<vmem>>)
      %dma_wait3A_275 = arith.constant 1 : i32
      %dma_wait3A_276 = arith.constant 0 : i32
      %dma_wait3A_277 = tpu.memref_slice %arg6[%add3A_267, %dma_wait3A_275, %dma_wait3A_276] : memref<61x2x128xi32, #tpu.memory_space<vmem>> -> memref<1x1x128xi32, #tpu.memory_space<vmem>>
      %dma_wait3A_278 = tpu.memref_squeeze %dma_wait3A_277 : memref<1x1x128xi32, #tpu.memory_space<vmem>> -> memref<128xi32, #tpu.memory_space<vmem>>
      %dma_wait3A_279 = arith.constant 0 : i32
      %dma_wait3A_280 = arith.constant 0 : i32
      %dma_wait3A_281 = tpu.memref_slice %arg3[%dma_wait3A_279, %dma_wait3A_280] : memref<10000x64xi32, #tpu.memory_space<hbm>> -> memref<10000x64xi32, #tpu.memory_space<hbm>>
      tpu.wait_indirect_dma semaphore(%arg15 : memref<!tpu.dma_semaphore, #tpu.memory_space<semaphore_mem>>) src(%dma_wait3A_281 : memref<10000x64xi32, #tpu.memory_space<hbm>>) dst(%arg12 : memref<128x64xi32, #tpu.memory_space<vmem>>)
      %sub3A_282 = arith.constant 2 : i32
      %sub3A_283 = arith.subi %add3A_267, %sub3A_282 : i32
      %add3A_284 = arith.addi %select_n3A_8, %sub3A_283 : i32
      %mul3A_285 = arith.constant 128 : i32
      %mul3A_286 = arith.muli %add3A_284, %mul3A_285 : i32
      %multiple_of3A_287 = tpu.assume_multiple %mul3A_286, 128 : i32
      %dma_wait3A_288 = arith.constant 0 : i32
      %dma_wait3A_289 = tpu.memref_slice %arg5[%multiple_of3A_287, %dma_wait3A_288] : memref<163840x64xi32, #tpu.memory_space<hbm>> -> memref<128x64xi32, #tpu.memory_space<hbm>>
      %dma_wait3A_290 = arith.constant 0 : i32
      %dma_wait3A_291 = tpu.memref_slice %arg5[%multiple_of3A_287, %dma_wait3A_290] : memref<163840x64xi32, #tpu.memory_space<hbm>> -> memref<128x64xi32, #tpu.memory_space<hbm>>
      tpu.wait_dma2 semaphore(%arg16 : memref<!tpu.dma_semaphore, #tpu.memory_space<semaphore_mem>>) src(%arg7 : memref<128x64xi32, #tpu.memory_space<vmem>>) dst(%dma_wait3A_291 : memref<128x64xi32, #tpu.memory_space<hbm>>)
      %add3A_292 = arith.constant 1 : i32
      %add3A_293 = arith.addi %add3A_267, %add3A_292 : i32
      %dma_start3A_294 = arith.constant 0 : i32
      %dma_start3A_295 = arith.constant 0 : i32
      %dma_start3A_296 = tpu.memref_slice %arg6[%add3A_293, %dma_start3A_294, %dma_start3A_295] : memref<61x2x128xi32, #tpu.memory_space<vmem>> -> memref<1x1x128xi32, #tpu.memory_space<vmem>>
      %dma_start3A_297 = tpu.memref_squeeze %dma_start3A_296 : memref<1x1x128xi32, #tpu.memory_space<vmem>> -> memref<128xi32, #tpu.memory_space<vmem>>
      %dma_start3A_298 = arith.constant 0 : i32
      %dma_start3A_299 = arith.constant 0 : i32
      %dma_start3A_300 = tpu.memref_slice %arg2[%dma_start3A_298, %dma_start3A_299] : memref<10000x64xi32, #tpu.memory_space<hbm>> -> memref<10000x64xi32, #tpu.memory_space<hbm>>
      tpu.enqueue_indirect_dma source(%dma_start3A_300 : memref<10000x64xi32, #tpu.memory_space<hbm>>) target(%arg7 : memref<128x64xi32, #tpu.memory_space<vmem>>) offsets(%dma_start3A_297 : memref<128xi32, #tpu.memory_space<vmem>>) semaphore(%arg13 : memref<!tpu.dma_semaphore, #tpu.memory_space<semaphore_mem>>)
      %dma_start3A_301 = arith.constant 1 : i32
      %dma_start3A_302 = arith.constant 0 : i32
      %dma_start3A_303 = tpu.memref_slice %arg6[%add3A_293, %dma_start3A_301, %dma_start3A_302] : memref<61x2x128xi32, #tpu.memory_space<vmem>> -> memref<1x1x128xi32, #tpu.memory_space<vmem>>
      %dma_start3A_304 = tpu.memref_squeeze %dma_start3A_303 : memref<1x1x128xi32, #tpu.memory_space<vmem>> -> memref<128xi32, #tpu.memory_space<vmem>>
      %dma_start3A_305 = arith.constant 0 : i32
      %dma_start3A_306 = arith.constant 0 : i32
      %dma_start3A_307 = tpu.memref_slice %arg3[%dma_start3A_305, %dma_start3A_306] : memref<10000x64xi32, #tpu.memory_space<hbm>> -> memref<10000x64xi32, #tpu.memory_space<hbm>>
      tpu.enqueue_indirect_dma source(%dma_start3A_307 : memref<10000x64xi32, #tpu.memory_space<hbm>>) target(%arg10 : memref<128x64xi32, #tpu.memory_space<vmem>>) offsets(%dma_start3A_304 : memref<128xi32, #tpu.memory_space<vmem>>) semaphore(%arg13 : memref<!tpu.dma_semaphore, #tpu.memory_space<semaphore_mem>>)
      %scan3A_308 = arith.constant 0 : i32
      %scan3A_309 = arith.constant 128 : i32
      %scan3A_310 = arith.addi %scan3A_308, %scan3A_309 : i32
      %scan3A_311 = arith.constant 1 : i32
      scf.for %scan3A_431 = %scan3A_308 to %scan3A_310 step %scan3A_311  : i32 {
        %mul3A_432 = arith.constant 1 : i32
        %mul3A_433 = arith.muli %scan3A_431, %mul3A_432 : i32
        %add3A_434 = arith.constant 0 : i32
        %add3A_435 = arith.addi %add3A_434, %mul3A_433 : i32
        %get3A = arith.index_cast %add3A_435 : i32 to index
        %get3A_436 = arith.constant 0 : index
        %get3A_437 = tpu.vector_load %arg9[%get3A, %get3A_436] {strides = array<i32>} : memref<128x64xi32, #tpu.memory_space<vmem>>, vector<16xi32>,
        %bitcast3A = vector.bitcast %get3A_437 : vector<16xi32> to vector<32xbf16>
        %get3A_438 = arith.index_cast %add3A_435 : i32 to index
        %get3A_439 = arith.constant 0 : index
        %get3A_440 = tpu.vector_load %arg12[%get3A_438, %get3A_439] {strides = array<i32>} : memref<128x64xi32, #tpu.memory_space<vmem>>, vector<16xi32>,
        %bitcast3A_441 = vector.bitcast %get3A_440 : vector<16xi32> to vector<32xbf16>
        %add3A_442 = arith.addf %bitcast3A, %bitcast3A_441 : vector<32xbf16>
        %bitcast3A_443 = vector.bitcast %add3A_442 : vector<32xbf16> to vector<16xi32>
        %swap3A = arith.index_cast %add3A_435 : i32 to index
        %swap3A_444 = arith.constant 0 : index
        %swap3A_445 = tpu.vector_load %arg9[%swap3A, %swap3A_444] {strides = array<i32>} : memref<128x64xi32, #tpu.memory_space<vmem>>, vector<16xi32>,
        tpu.vector_store %arg9[%swap3A, %swap3A_444], %bitcast3A_443 {strides = array<i32>} : memref<128x64xi32, #tpu.memory_space<vmem>>, vector<16xi32>,
        %get3A_446 = arith.index_cast %add3A_435 : i32 to index
        %get3A_447 = arith.constant 16 : index
        %get3A_448 = tpu.vector_load %arg9[%get3A_446, %get3A_447] {strides = array<i32>} : memref<128x64xi32, #tpu.memory_space<vmem>>, vector<16xi32>,
        %bitcast3A_449 = vector.bitcast %get3A_448 : vector<16xi32> to vector<32xbf16>
        %get3A_450 = arith.index_cast %add3A_435 : i32 to index
        %get3A_451 = arith.constant 16 : index
        %get3A_452 = tpu.vector_load %arg12[%get3A_450, %get3A_451] {strides = array<i32>} : memref<128x64xi32, #tpu.memory_space<vmem>>, vector<16xi32>,
        %bitcast3A_453 = vector.bitcast %get3A_452 : vector<16xi32> to vector<32xbf16>
        %add3A_454 = arith.addf %bitcast3A_449, %bitcast3A_453 : vector<32xbf16>
        %bitcast3A_455 = vector.bitcast %add3A_454 : vector<32xbf16> to vector<16xi32>
        %swap3A_456 = arith.index_cast %add3A_435 : i32 to index
        %swap3A_457 = arith.constant 16 : index
        %swap3A_458 = tpu.vector_load %arg9[%swap3A_456, %swap3A_457] {strides = array<i32>} : memref<128x64xi32, #tpu.memory_space<vmem>>, vector<16xi32>,
        tpu.vector_store %arg9[%swap3A_456, %swap3A_457], %bitcast3A_455 {strides = array<i32>} : memref<128x64xi32, #tpu.memory_space<vmem>>, vector<16xi32>,
        %get3A_459 = arith.index_cast %add3A_435 : i32 to index
        %get3A_460 = arith.constant 32 : index
        %get3A_461 = tpu.vector_load %arg9[%get3A_459, %get3A_460] {strides = array<i32>} : memref<128x64xi32, #tpu.memory_space<vmem>>, vector<16xi32>,
        %bitcast3A_462 = vector.bitcast %get3A_461 : vector<16xi32> to vector<32xbf16>
        %get3A_463 = arith.index_cast %add3A_435 : i32 to index
        %get3A_464 = arith.constant 32 : index
        %get3A_465 = tpu.vector_load %arg12[%get3A_463, %get3A_464] {strides = array<i32>} : memref<128x64xi32, #tpu.memory_space<vmem>>, vector<16xi32>,
        %bitcast3A_466 = vector.bitcast %get3A_465 : vector<16xi32> to vector<32xbf16>
        %add3A_467 = arith.addf %bitcast3A_462, %bitcast3A_466 : vector<32xbf16>
        %bitcast3A_468 = vector.bitcast %add3A_467 : vector<32xbf16> to vector<16xi32>
        %swap3A_469 = arith.index_cast %add3A_435 : i32 to index
        %swap3A_470 = arith.constant 32 : index
        %swap3A_471 = tpu.vector_load %arg9[%swap3A_469, %swap3A_470] {strides = array<i32>} : memref<128x64xi32, #tpu.memory_space<vmem>>, vector<16xi32>,
        tpu.vector_store %arg9[%swap3A_469, %swap3A_470], %bitcast3A_468 {strides = array<i32>} : memref<128x64xi32, #tpu.memory_space<vmem>>, vector<16xi32>,
        %get3A_472 = arith.index_cast %add3A_435 : i32 to index
        %get3A_473 = arith.constant 48 : index
        %get3A_474 = tpu.vector_load %arg9[%get3A_472, %get3A_473] {strides = array<i32>} : memref<128x64xi32, #tpu.memory_space<vmem>>, vector<16xi32>,
        %bitcast3A_475 = vector.bitcast %get3A_474 : vector<16xi32> to vector<32xbf16>
        %get3A_476 = arith.index_cast %add3A_435 : i32 to index
        %get3A_477 = arith.constant 48 : index
        %get3A_478 = tpu.vector_load %arg12[%get3A_476, %get3A_477] {strides = array<i32>} : memref<128x64xi32, #tpu.memory_space<vmem>>, vector<16xi32>,
        %bitcast3A_479 = vector.bitcast %get3A_478 : vector<16xi32> to vector<32xbf16>
        %add3A_480 = arith.addf %bitcast3A_475, %bitcast3A_479 : vector<32xbf16>
        %bitcast3A_481 = vector.bitcast %add3A_480 : vector<32xbf16> to vector<16xi32>
        %swap3A_482 = arith.index_cast %add3A_435 : i32 to index
        %swap3A_483 = arith.constant 48 : index
        %swap3A_484 = tpu.vector_load %arg9[%swap3A_482, %swap3A_483] {strides = array<i32>} : memref<128x64xi32, #tpu.memory_space<vmem>>, vector<16xi32>,
        tpu.vector_store %arg9[%swap3A_482, %swap3A_483], %bitcast3A_481 {strides = array<i32>} : memref<128x64xi32, #tpu.memory_space<vmem>>, vector<16xi32>,
      }
      %scan3A_312 = arith.constant 128 : i32
      %add3A_313 = arith.addi %select_n3A_8, %add3A_267 : i32
      %mul3A_314 = arith.constant 128 : i32
      %mul3A_315 = arith.muli %add3A_313, %mul3A_314 : i32
      %multiple_of3A_316 = tpu.assume_multiple %mul3A_315, 128 : i32
      %dma_start3A_317 = arith.constant 0 : i32
      %dma_start3A_318 = tpu.memref_slice %arg5[%multiple_of3A_316, %dma_start3A_317] : memref<163840x64xi32, #tpu.memory_space<hbm>> -> memref<128x64xi32, #tpu.memory_space<hbm>>
      %dma_start3A_319 = arith.constant 0 : i32
      %dma_start3A_320 = tpu.memref_slice %arg5[%multiple_of3A_316, %dma_start3A_319] : memref<163840x64xi32, #tpu.memory_space<hbm>> -> memref<128x64xi32, #tpu.memory_space<hbm>>
      tpu.enqueue_dma source(%arg9 : memref<128x64xi32, #tpu.memory_space<vmem>>) target(%dma_start3A_320 : memref<128x64xi32, #tpu.memory_space<hbm>>) target_semaphore(%arg18 : memref<!tpu.dma_semaphore, #tpu.memory_space<semaphore_mem>>)
      %add3A_321 = arith.constant 1 : i32
      %add3A_322 = arith.addi %add3A_265, %add3A_321 : i32
      %dma_wait3A_323 = arith.constant 0 : i32
      %dma_wait3A_324 = arith.constant 0 : i32
      %dma_wait3A_325 = tpu.memref_slice %arg6[%add3A_322, %dma_wait3A_323, %dma_wait3A_324] : memref<61x2x128xi32, #tpu.memory_space<vmem>> -> memref<1x1x128xi32, #tpu.memory_space<vmem>>
      %dma_wait3A_326 = tpu.memref_squeeze %dma_wait3A_325 : memref<1x1x128xi32, #tpu.memory_space<vmem>> -> memref<128xi32, #tpu.memory_space<vmem>>
      %dma_wait3A_327 = arith.constant 0 : i32
      %dma_wait3A_328 = arith.constant 0 : i32
      %dma_wait3A_329 = tpu.memref_slice %arg2[%dma_wait3A_327, %dma_wait3A_328] : memref<10000x64xi32, #tpu.memory_space<hbm>> -> memref<10000x64xi32, #tpu.memory_space<hbm>>
      tpu.wait_indirect_dma semaphore(%arg13 : memref<!tpu.dma_semaphore, #tpu.memory_space<semaphore_mem>>) src(%dma_wait3A_329 : memref<10000x64xi32, #tpu.memory_space<hbm>>) dst(%arg7 : memref<128x64xi32, #tpu.memory_space<vmem>>)
      %dma_wait3A_330 = arith.constant 1 : i32
      %dma_wait3A_331 = arith.constant 0 : i32
      %dma_wait3A_332 = tpu.memref_slice %arg6[%add3A_322, %dma_wait3A_330, %dma_wait3A_331] : memref<61x2x128xi32, #tpu.memory_space<vmem>> -> memref<1x1x128xi32, #tpu.memory_space<vmem>>
      %dma_wait3A_333 = tpu.memref_squeeze %dma_wait3A_332 : memref<1x1x128xi32, #tpu.memory_space<vmem>> -> memref<128xi32, #tpu.memory_space<vmem>>
      %dma_wait3A_334 = arith.constant 0 : i32
      %dma_wait3A_335 = arith.constant 0 : i32
      %dma_wait3A_336 = tpu.memref_slice %arg3[%dma_wait3A_334, %dma_wait3A_335] : memref<10000x64xi32, #tpu.memory_space<hbm>> -> memref<10000x64xi32, #tpu.memory_space<hbm>>
      tpu.wait_indirect_dma semaphore(%arg13 : memref<!tpu.dma_semaphore, #tpu.memory_space<semaphore_mem>>) src(%dma_wait3A_336 : memref<10000x64xi32, #tpu.memory_space<hbm>>) dst(%arg10 : memref<128x64xi32, #tpu.memory_space<vmem>>)
      %sub3A_337 = arith.constant 2 : i32
      %sub3A_338 = arith.subi %add3A_322, %sub3A_337 : i32
      %add3A_339 = arith.addi %select_n3A_8, %sub3A_338 : i32
      %mul3A_340 = arith.constant 128 : i32
      %mul3A_341 = arith.muli %add3A_339, %mul3A_340 : i32
      %multiple_of3A_342 = tpu.assume_multiple %mul3A_341, 128 : i32
      %dma_wait3A_343 = arith.constant 0 : i32
      %dma_wait3A_344 = tpu.memref_slice %arg5[%multiple_of3A_342, %dma_wait3A_343] : memref<163840x64xi32, #tpu.memory_space<hbm>> -> memref<128x64xi32, #tpu.memory_space<hbm>>
      %dma_wait3A_345 = arith.constant 0 : i32
      %dma_wait3A_346 = tpu.memref_slice %arg5[%multiple_of3A_342, %dma_wait3A_345] : memref<163840x64xi32, #tpu.memory_space<hbm>> -> memref<128x64xi32, #tpu.memory_space<hbm>>
      tpu.wait_dma2 semaphore(%arg17 : memref<!tpu.dma_semaphore, #tpu.memory_space<semaphore_mem>>) src(%arg8 : memref<128x64xi32, #tpu.memory_space<vmem>>) dst(%dma_wait3A_346 : memref<128x64xi32, #tpu.memory_space<hbm>>)
      %add3A_347 = arith.constant 1 : i32
      %add3A_348 = arith.addi %add3A_322, %add3A_347 : i32
      %dma_start3A_349 = arith.constant 0 : i32
      %dma_start3A_350 = arith.constant 0 : i32
      %dma_start3A_351 = tpu.memref_slice %arg6[%add3A_348, %dma_start3A_349, %dma_start3A_350] : memref<61x2x128xi32, #tpu.memory_space<vmem>> -> memref<1x1x128xi32, #tpu.memory_space<vmem>>
      %dma_start3A_352 = tpu.memref_squeeze %dma_start3A_351 : memref<1x1x128xi32, #tpu.memory_space<vmem>> -> memref<128xi32, #tpu.memory_space<vmem>>
      %dma_start3A_353 = arith.constant 0 : i32
      %dma_start3A_354 = arith.constant 0 : i32
      %dma_start3A_355 = tpu.memref_slice %arg2[%dma_start3A_353, %dma_start3A_354] : memref<10000x64xi32, #tpu.memory_space<hbm>> -> memref<10000x64xi32, #tpu.memory_space<hbm>>
      tpu.enqueue_indirect_dma source(%dma_start3A_355 : memref<10000x64xi32, #tpu.memory_space<hbm>>) target(%arg8 : memref<128x64xi32, #tpu.memory_space<vmem>>) offsets(%dma_start3A_352 : memref<128xi32, #tpu.memory_space<vmem>>) semaphore(%arg14 : memref<!tpu.dma_semaphore, #tpu.memory_space<semaphore_mem>>)
      %dma_start3A_356 = arith.constant 1 : i32
      %dma_start3A_357 = arith.constant 0 : i32
      %dma_start3A_358 = tpu.memref_slice %arg6[%add3A_348, %dma_start3A_356, %dma_start3A_357] : memref<61x2x128xi32, #tpu.memory_space<vmem>> -> memref<1x1x128xi32, #tpu.memory_space<vmem>>
      %dma_start3A_359 = tpu.memref_squeeze %dma_start3A_358 : memref<1x1x128xi32, #tpu.memory_space<vmem>> -> memref<128xi32, #tpu.memory_space<vmem>>
      %dma_start3A_360 = arith.constant 0 : i32
      %dma_start3A_361 = arith.constant 0 : i32
      %dma_start3A_362 = tpu.memref_slice %arg3[%dma_start3A_360, %dma_start3A_361] : memref<10000x64xi32, #tpu.memory_space<hbm>> -> memref<10000x64xi32, #tpu.memory_space<hbm>>
      tpu.enqueue_indirect_dma source(%dma_start3A_362 : memref<10000x64xi32, #tpu.memory_space<hbm>>) target(%arg11 : memref<128x64xi32, #tpu.memory_space<vmem>>) offsets(%dma_start3A_359 : memref<128xi32, #tpu.memory_space<vmem>>) semaphore(%arg14 : memref<!tpu.dma_semaphore, #tpu.memory_space<semaphore_mem>>)
      %scan3A_363 = arith.constant 0 : i32
      %scan3A_364 = arith.constant 128 : i32
      %scan3A_365 = arith.addi %scan3A_363, %scan3A_364 : i32
      %scan3A_366 = arith.constant 1 : i32
      scf.for %scan3A_431 = %scan3A_363 to %scan3A_365 step %scan3A_366  : i32 {
        %mul3A_432 = arith.constant 1 : i32
        %mul3A_433 = arith.muli %scan3A_431, %mul3A_432 : i32
        %add3A_434 = arith.constant 0 : i32
        %add3A_435 = arith.addi %add3A_434, %mul3A_433 : i32
        %get3A = arith.index_cast %add3A_435 : i32 to index
        %get3A_436 = arith.constant 0 : index
        %get3A_437 = tpu.vector_load %arg7[%get3A, %get3A_436] {strides = array<i32>} : memref<128x64xi32, #tpu.memory_space<vmem>>, vector<16xi32>,
        %bitcast3A = vector.bitcast %get3A_437 : vector<16xi32> to vector<32xbf16>
        %get3A_438 = arith.index_cast %add3A_435 : i32 to index
        %get3A_439 = arith.constant 0 : index
        %get3A_440 = tpu.vector_load %arg10[%get3A_438, %get3A_439] {strides = array<i32>} : memref<128x64xi32, #tpu.memory_space<vmem>>, vector<16xi32>,
        %bitcast3A_441 = vector.bitcast %get3A_440 : vector<16xi32> to vector<32xbf16>
        %add3A_442 = arith.addf %bitcast3A, %bitcast3A_441 : vector<32xbf16>
        %bitcast3A_443 = vector.bitcast %add3A_442 : vector<32xbf16> to vector<16xi32>
        %swap3A = arith.index_cast %add3A_435 : i32 to index
        %swap3A_444 = arith.constant 0 : index
        %swap3A_445 = tpu.vector_load %arg7[%swap3A, %swap3A_444] {strides = array<i32>} : memref<128x64xi32, #tpu.memory_space<vmem>>, vector<16xi32>,
        tpu.vector_store %arg7[%swap3A, %swap3A_444], %bitcast3A_443 {strides = array<i32>} : memref<128x64xi32, #tpu.memory_space<vmem>>, vector<16xi32>,
        %get3A_446 = arith.index_cast %add3A_435 : i32 to index
        %get3A_447 = arith.constant 16 : index
        %get3A_448 = tpu.vector_load %arg7[%get3A_446, %get3A_447] {strides = array<i32>} : memref<128x64xi32, #tpu.memory_space<vmem>>, vector<16xi32>,
        %bitcast3A_449 = vector.bitcast %get3A_448 : vector<16xi32> to vector<32xbf16>
        %get3A_450 = arith.index_cast %add3A_435 : i32 to index
        %get3A_451 = arith.constant 16 : index
        %get3A_452 = tpu.vector_load %arg10[%get3A_450, %get3A_451] {strides = array<i32>} : memref<128x64xi32, #tpu.memory_space<vmem>>, vector<16xi32>,
        %bitcast3A_453 = vector.bitcast %get3A_452 : vector<16xi32> to vector<32xbf16>
        %add3A_454 = arith.addf %bitcast3A_449, %bitcast3A_453 : vector<32xbf16>
        %bitcast3A_455 = vector.bitcast %add3A_454 : vector<32xbf16> to vector<16xi32>
        %swap3A_456 = arith.index_cast %add3A_435 : i32 to index
        %swap3A_457 = arith.constant 16 : index
        %swap3A_458 = tpu.vector_load %arg7[%swap3A_456, %swap3A_457] {strides = array<i32>} : memref<128x64xi32, #tpu.memory_space<vmem>>, vector<16xi32>,
        tpu.vector_store %arg7[%swap3A_456, %swap3A_457], %bitcast3A_455 {strides = array<i32>} : memref<128x64xi32, #tpu.memory_space<vmem>>, vector<16xi32>,
        %get3A_459 = arith.index_cast %add3A_435 : i32 to index
        %get3A_460 = arith.constant 32 : index
        %get3A_461 = tpu.vector_load %arg7[%get3A_459, %get3A_460] {strides = array<i32>} : memref<128x64xi32, #tpu.memory_space<vmem>>, vector<16xi32>,
        %bitcast3A_462 = vector.bitcast %get3A_461 : vector<16xi32> to vector<32xbf16>
        %get3A_463 = arith.index_cast %add3A_435 : i32 to index
        %get3A_464 = arith.constant 32 : index
        %get3A_465 = tpu.vector_load %arg10[%get3A_463, %get3A_464] {strides = array<i32>} : memref<128x64xi32, #tpu.memory_space<vmem>>, vector<16xi32>,
        %bitcast3A_466 = vector.bitcast %get3A_465 : vector<16xi32> to vector<32xbf16>
        %add3A_467 = arith.addf %bitcast3A_462, %bitcast3A_466 : vector<32xbf16>
        %bitcast3A_468 = vector.bitcast %add3A_467 : vector<32xbf16> to vector<16xi32>
        %swap3A_469 = arith.index_cast %add3A_435 : i32 to index
        %swap3A_470 = arith.constant 32 : index
        %swap3A_471 = tpu.vector_load %arg7[%swap3A_469, %swap3A_470] {strides = array<i32>} : memref<128x64xi32, #tpu.memory_space<vmem>>, vector<16xi32>,
        tpu.vector_store %arg7[%swap3A_469, %swap3A_470], %bitcast3A_468 {strides = array<i32>} : memref<128x64xi32, #tpu.memory_space<vmem>>, vector<16xi32>,
        %get3A_472 = arith.index_cast %add3A_435 : i32 to index
        %get3A_473 = arith.constant 48 : index
        %get3A_474 = tpu.vector_load %arg7[%get3A_472, %get3A_473] {strides = array<i32>} : memref<128x64xi32, #tpu.memory_space<vmem>>, vector<16xi32>,
        %bitcast3A_475 = vector.bitcast %get3A_474 : vector<16xi32> to vector<32xbf16>
        %get3A_476 = arith.index_cast %add3A_435 : i32 to index
        %get3A_477 = arith.constant 48 : index
        %get3A_478 = tpu.vector_load %arg10[%get3A_476, %get3A_477] {strides = array<i32>} : memref<128x64xi32, #tpu.memory_space<vmem>>, vector<16xi32>,
        %bitcast3A_479 = vector.bitcast %get3A_478 : vector<16xi32> to vector<32xbf16>
        %add3A_480 = arith.addf %bitcast3A_475, %bitcast3A_479 : vector<32xbf16>
        %bitcast3A_481 = vector.bitcast %add3A_480 : vector<32xbf16> to vector<16xi32>
        %swap3A_482 = arith.index_cast %add3A_435 : i32 to index
        %swap3A_483 = arith.constant 48 : index
        %swap3A_484 = tpu.vector_load %arg7[%swap3A_482, %swap3A_483] {strides = array<i32>} : memref<128x64xi32, #tpu.memory_space<vmem>>, vector<16xi32>,
        tpu.vector_store %arg7[%swap3A_482, %swap3A_483], %bitcast3A_481 {strides = array<i32>} : memref<128x64xi32, #tpu.memory_space<vmem>>, vector<16xi32>,
      }
      %scan3A_367 = arith.constant 128 : i32
      %add3A_368 = arith.addi %select_n3A_8, %add3A_322 : i32
      %mul3A_369 = arith.constant 128 : i32
      %mul3A_370 = arith.muli %add3A_368, %mul3A_369 : i32
      %multiple_of3A_371 = tpu.assume_multiple %mul3A_370, 128 : i32
      %dma_start3A_372 = arith.constant 0 : i32
      %dma_start3A_373 = tpu.memref_slice %arg5[%multiple_of3A_371, %dma_start3A_372] : memref<163840x64xi32, #tpu.memory_space<hbm>> -> memref<128x64xi32, #tpu.memory_space<hbm>>
      %dma_start3A_374 = arith.constant 0 : i32
      %dma_start3A_375 = tpu.memref_slice %arg5[%multiple_of3A_371, %dma_start3A_374] : memref<163840x64xi32, #tpu.memory_space<hbm>> -> memref<128x64xi32, #tpu.memory_space<hbm>>
      tpu.enqueue_dma source(%arg7 : memref<128x64xi32, #tpu.memory_space<vmem>>) target(%dma_start3A_375 : memref<128x64xi32, #tpu.memory_space<hbm>>) target_semaphore(%arg16 : memref<!tpu.dma_semaphore, #tpu.memory_space<semaphore_mem>>)
      %add3A_376 = arith.constant 2 : i32
      %add3A_377 = arith.addi %add3A_265, %add3A_376 : i32
      %dma_wait3A_378 = arith.constant 0 : i32
      %dma_wait3A_379 = arith.constant 0 : i32
      %dma_wait3A_380 = tpu.memref_slice %arg6[%add3A_377, %dma_wait3A_378, %dma_wait3A_379] : memref<61x2x128xi32, #tpu.memory_space<vmem>> -> memref<1x1x128xi32, #tpu.memory_space<vmem>>
      %dma_wait3A_381 = tpu.memref_squeeze %dma_wait3A_380 : memref<1x1x128xi32, #tpu.memory_space<vmem>> -> memref<128xi32, #tpu.memory_space<vmem>>
      %dma_wait3A_382 = arith.constant 0 : i32
      %dma_wait3A_383 = arith.constant 0 : i32
      %dma_wait3A_384 = tpu.memref_slice %arg2[%dma_wait3A_382, %dma_wait3A_383] : memref<10000x64xi32, #tpu.memory_space<hbm>> -> memref<10000x64xi32, #tpu.memory_space<hbm>>
      tpu.wait_indirect_dma semaphore(%arg14 : memref<!tpu.dma_semaphore, #tpu.memory_space<semaphore_mem>>) src(%dma_wait3A_384 : memref<10000x64xi32, #tpu.memory_space<hbm>>) dst(%arg8 : memref<128x64xi32, #tpu.memory_space<vmem>>)
      %dma_wait3A_385 = arith.constant 1 : i32
      %dma_wait3A_386 = arith.constant 0 : i32
      %dma_wait3A_387 = tpu.memref_slice %arg6[%add3A_377, %dma_wait3A_385, %dma_wait3A_386] : memref<61x2x128xi32, #tpu.memory_space<vmem>> -> memref<1x1x128xi32, #tpu.memory_space<vmem>>
      %dma_wait3A_388 = tpu.memref_squeeze %dma_wait3A_387 : memref<1x1x128xi32, #tpu.memory_space<vmem>> -> memref<128xi32, #tpu.memory_space<vmem>>
      %dma_wait3A_389 = arith.constant 0 : i32
      %dma_wait3A_390 = arith.constant 0 : i32
      %dma_wait3A_391 = tpu.memref_slice %arg3[%dma_wait3A_389, %dma_wait3A_390] : memref<10000x64xi32, #tpu.memory_space<hbm>> -> memref<10000x64xi32, #tpu.memory_space<hbm>>
      tpu.wait_indirect_dma semaphore(%arg14 : memref<!tpu.dma_semaphore, #tpu.memory_space<semaphore_mem>>) src(%dma_wait3A_391 : memref<10000x64xi32, #tpu.memory_space<hbm>>) dst(%arg11 : memref<128x64xi32, #tpu.memory_space<vmem>>)
      %sub3A_392 = arith.constant 2 : i32
      %sub3A_393 = arith.subi %add3A_377, %sub3A_392 : i32
      %add3A_394 = arith.addi %select_n3A_8, %sub3A_393 : i32
      %mul3A_395 = arith.constant 128 : i32
      %mul3A_396 = arith.muli %add3A_394, %mul3A_395 : i32
      %multiple_of3A_397 = tpu.assume_multiple %mul3A_396, 128 : i32
      %dma_wait3A_398 = arith.constant 0 : i32
      %dma_wait3A_399 = tpu.memref_slice %arg5[%multiple_of3A_397, %dma_wait3A_398] : memref<163840x64xi32, #tpu.memory_space<hbm>> -> memref<128x64xi32, #tpu.memory_space<hbm>>
      %dma_wait3A_400 = arith.constant 0 : i32
      %dma_wait3A_401 = tpu.memref_slice %arg5[%multiple_of3A_397, %dma_wait3A_400] : memref<163840x64xi32, #tpu.memory_space<hbm>> -> memref<128x64xi32, #tpu.memory_space<hbm>>
      tpu.wait_dma2 semaphore(%arg18 : memref<!tpu.dma_semaphore, #tpu.memory_space<semaphore_mem>>) src(%arg9 : memref<128x64xi32, #tpu.memory_space<vmem>>) dst(%dma_wait3A_401 : memref<128x64xi32, #tpu.memory_space<hbm>>)
      %add3A_402 = arith.constant 1 : i32
      %add3A_403 = arith.addi %add3A_377, %add3A_402 : i32
      %dma_start3A_404 = arith.constant 0 : i32
      %dma_start3A_405 = arith.constant 0 : i32
      %dma_start3A_406 = tpu.memref_slice %arg6[%add3A_403, %dma_start3A_404, %dma_start3A_405] : memref<61x2x128xi32, #tpu.memory_space<vmem>> -> memref<1x1x128xi32, #tpu.memory_space<vmem>>
      %dma_start3A_407 = tpu.memref_squeeze %dma_start3A_406 : memref<1x1x128xi32, #tpu.memory_space<vmem>> -> memref<128xi32, #tpu.memory_space<vmem>>
      %dma_start3A_408 = arith.constant 0 : i32
      %dma_start3A_409 = arith.constant 0 : i32
      %dma_start3A_410 = tpu.memref_slice %arg2[%dma_start3A_408, %dma_start3A_409] : memref<10000x64xi32, #tpu.memory_space<hbm>> -> memref<10000x64xi32, #tpu.memory_space<hbm>>
      tpu.enqueue_indirect_dma source(%dma_start3A_410 : memref<10000x64xi32, #tpu.memory_space<hbm>>) target(%arg9 : memref<128x64xi32, #tpu.memory_space<vmem>>) offsets(%dma_start3A_407 : memref<128xi32, #tpu.memory_space<vmem>>) semaphore(%arg15 : memref<!tpu.dma_semaphore, #tpu.memory_space<semaphore_mem>>)
      %dma_start3A_411 = arith.constant 1 : i32
      %dma_start3A_412 = arith.constant 0 : i32
      %dma_start3A_413 = tpu.memref_slice %arg6[%add3A_403, %dma_start3A_411, %dma_start3A_412] : memref<61x2x128xi32, #tpu.memory_space<vmem>> -> memref<1x1x128xi32, #tpu.memory_space<vmem>>
      %dma_start3A_414 = tpu.memref_squeeze %dma_start3A_413 : memref<1x1x128xi32, #tpu.memory_space<vmem>> -> memref<128xi32, #tpu.memory_space<vmem>>
      %dma_start3A_415 = arith.constant 0 : i32
      %dma_start3A_416 = arith.constant 0 : i32
      %dma_start3A_417 = tpu.memref_slice %arg3[%dma_start3A_415, %dma_start3A_416] : memref<10000x64xi32, #tpu.memory_space<hbm>> -> memref<10000x64xi32, #tpu.memory_space<hbm>>
      tpu.enqueue_indirect_dma source(%dma_start3A_417 : memref<10000x64xi32, #tpu.memory_space<hbm>>) target(%arg12 : memref<128x64xi32, #tpu.memory_space<vmem>>) offsets(%dma_start3A_414 : memref<128xi32, #tpu.memory_space<vmem>>) semaphore(%arg15 : memref<!tpu.dma_semaphore, #tpu.memory_space<semaphore_mem>>)
      %scan3A_418 = arith.constant 0 : i32
      %scan3A_419 = arith.constant 128 : i32
      %scan3A_420 = arith.addi %scan3A_418, %scan3A_419 : i32
      %scan3A_421 = arith.constant 1 : i32
      scf.for %scan3A_431 = %scan3A_418 to %scan3A_420 step %scan3A_421  : i32 {
        %mul3A_432 = arith.constant 1 : i32
        %mul3A_433 = arith.muli %scan3A_431, %mul3A_432 : i32
        %add3A_434 = arith.constant 0 : i32
        %add3A_435 = arith.addi %add3A_434, %mul3A_433 : i32
        %get3A = arith.index_cast %add3A_435 : i32 to index
        %get3A_436 = arith.constant 0 : index
        %get3A_437 = tpu.vector_load %arg8[%get3A, %get3A_436] {strides = array<i32>} : memref<128x64xi32, #tpu.memory_space<vmem>>, vector<16xi32>,
        %bitcast3A = vector.bitcast %get3A_437 : vector<16xi32> to vector<32xbf16>
        %get3A_438 = arith.index_cast %add3A_435 : i32 to index
        %get3A_439 = arith.constant 0 : index
        %get3A_440 = tpu.vector_load %arg11[%get3A_438, %get3A_439] {strides = array<i32>} : memref<128x64xi32, #tpu.memory_space<vmem>>, vector<16xi32>,
        %bitcast3A_441 = vector.bitcast %get3A_440 : vector<16xi32> to vector<32xbf16>
        %add3A_442 = arith.addf %bitcast3A, %bitcast3A_441 : vector<32xbf16>
        %bitcast3A_443 = vector.bitcast %add3A_442 : vector<32xbf16> to vector<16xi32>
        %swap3A = arith.index_cast %add3A_435 : i32 to index
        %swap3A_444 = arith.constant 0 : index
        %swap3A_445 = tpu.vector_load %arg8[%swap3A, %swap3A_444] {strides = array<i32>} : memref<128x64xi32, #tpu.memory_space<vmem>>, vector<16xi32>,
        tpu.vector_store %arg8[%swap3A, %swap3A_444], %bitcast3A_443 {strides = array<i32>} : memref<128x64xi32, #tpu.memory_space<vmem>>, vector<16xi32>,
        %get3A_446 = arith.index_cast %add3A_435 : i32 to index
        %get3A_447 = arith.constant 16 : index
        %get3A_448 = tpu.vector_load %arg8[%get3A_446, %get3A_447] {strides = array<i32>} : memref<128x64xi32, #tpu.memory_space<vmem>>, vector<16xi32>,
        %bitcast3A_449 = vector.bitcast %get3A_448 : vector<16xi32> to vector<32xbf16>
        %get3A_450 = arith.index_cast %add3A_435 : i32 to index
        %get3A_451 = arith.constant 16 : index
        %get3A_452 = tpu.vector_load %arg11[%get3A_450, %get3A_451] {strides = array<i32>} : memref<128x64xi32, #tpu.memory_space<vmem>>, vector<16xi32>,
        %bitcast3A_453 = vector.bitcast %get3A_452 : vector<16xi32> to vector<32xbf16>
        %add3A_454 = arith.addf %bitcast3A_449, %bitcast3A_453 : vector<32xbf16>
        %bitcast3A_455 = vector.bitcast %add3A_454 : vector<32xbf16> to vector<16xi32>
        %swap3A_456 = arith.index_cast %add3A_435 : i32 to index
        %swap3A_457 = arith.constant 16 : index
        %swap3A_458 = tpu.vector_load %arg8[%swap3A_456, %swap3A_457] {strides = array<i32>} : memref<128x64xi32, #tpu.memory_space<vmem>>, vector<16xi32>,
        tpu.vector_store %arg8[%swap3A_456, %swap3A_457], %bitcast3A_455 {strides = array<i32>} : memref<128x64xi32, #tpu.memory_space<vmem>>, vector<16xi32>,
        %get3A_459 = arith.index_cast %add3A_435 : i32 to index
        %get3A_460 = arith.constant 32 : index
        %get3A_461 = tpu.vector_load %arg8[%get3A_459, %get3A_460] {strides = array<i32>} : memref<128x64xi32, #tpu.memory_space<vmem>>, vector<16xi32>,
        %bitcast3A_462 = vector.bitcast %get3A_461 : vector<16xi32> to vector<32xbf16>
        %get3A_463 = arith.index_cast %add3A_435 : i32 to index
        %get3A_464 = arith.constant 32 : index
        %get3A_465 = tpu.vector_load %arg11[%get3A_463, %get3A_464] {strides = array<i32>} : memref<128x64xi32, #tpu.memory_space<vmem>>, vector<16xi32>,
        %bitcast3A_466 = vector.bitcast %get3A_465 : vector<16xi32> to vector<32xbf16>
        %add3A_467 = arith.addf %bitcast3A_462, %bitcast3A_466 : vector<32xbf16>
        %bitcast3A_468 = vector.bitcast %add3A_467 : vector<32xbf16> to vector<16xi32>
        %swap3A_469 = arith.index_cast %add3A_435 : i32 to index
        %swap3A_470 = arith.constant 32 : index
        %swap3A_471 = tpu.vector_load %arg8[%swap3A_469, %swap3A_470] {strides = array<i32>} : memref<128x64xi32, #tpu.memory_space<vmem>>, vector<16xi32>,
        tpu.vector_store %arg8[%swap3A_469, %swap3A_470], %bitcast3A_468 {strides = array<i32>} : memref<128x64xi32, #tpu.memory_space<vmem>>, vector<16xi32>,
        %get3A_472 = arith.index_cast %add3A_435 : i32 to index
        %get3A_473 = arith.constant 48 : index
        %get3A_474 = tpu.vector_load %arg8[%get3A_472, %get3A_473] {strides = array<i32>} : memref<128x64xi32, #tpu.memory_space<vmem>>, vector<16xi32>,
        %bitcast3A_475 = vector.bitcast %get3A_474 : vector<16xi32> to vector<32xbf16>
        %get3A_476 = arith.index_cast %add3A_435 : i32 to index
        %get3A_477 = arith.constant 48 : index
        %get3A_478 = tpu.vector_load %arg11[%get3A_476, %get3A_477] {strides = array<i32>} : memref<128x64xi32, #tpu.memory_space<vmem>>, vector<16xi32>,
        %bitcast3A_479 = vector.bitcast %get3A_478 : vector<16xi32> to vector<32xbf16>
        %add3A_480 = arith.addf %bitcast3A_475, %bitcast3A_479 : vector<32xbf16>
        %bitcast3A_481 = vector.bitcast %add3A_480 : vector<32xbf16> to vector<16xi32>
        %swap3A_482 = arith.index_cast %add3A_435 : i32 to index
        %swap3A_483 = arith.constant 48 : index
        %swap3A_484 = tpu.vector_load %arg8[%swap3A_482, %swap3A_483] {strides = array<i32>} : memref<128x64xi32, #tpu.memory_space<vmem>>, vector<16xi32>,
        tpu.vector_store %arg8[%swap3A_482, %swap3A_483], %bitcast3A_481 {strides = array<i32>} : memref<128x64xi32, #tpu.memory_space<vmem>>, vector<16xi32>,
      }
      %scan3A_422 = arith.constant 128 : i32
      %add3A_423 = arith.addi %select_n3A_8, %add3A_377 : i32
      %mul3A_424 = arith.constant 128 : i32
      %mul3A_425 = arith.muli %add3A_423, %mul3A_424 : i32
      %multiple_of3A_426 = tpu.assume_multiple %mul3A_425, 128 : i32
      %dma_start3A_427 = arith.constant 0 : i32
      %dma_start3A_428 = tpu.memref_slice %arg5[%multiple_of3A_426, %dma_start3A_427] : memref<163840x64xi32, #tpu.memory_space<hbm>> -> memref<128x64xi32, #tpu.memory_space<hbm>>
      %dma_start3A_429 = arith.constant 0 : i32
      %dma_start3A_430 = tpu.memref_slice %arg5[%multiple_of3A_426, %dma_start3A_429] : memref<163840x64xi32, #tpu.memory_space<hbm>> -> memref<128x64xi32, #tpu.memory_space<hbm>>
      tpu.enqueue_dma source(%arg8 : memref<128x64xi32, #tpu.memory_space<vmem>>) target(%dma_start3A_430 : memref<128x64xi32, #tpu.memory_space<hbm>>) target_semaphore(%arg17 : memref<!tpu.dma_semaphore, #tpu.memory_space<semaphore_mem>>)
    }
    %while3A_150 = arith.constant 1 : i32
    scf.for %while3A_259 = %while3A_148 to %while3A_144 step %while3A_150  : i32 {
      %mul3A_260 = arith.muli %while3A_259, %while3A : i32
      %add3A_261 = arith.addi %while3A_141, %mul3A_260 : i32
      %mul3A_262 = arith.constant 3 : i32
      %mul3A_263 = arith.muli %mul3A_262, %add3A_261 : i32
      %add3A_264 = arith.constant 2 : i32
      %add3A_265 = arith.addi %add3A_264, %mul3A_263 : i32
      %add3A_266 = arith.constant 0 : i32
      %add3A_267 = arith.addi %add3A_265, %add3A_266 : i32
      %dma_wait3A_268 = arith.constant 0 : i32
      %dma_wait3A_269 = arith.constant 0 : i32
      %dma_wait3A_270 = tpu.memref_slice %arg6[%add3A_267, %dma_wait3A_268, %dma_wait3A_269] : memref<61x2x128xi32, #tpu.memory_space<vmem>> -> memref<1x1x128xi32, #tpu.memory_space<vmem>>
      %dma_wait3A_271 = tpu.memref_squeeze %dma_wait3A_270 : memref<1x1x128xi32, #tpu.memory_space<vmem>> -> memref<128xi32, #tpu.memory_space<vmem>>
      %dma_wait3A_272 = arith.constant 0 : i32
      %dma_wait3A_273 = arith.constant 0 : i32
      %dma_wait3A_274 = tpu.memref_slice %arg2[%dma_wait3A_272, %dma_wait3A_273] : memref<10000x64xi32, #tpu.memory_space<hbm>> -> memref<10000x64xi32, #tpu.memory_space<hbm>>
      tpu.wait_indirect_dma semaphore(%arg15 : memref<!tpu.dma_semaphore, #tpu.memory_space<semaphore_mem>>) src(%dma_wait3A_274 : memref<10000x64xi32, #tpu.memory_space<hbm>>) dst(%arg9 : memref<128x64xi32, #tpu.memory_space<vmem>>)
      %dma_wait3A_275 = arith.constant 1 : i32
      %dma_wait3A_276 = arith.constant 0 : i32
      %dma_wait3A_277 = tpu.memref_slice %arg6[%add3A_267, %dma_wait3A_275, %dma_wait3A_276] : memref<61x2x128xi32, #tpu.memory_space<vmem>> -> memref<1x1x128xi32, #tpu.memory_space<vmem>>
      %dma_wait3A_278 = tpu.memref_squeeze %dma_wait3A_277 : memref<1x1x128xi32, #tpu.memory_space<vmem>> -> memref<128xi32, #tpu.memory_space<vmem>>
      %dma_wait3A_279 = arith.constant 0 : i32
      %dma_wait3A_280 = arith.constant 0 : i32
      %dma_wait3A_281 = tpu.memref_slice %arg3[%dma_wait3A_279, %dma_wait3A_280] : memref<10000x64xi32, #tpu.memory_space<hbm>> -> memref<10000x64xi32, #tpu.memory_space<hbm>>
      tpu.wait_indirect_dma semaphore(%arg15 : memref<!tpu.dma_semaphore, #tpu.memory_space<semaphore_mem>>) src(%dma_wait3A_281 : memref<10000x64xi32, #tpu.memory_space<hbm>>) dst(%arg12 : memref<128x64xi32, #tpu.memory_space<vmem>>)
      %sub3A_282 = arith.constant 2 : i32
      %sub3A_283 = arith.subi %add3A_267, %sub3A_282 : i32
      %add3A_284 = arith.addi %select_n3A_8, %sub3A_283 : i32
      %mul3A_285 = arith.constant 128 : i32
      %mul3A_286 = arith.muli %add3A_284, %mul3A_285 : i32
      %multiple_of3A_287 = tpu.assume_multiple %mul3A_286, 128 : i32
      %dma_wait3A_288 = arith.constant 0 : i32
      %dma_wait3A_289 = tpu.memref_slice %arg5[%multiple_of3A_287, %dma_wait3A_288] : memref<163840x64xi32, #tpu.memory_space<hbm>> -> memref<128x64xi32, #tpu.memory_space<hbm>>
      %dma_wait3A_290 = arith.constant 0 : i32
      %dma_wait3A_291 = tpu.memref_slice %arg5[%multiple_of3A_287, %dma_wait3A_290] : memref<163840x64xi32, #tpu.memory_space<hbm>> -> memref<128x64xi32, #tpu.memory_space<hbm>>
      tpu.wait_dma2 semaphore(%arg16 : memref<!tpu.dma_semaphore, #tpu.memory_space<semaphore_mem>>) src(%arg7 : memref<128x64xi32, #tpu.memory_space<vmem>>) dst(%dma_wait3A_291 : memref<128x64xi32, #tpu.memory_space<hbm>>)
      %add3A_292 = arith.constant 1 : i32
      %add3A_293 = arith.addi %add3A_267, %add3A_292 : i32
      %dma_start3A_294 = arith.constant 0 : i32
      %dma_start3A_295 = arith.constant 0 : i32
      %dma_start3A_296 = tpu.memref_slice %arg6[%add3A_293, %dma_start3A_294, %dma_start3A_295] : memref<61x2x128xi32, #tpu.memory_space<vmem>> -> memref<1x1x128xi32, #tpu.memory_space<vmem>>
      %dma_start3A_297 = tpu.memref_squeeze %dma_start3A_296 : memref<1x1x128xi32, #tpu.memory_space<vmem>> -> memref<128xi32, #tpu.memory_space<vmem>>
      %dma_start3A_298 = arith.constant 0 : i32
      %dma_start3A_299 = arith.constant 0 : i32
      %dma_start3A_300 = tpu.memref_slice %arg2[%dma_start3A_298, %dma_start3A_299] : memref<10000x64xi32, #tpu.memory_space<hbm>> -> memref<10000x64xi32, #tpu.memory_space<hbm>>
      tpu.enqueue_indirect_dma source(%dma_start3A_300 : memref<10000x64xi32, #tpu.memory_space<hbm>>) target(%arg7 : memref<128x64xi32, #tpu.memory_space<vmem>>) offsets(%dma_start3A_297 : memref<128xi32, #tpu.memory_space<vmem>>) semaphore(%arg13 : memref<!tpu.dma_semaphore, #tpu.memory_space<semaphore_mem>>)
      %dma_start3A_301 = arith.constant 1 : i32
      %dma_start3A_302 = arith.constant 0 : i32
      %dma_start3A_303 = tpu.memref_slice %arg6[%add3A_293, %dma_start3A_301, %dma_start3A_302] : memref<61x2x128xi32, #tpu.memory_space<vmem>> -> memref<1x1x128xi32, #tpu.memory_space<vmem>>
      %dma_start3A_304 = tpu.memref_squeeze %dma_start3A_303 : memref<1x1x128xi32, #tpu.memory_space<vmem>> -> memref<128xi32, #tpu.memory_space<vmem>>
      %dma_start3A_305 = arith.constant 0 : i32
      %dma_start3A_306 = arith.constant 0 : i32
      %dma_start3A_307 = tpu.memref_slice %arg3[%dma_start3A_305, %dma_start3A_306] : memref<10000x64xi32, #tpu.memory_space<hbm>> -> memref<10000x64xi32, #tpu.memory_space<hbm>>
      tpu.enqueue_indirect_dma source(%dma_start3A_307 : memref<10000x64xi32, #tpu.memory_space<hbm>>) target(%arg10 : memref<128x64xi32, #tpu.memory_space<vmem>>) offsets(%dma_start3A_304 : memref<128xi32, #tpu.memory_space<vmem>>) semaphore(%arg13 : memref<!tpu.dma_semaphore, #tpu.memory_space<semaphore_mem>>)
      %scan3A_308 = arith.constant 0 : i32
      %scan3A_309 = arith.constant 128 : i32
      %scan3A_310 = arith.addi %scan3A_308, %scan3A_309 : i32
      %scan3A_311 = arith.constant 1 : i32
      scf.for %scan3A_431 = %scan3A_308 to %scan3A_310 step %scan3A_311  : i32 {
        %mul3A_432 = arith.constant 1 : i32
        %mul3A_433 = arith.muli %scan3A_431, %mul3A_432 : i32
        %add3A_434 = arith.constant 0 : i32
        %add3A_435 = arith.addi %add3A_434, %mul3A_433 : i32
        %get3A = arith.index_cast %add3A_435 : i32 to index
        %get3A_436 = arith.constant 0 : index
        %get3A_437 = tpu.vector_load %arg9[%get3A, %get3A_436] {strides = array<i32>} : memref<128x64xi32, #tpu.memory_space<vmem>>, vector<16xi32>,
        %bitcast3A = vector.bitcast %get3A_437 : vector<16xi32> to vector<32xbf16>
        %get3A_438 = arith.index_cast %add3A_435 : i32 to index
        %get3A_439 = arith.constant 0 : index
        %get3A_440 = tpu.vector_load %arg12[%get3A_438, %get3A_439] {strides = array<i32>} : memref<128x64xi32, #tpu.memory_space<vmem>>, vector<16xi32>,
        %bitcast3A_441 = vector.bitcast %get3A_440 : vector<16xi32> to vector<32xbf16>
        %add3A_442 = arith.addf %bitcast3A, %bitcast3A_441 : vector<32xbf16>
        %bitcast3A_443 = vector.bitcast %add3A_442 : vector<32xbf16> to vector<16xi32>
        %swap3A = arith.index_cast %add3A_435 : i32 to index
        %swap3A_444 = arith.constant 0 : index
        %swap3A_445 = tpu.vector_load %arg9[%swap3A, %swap3A_444] {strides = array<i32>} : memref<128x64xi32, #tpu.memory_space<vmem>>, vector<16xi32>,
        tpu.vector_store %arg9[%swap3A, %swap3A_444], %bitcast3A_443 {strides = array<i32>} : memref<128x64xi32, #tpu.memory_space<vmem>>, vector<16xi32>,
        %get3A_446 = arith.index_cast %add3A_435 : i32 to index
        %get3A_447 = arith.constant 16 : index
        %get3A_448 = tpu.vector_load %arg9[%get3A_446, %get3A_447] {strides = array<i32>} : memref<128x64xi32, #tpu.memory_space<vmem>>, vector<16xi32>,
        %bitcast3A_449 = vector.bitcast %get3A_448 : vector<16xi32> to vector<32xbf16>
        %get3A_450 = arith.index_cast %add3A_435 : i32 to index
        %get3A_451 = arith.constant 16 : index
        %get3A_452 = tpu.vector_load %arg12[%get3A_450, %get3A_451] {strides = array<i32>} : memref<128x64xi32, #tpu.memory_space<vmem>>, vector<16xi32>,
        %bitcast3A_453 = vector.bitcast %get3A_452 : vector<16xi32> to vector<32xbf16>
        %add3A_454 = arith.addf %bitcast3A_449, %bitcast3A_453 : vector<32xbf16>
        %bitcast3A_455 = vector.bitcast %add3A_454 : vector<32xbf16> to vector<16xi32>
        %swap3A_456 = arith.index_cast %add3A_435 : i32 to index
        %swap3A_457 = arith.constant 16 : index
        %swap3A_458 = tpu.vector_load %arg9[%swap3A_456, %swap3A_457] {strides = array<i32>} : memref<128x64xi32, #tpu.memory_space<vmem>>, vector<16xi32>,
        tpu.vector_store %arg9[%swap3A_456, %swap3A_457], %bitcast3A_455 {strides = array<i32>} : memref<128x64xi32, #tpu.memory_space<vmem>>, vector<16xi32>,
        %get3A_459 = arith.index_cast %add3A_435 : i32 to index
        %get3A_460 = arith.constant 32 : index
        %get3A_461 = tpu.vector_load %arg9[%get3A_459, %get3A_460] {strides = array<i32>} : memref<128x64xi32, #tpu.memory_space<vmem>>, vector<16xi32>,
        %bitcast3A_462 = vector.bitcast %get3A_461 : vector<16xi32> to vector<32xbf16>
        %get3A_463 = arith.index_cast %add3A_435 : i32 to index
        %get3A_464 = arith.constant 32 : index
        %get3A_465 = tpu.vector_load %arg12[%get3A_463, %get3A_464] {strides = array<i32>} : memref<128x64xi32, #tpu.memory_space<vmem>>, vector<16xi32>,
        %bitcast3A_466 = vector.bitcast %get3A_465 : vector<16xi32> to vector<32xbf16>
        %add3A_467 = arith.addf %bitcast3A_462, %bitcast3A_466 : vector<32xbf16>
        %bitcast3A_468 = vector.bitcast %add3A_467 : vector<32xbf16> to vector<16xi32>
        %swap3A_469 = arith.index_cast %add3A_435 : i32 to index
        %swap3A_470 = arith.constant 32 : index
        %swap3A_471 = tpu.vector_load %arg9[%swap3A_469, %swap3A_470] {strides = array<i32>} : memref<128x64xi32, #tpu.memory_space<vmem>>, vector<16xi32>,
        tpu.vector_store %arg9[%swap3A_469, %swap3A_470], %bitcast3A_468 {strides = array<i32>} : memref<128x64xi32, #tpu.memory_space<vmem>>, vector<16xi32>,
        %get3A_472 = arith.index_cast %add3A_435 : i32 to index
        %get3A_473 = arith.constant 48 : index
        %get3A_474 = tpu.vector_load %arg9[%get3A_472, %get3A_473] {strides = array<i32>} : memref<128x64xi32, #tpu.memory_space<vmem>>, vector<16xi32>,
        %bitcast3A_475 = vector.bitcast %get3A_474 : vector<16xi32> to vector<32xbf16>
        %get3A_476 = arith.index_cast %add3A_435 : i32 to index
        %get3A_477 = arith.constant 48 : index
        %get3A_478 = tpu.vector_load %arg12[%get3A_476, %get3A_477] {strides = array<i32>} : memref<128x64xi32, #tpu.memory_space<vmem>>, vector<16xi32>,
        %bitcast3A_479 = vector.bitcast %get3A_478 : vector<16xi32> to vector<32xbf16>
        %add3A_480 = arith.addf %bitcast3A_475, %bitcast3A_479 : vector<32xbf16>
        %bitcast3A_481 = vector.bitcast %add3A_480 : vector<32xbf16> to vector<16xi32>
        %swap3A_482 = arith.index_cast %add3A_435 : i32 to index
        %swap3A_483 = arith.constant 48 : index
        %swap3A_484 = tpu.vector_load %arg9[%swap3A_482, %swap3A_483] {strides = array<i32>} : memref<128x64xi32, #tpu.memory_space<vmem>>, vector<16xi32>,
        tpu.vector_store %arg9[%swap3A_482, %swap3A_483], %bitcast3A_481 {strides = array<i32>} : memref<128x64xi32, #tpu.memory_space<vmem>>, vector<16xi32>,
      }
      %scan3A_312 = arith.constant 128 : i32
      %add3A_313 = arith.addi %select_n3A_8, %add3A_267 : i32
      %mul3A_314 = arith.constant 128 : i32
      %mul3A_315 = arith.muli %add3A_313, %mul3A_314 : i32
      %multiple_of3A_316 = tpu.assume_multiple %mul3A_315, 128 : i32
      %dma_start3A_317 = arith.constant 0 : i32
      %dma_start3A_318 = tpu.memref_slice %arg5[%multiple_of3A_316, %dma_start3A_317] : memref<163840x64xi32, #tpu.memory_space<hbm>> -> memref<128x64xi32, #tpu.memory_space<hbm>>
      %dma_start3A_319 = arith.constant 0 : i32
      %dma_start3A_320 = tpu.memref_slice %arg5[%multiple_of3A_316, %dma_start3A_319] : memref<163840x64xi32, #tpu.memory_space<hbm>> -> memref<128x64xi32, #tpu.memory_space<hbm>>
      tpu.enqueue_dma source(%arg9 : memref<128x64xi32, #tpu.memory_space<vmem>>) target(%dma_start3A_320 : memref<128x64xi32, #tpu.memory_space<hbm>>) target_semaphore(%arg18 : memref<!tpu.dma_semaphore, #tpu.memory_space<semaphore_mem>>)
      %add3A_321 = arith.constant 1 : i32
      %add3A_322 = arith.addi %add3A_265, %add3A_321 : i32
      %dma_wait3A_323 = arith.constant 0 : i32
      %dma_wait3A_324 = arith.constant 0 : i32
      %dma_wait3A_325 = tpu.memref_slice %arg6[%add3A_322, %dma_wait3A_323, %dma_wait3A_324] : memref<61x2x128xi32, #tpu.memory_space<vmem>> -> memref<1x1x128xi32, #tpu.memory_space<vmem>>
      %dma_wait3A_326 = tpu.memref_squeeze %dma_wait3A_325 : memref<1x1x128xi32, #tpu.memory_space<vmem>> -> memref<128xi32, #tpu.memory_space<vmem>>
      %dma_wait3A_327 = arith.constant 0 : i32
      %dma_wait3A_328 = arith.constant 0 : i32
      %dma_wait3A_329 = tpu.memref_slice %arg2[%dma_wait3A_327, %dma_wait3A_328] : memref<10000x64xi32, #tpu.memory_space<hbm>> -> memref<10000x64xi32, #tpu.memory_space<hbm>>
      tpu.wait_indirect_dma semaphore(%arg13 : memref<!tpu.dma_semaphore, #tpu.memory_space<semaphore_mem>>) src(%dma_wait3A_329 : memref<10000x64xi32, #tpu.memory_space<hbm>>) dst(%arg7 : memref<128x64xi32, #tpu.memory_space<vmem>>)
      %dma_wait3A_330 = arith.constant 1 : i32
      %dma_wait3A_331 = arith.constant 0 : i32
      %dma_wait3A_332 = tpu.memref_slice %arg6[%add3A_322, %dma_wait3A_330, %dma_wait3A_331] : memref<61x2x128xi32, #tpu.memory_space<vmem>> -> memref<1x1x128xi32, #tpu.memory_space<vmem>>
      %dma_wait3A_333 = tpu.memref_squeeze %dma_wait3A_332 : memref<1x1x128xi32, #tpu.memory_space<vmem>> -> memref<128xi32, #tpu.memory_space<vmem>>
      %dma_wait3A_334 = arith.constant 0 : i32
      %dma_wait3A_335 = arith.constant 0 : i32
      %dma_wait3A_336 = tpu.memref_slice %arg3[%dma_wait3A_334, %dma_wait3A_335] : memref<10000x64xi32, #tpu.memory_space<hbm>> -> memref<10000x64xi32, #tpu.memory_space<hbm>>
      tpu.wait_indirect_dma semaphore(%arg13 : memref<!tpu.dma_semaphore, #tpu.memory_space<semaphore_mem>>) src(%dma_wait3A_336 : memref<10000x64xi32, #tpu.memory_space<hbm>>) dst(%arg10 : memref<128x64xi32, #tpu.memory_space<vmem>>)
      %sub3A_337 = arith.constant 2 : i32
      %sub3A_338 = arith.subi %add3A_322, %sub3A_337 : i32
      %add3A_339 = arith.addi %select_n3A_8, %sub3A_338 : i32
      %mul3A_340 = arith.constant 128 : i32
      %mul3A_341 = arith.muli %add3A_339, %mul3A_340 : i32
      %multiple_of3A_342 = tpu.assume_multiple %mul3A_341, 128 : i32
      %dma_wait3A_343 = arith.constant 0 : i32
      %dma_wait3A_344 = tpu.memref_slice %arg5[%multiple_of3A_342, %dma_wait3A_343] : memref<163840x64xi32, #tpu.memory_space<hbm>> -> memref<128x64xi32, #tpu.memory_space<hbm>>
      %dma_wait3A_345 = arith.constant 0 : i32
      %dma_wait3A_346 = tpu.memref_slice %arg5[%multiple_of3A_342, %dma_wait3A_345] : memref<163840x64xi32, #tpu.memory_space<hbm>> -> memref<128x64xi32, #tpu.memory_space<hbm>>
      tpu.wait_dma2 semaphore(%arg17 : memref<!tpu.dma_semaphore, #tpu.memory_space<semaphore_mem>>) src(%arg8 : memref<128x64xi32, #tpu.memory_space<vmem>>) dst(%dma_wait3A_346 : memref<128x64xi32, #tpu.memory_space<hbm>>)
      %add3A_347 = arith.constant 1 : i32
      %add3A_348 = arith.addi %add3A_322, %add3A_347 : i32
      %dma_start3A_349 = arith.constant 0 : i32
      %dma_start3A_350 = arith.constant 0 : i32
      %dma_start3A_351 = tpu.memref_slice %arg6[%add3A_348, %dma_start3A_349, %dma_start3A_350] : memref<61x2x128xi32, #tpu.memory_space<vmem>> -> memref<1x1x128xi32, #tpu.memory_space<vmem>>
      %dma_start3A_352 = tpu.memref_squeeze %dma_start3A_351 : memref<1x1x128xi32, #tpu.memory_space<vmem>> -> memref<128xi32, #tpu.memory_space<vmem>>
      %dma_start3A_353 = arith.constant 0 : i32
      %dma_start3A_354 = arith.constant 0 : i32
      %dma_start3A_355 = tpu.memref_slice %arg2[%dma_start3A_353, %dma_start3A_354] : memref<10000x64xi32, #tpu.memory_space<hbm>> -> memref<10000x64xi32, #tpu.memory_space<hbm>>
      tpu.enqueue_indirect_dma source(%dma_start3A_355 : memref<10000x64xi32, #tpu.memory_space<hbm>>) target(%arg8 : memref<128x64xi32, #tpu.memory_space<vmem>>) offsets(%dma_start3A_352 : memref<128xi32, #tpu.memory_space<vmem>>) semaphore(%arg14 : memref<!tpu.dma_semaphore, #tpu.memory_space<semaphore_mem>>)
      %dma_start3A_356 = arith.constant 1 : i32
      %dma_start3A_357 = arith.constant 0 : i32
      %dma_start3A_358 = tpu.memref_slice %arg6[%add3A_348, %dma_start3A_356, %dma_start3A_357] : memref<61x2x128xi32, #tpu.memory_space<vmem>> -> memref<1x1x128xi32, #tpu.memory_space<vmem>>
      %dma_start3A_359 = tpu.memref_squeeze %dma_start3A_358 : memref<1x1x128xi32, #tpu.memory_space<vmem>> -> memref<128xi32, #tpu.memory_space<vmem>>
      %dma_start3A_360 = arith.constant 0 : i32
      %dma_start3A_361 = arith.constant 0 : i32
      %dma_start3A_362 = tpu.memref_slice %arg3[%dma_start3A_360, %dma_start3A_361] : memref<10000x64xi32, #tpu.memory_space<hbm>> -> memref<10000x64xi32, #tpu.memory_space<hbm>>
      tpu.enqueue_indirect_dma source(%dma_start3A_362 : memref<10000x64xi32, #tpu.memory_space<hbm>>) target(%arg11 : memref<128x64xi32, #tpu.memory_space<vmem>>) offsets(%dma_start3A_359 : memref<128xi32, #tpu.memory_space<vmem>>) semaphore(%arg14 : memref<!tpu.dma_semaphore, #tpu.memory_space<semaphore_mem>>)
      %scan3A_363 = arith.constant 0 : i32
      %scan3A_364 = arith.constant 128 : i32
      %scan3A_365 = arith.addi %scan3A_363, %scan3A_364 : i32
      %scan3A_366 = arith.constant 1 : i32
      scf.for %scan3A_431 = %scan3A_363 to %scan3A_365 step %scan3A_366  : i32 {
        %mul3A_432 = arith.constant 1 : i32
        %mul3A_433 = arith.muli %scan3A_431, %mul3A_432 : i32
        %add3A_434 = arith.constant 0 : i32
        %add3A_435 = arith.addi %add3A_434, %mul3A_433 : i32
        %get3A = arith.index_cast %add3A_435 : i32 to index
        %get3A_436 = arith.constant 0 : index
        %get3A_437 = tpu.vector_load %arg7[%get3A, %get3A_436] {strides = array<i32>} : memref<128x64xi32, #tpu.memory_space<vmem>>, vector<16xi32>,
        %bitcast3A = vector.bitcast %get3A_437 : vector<16xi32> to vector<32xbf16>
        %get3A_438 = arith.index_cast %add3A_435 : i32 to index
        %get3A_439 = arith.constant 0 : index
        %get3A_440 = tpu.vector_load %arg10[%get3A_438, %get3A_439] {strides = array<i32>} : memref<128x64xi32, #tpu.memory_space<vmem>>, vector<16xi32>,
        %bitcast3A_441 = vector.bitcast %get3A_440 : vector<16xi32> to vector<32xbf16>
        %add3A_442 = arith.addf %bitcast3A, %bitcast3A_441 : vector<32xbf16>
        %bitcast3A_443 = vector.bitcast %add3A_442 : vector<32xbf16> to vector<16xi32>
        %swap3A = arith.index_cast %add3A_435 : i32 to index
        %swap3A_444 = arith.constant 0 : index
        %swap3A_445 = tpu.vector_load %arg7[%swap3A, %swap3A_444] {strides = array<i32>} : memref<128x64xi32, #tpu.memory_space<vmem>>, vector<16xi32>,
        tpu.vector_store %arg7[%swap3A, %swap3A_444], %bitcast3A_443 {strides = array<i32>} : memref<128x64xi32, #tpu.memory_space<vmem>>, vector<16xi32>,
        %get3A_446 = arith.index_cast %add3A_435 : i32 to index
        %get3A_447 = arith.constant 16 : index
        %get3A_448 = tpu.vector_load %arg7[%get3A_446, %get3A_447] {strides = array<i32>} : memref<128x64xi32, #tpu.memory_space<vmem>>, vector<16xi32>,
        %bitcast3A_449 = vector.bitcast %get3A_448 : vector<16xi32> to vector<32xbf16>
        %get3A_450 = arith.index_cast %add3A_435 : i32 to index
        %get3A_451 = arith.constant 16 : index
        %get3A_452 = tpu.vector_load %arg10[%get3A_450, %get3A_451] {strides = array<i32>} : memref<128x64xi32, #tpu.memory_space<vmem>>, vector<16xi32>,
        %bitcast3A_453 = vector.bitcast %get3A_452 : vector<16xi32> to vector<32xbf16>
        %add3A_454 = arith.addf %bitcast3A_449, %bitcast3A_453 : vector<32xbf16>
        %bitcast3A_455 = vector.bitcast %add3A_454 : vector<32xbf16> to vector<16xi32>
        %swap3A_456 = arith.index_cast %add3A_435 : i32 to index
        %swap3A_457 = arith.constant 16 : index
        %swap3A_458 = tpu.vector_load %arg7[%swap3A_456, %swap3A_457] {strides = array<i32>} : memref<128x64xi32, #tpu.memory_space<vmem>>, vector<16xi32>,
        tpu.vector_store %arg7[%swap3A_456, %swap3A_457], %bitcast3A_455 {strides = array<i32>} : memref<128x64xi32, #tpu.memory_space<vmem>>, vector<16xi32>,
        %get3A_459 = arith.index_cast %add3A_435 : i32 to index
        %get3A_460 = arith.constant 32 : index
        %get3A_461 = tpu.vector_load %arg7[%get3A_459, %get3A_460] {strides = array<i32>} : memref<128x64xi32, #tpu.memory_space<vmem>>, vector<16xi32>,
        %bitcast3A_462 = vector.bitcast %get3A_461 : vector<16xi32> to vector<32xbf16>
        %get3A_463 = arith.index_cast %add3A_435 : i32 to index
        %get3A_464 = arith.constant 32 : index
        %get3A_465 = tpu.vector_load %arg10[%get3A_463, %get3A_464] {strides = array<i32>} : memref<128x64xi32, #tpu.memory_space<vmem>>, vector<16xi32>,
        %bitcast3A_466 = vector.bitcast %get3A_465 : vector<16xi32> to vector<32xbf16>
        %add3A_467 = arith.addf %bitcast3A_462, %bitcast3A_466 : vector<32xbf16>
        %bitcast3A_468 = vector.bitcast %add3A_467 : vector<32xbf16> to vector<16xi32>
        %swap3A_469 = arith.index_cast %add3A_435 : i32 to index
        %swap3A_470 = arith.constant 32 : index
        %swap3A_471 = tpu.vector_load %arg7[%swap3A_469, %swap3A_470] {strides = array<i32>} : memref<128x64xi32, #tpu.memory_space<vmem>>, vector<16xi32>,
        tpu.vector_store %arg7[%swap3A_469, %swap3A_470], %bitcast3A_468 {strides = array<i32>} : memref<128x64xi32, #tpu.memory_space<vmem>>, vector<16xi32>,
        %get3A_472 = arith.index_cast %add3A_435 : i32 to index
        %get3A_473 = arith.constant 48 : index
        %get3A_474 = tpu.vector_load %arg7[%get3A_472, %get3A_473] {strides = array<i32>} : memref<128x64xi32, #tpu.memory_space<vmem>>, vector<16xi32>,
        %bitcast3A_475 = vector.bitcast %get3A_474 : vector<16xi32> to vector<32xbf16>
        %get3A_476 = arith.index_cast %add3A_435 : i32 to index
        %get3A_477 = arith.constant 48 : index
        %get3A_478 = tpu.vector_load %arg10[%get3A_476, %get3A_477] {strides = array<i32>} : memref<128x64xi32, #tpu.memory_space<vmem>>, vector<16xi32>,
        %bitcast3A_479 = vector.bitcast %get3A_478 : vector<16xi32> to vector<32xbf16>
        %add3A_480 = arith.addf %bitcast3A_475, %bitcast3A_479 : vector<32xbf16>
        %bitcast3A_481 = vector.bitcast %add3A_480 : vector<32xbf16> to vector<16xi32>
        %swap3A_482 = arith.index_cast %add3A_435 : i32 to index
        %swap3A_483 = arith.constant 48 : index
        %swap3A_484 = tpu.vector_load %arg7[%swap3A_482, %swap3A_483] {strides = array<i32>} : memref<128x64xi32, #tpu.memory_space<vmem>>, vector<16xi32>,
        tpu.vector_store %arg7[%swap3A_482, %swap3A_483], %bitcast3A_481 {strides = array<i32>} : memref<128x64xi32, #tpu.memory_space<vmem>>, vector<16xi32>,
      }
      %scan3A_367 = arith.constant 128 : i32
      %add3A_368 = arith.addi %select_n3A_8, %add3A_322 : i32
      %mul3A_369 = arith.constant 128 : i32
      %mul3A_370 = arith.muli %add3A_368, %mul3A_369 : i32
      %multiple_of3A_371 = tpu.assume_multiple %mul3A_370, 128 : i32
      %dma_start3A_372 = arith.constant 0 : i32
      %dma_start3A_373 = tpu.memref_slice %arg5[%multiple_of3A_371, %dma_start3A_372] : memref<163840x64xi32, #tpu.memory_space<hbm>> -> memref<128x64xi32, #tpu.memory_space<hbm>>
      %dma_start3A_374 = arith.constant 0 : i32
      %dma_start3A_375 = tpu.memref_slice %arg5[%multiple_of3A_371, %dma_start3A_374] : memref<163840x64xi32, #tpu.memory_space<hbm>> -> memref<128x64xi32, #tpu.memory_space<hbm>>
      tpu.enqueue_dma source(%arg7 : memref<128x64xi32, #tpu.memory_space<vmem>>) target(%dma_start3A_375 : memref<128x64xi32, #tpu.memory_space<hbm>>) target_semaphore(%arg16 : memref<!tpu.dma_semaphore, #tpu.memory_space<semaphore_mem>>)
      %add3A_376 = arith.constant 2 : i32
      %add3A_377 = arith.addi %add3A_265, %add3A_376 : i32
      %dma_wait3A_378 = arith.constant 0 : i32
      %dma_wait3A_379 = arith.constant 0 : i32
      %dma_wait3A_380 = tpu.memref_slice %arg6[%add3A_377, %dma_wait3A_378, %dma_wait3A_379] : memref<61x2x128xi32, #tpu.memory_space<vmem>> -> memref<1x1x128xi32, #tpu.memory_space<vmem>>
      %dma_wait3A_381 = tpu.memref_squeeze %dma_wait3A_380 : memref<1x1x128xi32, #tpu.memory_space<vmem>> -> memref<128xi32, #tpu.memory_space<vmem>>
      %dma_wait3A_382 = arith.constant 0 : i32
      %dma_wait3A_383 = arith.constant 0 : i32
      %dma_wait3A_384 = tpu.memref_slice %arg2[%dma_wait3A_382, %dma_wait3A_383] : memref<10000x64xi32, #tpu.memory_space<hbm>> -> memref<10000x64xi32, #tpu.memory_space<hbm>>
      tpu.wait_indirect_dma semaphore(%arg14 : memref<!tpu.dma_semaphore, #tpu.memory_space<semaphore_mem>>) src(%dma_wait3A_384 : memref<10000x64xi32, #tpu.memory_space<hbm>>) dst(%arg8 : memref<128x64xi32, #tpu.memory_space<vmem>>)
      %dma_wait3A_385 = arith.constant 1 : i32
      %dma_wait3A_386 = arith.constant 0 : i32
      %dma_wait3A_387 = tpu.memref_slice %arg6[%add3A_377, %dma_wait3A_385, %dma_wait3A_386] : memref<61x2x128xi32, #tpu.memory_space<vmem>> -> memref<1x1x128xi32, #tpu.memory_space<vmem>>
      %dma_wait3A_388 = tpu.memref_squeeze %dma_wait3A_387 : memref<1x1x128xi32, #tpu.memory_space<vmem>> -> memref<128xi32, #tpu.memory_space<vmem>>
      %dma_wait3A_389 = arith.constant 0 : i32
      %dma_wait3A_390 = arith.constant 0 : i32
      %dma_wait3A_391 = tpu.memref_slice %arg3[%dma_wait3A_389, %dma_wait3A_390] : memref<10000x64xi32, #tpu.memory_space<hbm>> -> memref<10000x64xi32, #tpu.memory_space<hbm>>
      tpu.wait_indirect_dma semaphore(%arg14 : memref<!tpu.dma_semaphore, #tpu.memory_space<semaphore_mem>>) src(%dma_wait3A_391 : memref<10000x64xi32, #tpu.memory_space<hbm>>) dst(%arg11 : memref<128x64xi32, #tpu.memory_space<vmem>>)
      %sub3A_392 = arith.constant 2 : i32
      %sub3A_393 = arith.subi %add3A_377, %sub3A_392 : i32
      %add3A_394 = arith.addi %select_n3A_8, %sub3A_393 : i32
      %mul3A_395 = arith.constant 128 : i32
      %mul3A_396 = arith.muli %add3A_394, %mul3A_395 : i32
      %multiple_of3A_397 = tpu.assume_multiple %mul3A_396, 128 : i32
      %dma_wait3A_398 = arith.constant 0 : i32
      %dma_wait3A_399 = tpu.memref_slice %arg5[%multiple_of3A_397, %dma_wait3A_398] : memref<163840x64xi32, #tpu.memory_space<hbm>> -> memref<128x64xi32, #tpu.memory_space<hbm>>
      %dma_wait3A_400 = arith.constant 0 : i32
      %dma_wait3A_401 = tpu.memref_slice %arg5[%multiple_of3A_397, %dma_wait3A_400] : memref<163840x64xi32, #tpu.memory_space<hbm>> -> memref<128x64xi32, #tpu.memory_space<hbm>>
      tpu.wait_dma2 semaphore(%arg18 : memref<!tpu.dma_semaphore, #tpu.memory_space<semaphore_mem>>) src(%arg9 : memref<128x64xi32, #tpu.memory_space<vmem>>) dst(%dma_wait3A_401 : memref<128x64xi32, #tpu.memory_space<hbm>>)
      %add3A_402 = arith.constant 1 : i32
      %add3A_403 = arith.addi %add3A_377, %add3A_402 : i32
      %dma_start3A_404 = arith.constant 0 : i32
      %dma_start3A_405 = arith.constant 0 : i32
      %dma_start3A_406 = tpu.memref_slice %arg6[%add3A_403, %dma_start3A_404, %dma_start3A_405] : memref<61x2x128xi32, #tpu.memory_space<vmem>> -> memref<1x1x128xi32, #tpu.memory_space<vmem>>
      %dma_start3A_407 = tpu.memref_squeeze %dma_start3A_406 : memref<1x1x128xi32, #tpu.memory_space<vmem>> -> memref<128xi32, #tpu.memory_space<vmem>>
      %dma_start3A_408 = arith.constant 0 : i32
      %dma_start3A_409 = arith.constant 0 : i32
      %dma_start3A_410 = tpu.memref_slice %arg2[%dma_start3A_408, %dma_start3A_409] : memref<10000x64xi32, #tpu.memory_space<hbm>> -> memref<10000x64xi32, #tpu.memory_space<hbm>>
      tpu.enqueue_indirect_dma source(%dma_start3A_410 : memref<10000x64xi32, #tpu.memory_space<hbm>>) target(%arg9 : memref<128x64xi32, #tpu.memory_space<vmem>>) offsets(%dma_start3A_407 : memref<128xi32, #tpu.memory_space<vmem>>) semaphore(%arg15 : memref<!tpu.dma_semaphore, #tpu.memory_space<semaphore_mem>>)
      %dma_start3A_411 = arith.constant 1 : i32
      %dma_start3A_412 = arith.constant 0 : i32
      %dma_start3A_413 = tpu.memref_slice %arg6[%add3A_403, %dma_start3A_411, %dma_start3A_412] : memref<61x2x128xi32, #tpu.memory_space<vmem>> -> memref<1x1x128xi32, #tpu.memory_space<vmem>>
      %dma_start3A_414 = tpu.memref_squeeze %dma_start3A_413 : memref<1x1x128xi32, #tpu.memory_space<vmem>> -> memref<128xi32, #tpu.memory_space<vmem>>
      %dma_start3A_415 = arith.constant 0 : i32
      %dma_start3A_416 = arith.constant 0 : i32
      %dma_start3A_417 = tpu.memref_slice %arg3[%dma_start3A_415, %dma_start3A_416] : memref<10000x64xi32, #tpu.memory_space<hbm>> -> memref<10000x64xi32, #tpu.memory_space<hbm>>
      tpu.enqueue_indirect_dma source(%dma_start3A_417 : memref<10000x64xi32, #tpu.memory_space<hbm>>) target(%arg12 : memref<128x64xi32, #tpu.memory_space<vmem>>) offsets(%dma_start3A_414 : memref<128xi32, #tpu.memory_space<vmem>>) semaphore(%arg15 : memref<!tpu.dma_semaphore, #tpu.memory_space<semaphore_mem>>)
      %scan3A_418 = arith.constant 0 : i32
      %scan3A_419 = arith.constant 128 : i32
      %scan3A_420 = arith.addi %scan3A_418, %scan3A_419 : i32
      %scan3A_421 = arith.constant 1 : i32
      scf.for %scan3A_431 = %scan3A_418 to %scan3A_420 step %scan3A_421  : i32 {
        %mul3A_432 = arith.constant 1 : i32
        %mul3A_433 = arith.muli %scan3A_431, %mul3A_432 : i32
        %add3A_434 = arith.constant 0 : i32
        %add3A_435 = arith.addi %add3A_434, %mul3A_433 : i32
        %get3A = arith.index_cast %add3A_435 : i32 to index
        %get3A_436 = arith.constant 0 : index
        %get3A_437 = tpu.vector_load %arg8[%get3A, %get3A_436] {strides = array<i32>} : memref<128x64xi32, #tpu.memory_space<vmem>>, vector<16xi32>,
        %bitcast3A = vector.bitcast %get3A_437 : vector<16xi32> to vector<32xbf16>
        %get3A_438 = arith.index_cast %add3A_435 : i32 to index
        %get3A_439 = arith.constant 0 : index
        %get3A_440 = tpu.vector_load %arg11[%get3A_438, %get3A_439] {strides = array<i32>} : memref<128x64xi32, #tpu.memory_space<vmem>>, vector<16xi32>,
        %bitcast3A_441 = vector.bitcast %get3A_440 : vector<16xi32> to vector<32xbf16>
        %add3A_442 = arith.addf %bitcast3A, %bitcast3A_441 : vector<32xbf16>
        %bitcast3A_443 = vector.bitcast %add3A_442 : vector<32xbf16> to vector<16xi32>
        %swap3A = arith.index_cast %add3A_435 : i32 to index
        %swap3A_444 = arith.constant 0 : index
        %swap3A_445 = tpu.vector_load %arg8[%swap3A, %swap3A_444] {strides = array<i32>} : memref<128x64xi32, #tpu.memory_space<vmem>>, vector<16xi32>,
        tpu.vector_store %arg8[%swap3A, %swap3A_444], %bitcast3A_443 {strides = array<i32>} : memref<128x64xi32, #tpu.memory_space<vmem>>, vector<16xi32>,
        %get3A_446 = arith.index_cast %add3A_435 : i32 to index
        %get3A_447 = arith.constant 16 : index
        %get3A_448 = tpu.vector_load %arg8[%get3A_446, %get3A_447] {strides = array<i32>} : memref<128x64xi32, #tpu.memory_space<vmem>>, vector<16xi32>,
        %bitcast3A_449 = vector.bitcast %get3A_448 : vector<16xi32> to vector<32xbf16>
        %get3A_450 = arith.index_cast %add3A_435 : i32 to index
        %get3A_451 = arith.constant 16 : index
        %get3A_452 = tpu.vector_load %arg11[%get3A_450, %get3A_451] {strides = array<i32>} : memref<128x64xi32, #tpu.memory_space<vmem>>, vector<16xi32>,
        %bitcast3A_453 = vector.bitcast %get3A_452 : vector<16xi32> to vector<32xbf16>
        %add3A_454 = arith.addf %bitcast3A_449, %bitcast3A_453 : vector<32xbf16>
        %bitcast3A_455 = vector.bitcast %add3A_454 : vector<32xbf16> to vector<16xi32>
        %swap3A_456 = arith.index_cast %add3A_435 : i32 to index
        %swap3A_457 = arith.constant 16 : index
        %swap3A_458 = tpu.vector_load %arg8[%swap3A_456, %swap3A_457] {strides = array<i32>} : memref<128x64xi32, #tpu.memory_space<vmem>>, vector<16xi32>,
        tpu.vector_store %arg8[%swap3A_456, %swap3A_457], %bitcast3A_455 {strides = array<i32>} : memref<128x64xi32, #tpu.memory_space<vmem>>, vector<16xi32>,
        %get3A_459 = arith.index_cast %add3A_435 : i32 to index
        %get3A_460 = arith.constant 32 : index
        %get3A_461 = tpu.vector_load %arg8[%get3A_459, %get3A_460] {strides = array<i32>} : memref<128x64xi32, #tpu.memory_space<vmem>>, vector<16xi32>,
        %bitcast3A_462 = vector.bitcast %get3A_461 : vector<16xi32> to vector<32xbf16>
        %get3A_463 = arith.index_cast %add3A_435 : i32 to index
        %get3A_464 = arith.constant 32 : index
        %get3A_465 = tpu.vector_load %arg11[%get3A_463, %get3A_464] {strides = array<i32>} : memref<128x64xi32, #tpu.memory_space<vmem>>, vector<16xi32>,
        %bitcast3A_466 = vector.bitcast %get3A_465 : vector<16xi32> to vector<32xbf16>
        %add3A_467 = arith.addf %bitcast3A_462, %bitcast3A_466 : vector<32xbf16>
        %bitcast3A_468 = vector.bitcast %add3A_467 : vector<32xbf16> to vector<16xi32>
        %swap3A_469 = arith.index_cast %add3A_435 : i32 to index
        %swap3A_470 = arith.constant 32 : index
        %swap3A_471 = tpu.vector_load %arg8[%swap3A_469, %swap3A_470] {strides = array<i32>} : memref<128x64xi32, #tpu.memory_space<vmem>>, vector<16xi32>,
        tpu.vector_store %arg8[%swap3A_469, %swap3A_470], %bitcast3A_468 {strides = array<i32>} : memref<128x64xi32, #tpu.memory_space<vmem>>, vector<16xi32>,
        %get3A_472 = arith.index_cast %add3A_435 : i32 to index
        %get3A_473 = arith.constant 48 : index
        %get3A_474 = tpu.vector_load %arg8[%get3A_472, %get3A_473] {strides = array<i32>} : memref<128x64xi32, #tpu.memory_space<vmem>>, vector<16xi32>,
        %bitcast3A_475 = vector.bitcast %get3A_474 : vector<16xi32> to vector<32xbf16>
        %get3A_476 = arith.index_cast %add3A_435 : i32 to index
        %get3A_477 = arith.constant 48 : index
        %get3A_478 = tpu.vector_load %arg11[%get3A_476, %get3A_477] {strides = array<i32>} : memref<128x64xi32, #tpu.memory_space<vmem>>, vector<16xi32>,
        %bitcast3A_479 = vector.bitcast %get3A_478 : vector<16xi32> to vector<32xbf16>
        %add3A_480 = arith.addf %bitcast3A_475, %bitcast3A_479 : vector<32xbf16>
        %bitcast3A_481 = vector.bitcast %add3A_480 : vector<32xbf16> to vector<16xi32>
        %swap3A_482 = arith.index_cast %add3A_435 : i32 to index
        %swap3A_483 = arith.constant 48 : index
        %swap3A_484 = tpu.vector_load %arg8[%swap3A_482, %swap3A_483] {strides = array<i32>} : memref<128x64xi32, #tpu.memory_space<vmem>>, vector<16xi32>,
        tpu.vector_store %arg8[%swap3A_482, %swap3A_483], %bitcast3A_481 {strides = array<i32>} : memref<128x64xi32, #tpu.memory_space<vmem>>, vector<16xi32>,
      }
      %scan3A_422 = arith.constant 128 : i32
      %add3A_423 = arith.addi %select_n3A_8, %add3A_377 : i32
      %mul3A_424 = arith.constant 128 : i32
      %mul3A_425 = arith.muli %add3A_423, %mul3A_424 : i32
      %multiple_of3A_426 = tpu.assume_multiple %mul3A_425, 128 : i32
      %dma_start3A_427 = arith.constant 0 : i32
      %dma_start3A_428 = tpu.memref_slice %arg5[%multiple_of3A_426, %dma_start3A_427] : memref<163840x64xi32, #tpu.memory_space<hbm>> -> memref<128x64xi32, #tpu.memory_space<hbm>>
      %dma_start3A_429 = arith.constant 0 : i32
      %dma_start3A_430 = tpu.memref_slice %arg5[%multiple_of3A_426, %dma_start3A_429] : memref<163840x64xi32, #tpu.memory_space<hbm>> -> memref<128x64xi32, #tpu.memory_space<hbm>>
      tpu.enqueue_dma source(%arg8 : memref<128x64xi32, #tpu.memory_space<vmem>>) target(%dma_start3A_430 : memref<128x64xi32, #tpu.memory_space<hbm>>) target_semaphore(%arg17 : memref<!tpu.dma_semaphore, #tpu.memory_space<semaphore_mem>>)
    }
    %sub3A_151 = arith.constant 2 : i32
    %sub3A_152 = arith.subi %select_n3A, %sub3A_151 : i32
    %sub3A_153 = arith.constant 1 : i32
    %sub3A_154 = arith.subi %select_n3A, %sub3A_153 : i32
    %dma_wait3A_155 = arith.constant 0 : i32
    %dma_wait3A_156 = arith.constant 0 : i32
    %dma_wait3A_157 = tpu.memref_slice %arg6[%sub3A_152, %dma_wait3A_155, %dma_wait3A_156] : memref<61x2x128xi32, #tpu.memory_space<vmem>> -> memref<1x1x128xi32, #tpu.memory_space<vmem>>
    %dma_wait3A_158 = tpu.memref_squeeze %dma_wait3A_157 : memref<1x1x128xi32, #tpu.memory_space<vmem>> -> memref<128xi32, #tpu.memory_space<vmem>>
    %dma_wait3A_159 = arith.constant 0 : i32
    %dma_wait3A_160 = arith.constant 0 : i32
    %dma_wait3A_161 = tpu.memref_slice %arg2[%dma_wait3A_159, %dma_wait3A_160] : memref<10000x64xi32, #tpu.memory_space<hbm>> -> memref<10000x64xi32, #tpu.memory_space<hbm>>
    tpu.wait_indirect_dma semaphore(%arg15 : memref<!tpu.dma_semaphore, #tpu.memory_space<semaphore_mem>>) src(%dma_wait3A_161 : memref<10000x64xi32, #tpu.memory_space<hbm>>) dst(%arg9 : memref<128x64xi32, #tpu.memory_space<vmem>>)
    %dma_wait3A_162 = arith.constant 1 : i32
    %dma_wait3A_163 = arith.constant 0 : i32
    %dma_wait3A_164 = tpu.memref_slice %arg6[%sub3A_152, %dma_wait3A_162, %dma_wait3A_163] : memref<61x2x128xi32, #tpu.memory_space<vmem>> -> memref<1x1x128xi32, #tpu.memory_space<vmem>>
    %dma_wait3A_165 = tpu.memref_squeeze %dma_wait3A_164 : memref<1x1x128xi32, #tpu.memory_space<vmem>> -> memref<128xi32, #tpu.memory_space<vmem>>
    %dma_wait3A_166 = arith.constant 0 : i32
    %dma_wait3A_167 = arith.constant 0 : i32
    %dma_wait3A_168 = tpu.memref_slice %arg3[%dma_wait3A_166, %dma_wait3A_167] : memref<10000x64xi32, #tpu.memory_space<hbm>> -> memref<10000x64xi32, #tpu.memory_space<hbm>>
    tpu.wait_indirect_dma semaphore(%arg15 : memref<!tpu.dma_semaphore, #tpu.memory_space<semaphore_mem>>) src(%dma_wait3A_168 : memref<10000x64xi32, #tpu.memory_space<hbm>>) dst(%arg12 : memref<128x64xi32, #tpu.memory_space<vmem>>)
    %sub3A_169 = arith.constant 2 : i32
    %sub3A_170 = arith.subi %sub3A_152, %sub3A_169 : i32
    %add3A_171 = arith.addi %select_n3A_8, %sub3A_170 : i32
    %mul3A_172 = arith.constant 128 : i32
    %mul3A_173 = arith.muli %add3A_171, %mul3A_172 : i32
    %multiple_of3A_174 = tpu.assume_multiple %mul3A_173, 128 : i32
    %dma_wait3A_175 = arith.constant 0 : i32
    %dma_wait3A_176 = tpu.memref_slice %arg5[%multiple_of3A_174, %dma_wait3A_175] : memref<163840x64xi32, #tpu.memory_space<hbm>> -> memref<128x64xi32, #tpu.memory_space<hbm>>
    %dma_wait3A_177 = arith.constant 0 : i32
    %dma_wait3A_178 = tpu.memref_slice %arg5[%multiple_of3A_174, %dma_wait3A_177] : memref<163840x64xi32, #tpu.memory_space<hbm>> -> memref<128x64xi32, #tpu.memory_space<hbm>>
    tpu.wait_dma2 semaphore(%arg16 : memref<!tpu.dma_semaphore, #tpu.memory_space<semaphore_mem>>) src(%arg7 : memref<128x64xi32, #tpu.memory_space<vmem>>) dst(%dma_wait3A_178 : memref<128x64xi32, #tpu.memory_space<hbm>>)
    %dma_start3A_179 = arith.constant 0 : i32
    %dma_start3A_180 = arith.constant 0 : i32
    %dma_start3A_181 = tpu.memref_slice %arg6[%sub3A_154, %dma_start3A_179, %dma_start3A_180] : memref<61x2x128xi32, #tpu.memory_space<vmem>> -> memref<1x1x128xi32, #tpu.memory_space<vmem>>
    %dma_start3A_182 = tpu.memref_squeeze %dma_start3A_181 : memref<1x1x128xi32, #tpu.memory_space<vmem>> -> memref<128xi32, #tpu.memory_space<vmem>>
    %dma_start3A_183 = arith.constant 0 : i32
    %dma_start3A_184 = arith.constant 0 : i32
    %dma_start3A_185 = tpu.memref_slice %arg2[%dma_start3A_183, %dma_start3A_184] : memref<10000x64xi32, #tpu.memory_space<hbm>> -> memref<10000x64xi32, #tpu.memory_space<hbm>>
    tpu.enqueue_indirect_dma source(%dma_start3A_185 : memref<10000x64xi32, #tpu.memory_space<hbm>>) target(%arg7 : memref<128x64xi32, #tpu.memory_space<vmem>>) offsets(%dma_start3A_182 : memref<128xi32, #tpu.memory_space<vmem>>) semaphore(%arg13 : memref<!tpu.dma_semaphore, #tpu.memory_space<semaphore_mem>>)
    %dma_start3A_186 = arith.constant 1 : i32
    %dma_start3A_187 = arith.constant 0 : i32
    %dma_start3A_188 = tpu.memref_slice %arg6[%sub3A_154, %dma_start3A_186, %dma_start3A_187] : memref<61x2x128xi32, #tpu.memory_space<vmem>> -> memref<1x1x128xi32, #tpu.memory_space<vmem>>
    %dma_start3A_189 = tpu.memref_squeeze %dma_start3A_188 : memref<1x1x128xi32, #tpu.memory_space<vmem>> -> memref<128xi32, #tpu.memory_space<vmem>>
    %dma_start3A_190 = arith.constant 0 : i32
    %dma_start3A_191 = arith.constant 0 : i32
    %dma_start3A_192 = tpu.memref_slice %arg3[%dma_start3A_190, %dma_start3A_191] : memref<10000x64xi32, #tpu.memory_space<hbm>> -> memref<10000x64xi32, #tpu.memory_space<hbm>>
    tpu.enqueue_indirect_dma source(%dma_start3A_192 : memref<10000x64xi32, #tpu.memory_space<hbm>>) target(%arg10 : memref<128x64xi32, #tpu.memory_space<vmem>>) offsets(%dma_start3A_189 : memref<128xi32, #tpu.memory_space<vmem>>) semaphore(%arg13 : memref<!tpu.dma_semaphore, #tpu.memory_space<semaphore_mem>>)
    %scan3A_193 = arith.constant 0 : i32
    %scan3A_194 = arith.constant 128 : i32
    %scan3A_195 = arith.addi %scan3A_193, %scan3A_194 : i32
    %scan3A_196 = arith.constant 1 : i32
    scf.for %scan3A_259 = %scan3A_193 to %scan3A_195 step %scan3A_196  : i32 {
      %mul3A_260 = arith.constant 1 : i32
      %mul3A_261 = arith.muli %scan3A_259, %mul3A_260 : i32
      %add3A_262 = arith.constant 0 : i32
      %add3A_263 = arith.addi %add3A_262, %mul3A_261 : i32
      %get3A = arith.index_cast %add3A_263 : i32 to index
      %get3A_264 = arith.constant 0 : index
      %get3A_265 = tpu.vector_load %arg9[%get3A, %get3A_264] {strides = array<i32>} : memref<128x64xi32, #tpu.memory_space<vmem>>, vector<16xi32>,
      %bitcast3A = vector.bitcast %get3A_265 : vector<16xi32> to vector<32xbf16>
      %get3A_266 = arith.index_cast %add3A_263 : i32 to index
      %get3A_267 = arith.constant 0 : index
      %get3A_268 = tpu.vector_load %arg12[%get3A_266, %get3A_267] {strides = array<i32>} : memref<128x64xi32, #tpu.memory_space<vmem>>, vector<16xi32>,
      %bitcast3A_269 = vector.bitcast %get3A_268 : vector<16xi32> to vector<32xbf16>
      %add3A_270 = arith.addf %bitcast3A, %bitcast3A_269 : vector<32xbf16>
      %bitcast3A_271 = vector.bitcast %add3A_270 : vector<32xbf16> to vector<16xi32>
      %swap3A = arith.index_cast %add3A_263 : i32 to index
      %swap3A_272 = arith.constant 0 : index
      %swap3A_273 = tpu.vector_load %arg9[%swap3A, %swap3A_272] {strides = array<i32>} : memref<128x64xi32, #tpu.memory_space<vmem>>, vector<16xi32>,
      tpu.vector_store %arg9[%swap3A, %swap3A_272], %bitcast3A_271 {strides = array<i32>} : memref<128x64xi32, #tpu.memory_space<vmem>>, vector<16xi32>,
      %get3A_274 = arith.index_cast %add3A_263 : i32 to index
      %get3A_275 = arith.constant 16 : index
      %get3A_276 = tpu.vector_load %arg9[%get3A_274, %get3A_275] {strides = array<i32>} : memref<128x64xi32, #tpu.memory_space<vmem>>, vector<16xi32>,
      %bitcast3A_277 = vector.bitcast %get3A_276 : vector<16xi32> to vector<32xbf16>
      %get3A_278 = arith.index_cast %add3A_263 : i32 to index
      %get3A_279 = arith.constant 16 : index
      %get3A_280 = tpu.vector_load %arg12[%get3A_278, %get3A_279] {strides = array<i32>} : memref<128x64xi32, #tpu.memory_space<vmem>>, vector<16xi32>,
      %bitcast3A_281 = vector.bitcast %get3A_280 : vector<16xi32> to vector<32xbf16>
      %add3A_282 = arith.addf %bitcast3A_277, %bitcast3A_281 : vector<32xbf16>
      %bitcast3A_283 = vector.bitcast %add3A_282 : vector<32xbf16> to vector<16xi32>
      %swap3A_284 = arith.index_cast %add3A_263 : i32 to index
      %swap3A_285 = arith.constant 16 : index
      %swap3A_286 = tpu.vector_load %arg9[%swap3A_284, %swap3A_285] {strides = array<i32>} : memref<128x64xi32, #tpu.memory_space<vmem>>, vector<16xi32>,
      tpu.vector_store %arg9[%swap3A_284, %swap3A_285], %bitcast3A_283 {strides = array<i32>} : memref<128x64xi32, #tpu.memory_space<vmem>>, vector<16xi32>,
      %get3A_287 = arith.index_cast %add3A_263 : i32 to index
      %get3A_288 = arith.constant 32 : index
      %get3A_289 = tpu.vector_load %arg9[%get3A_287, %get3A_288] {strides = array<i32>} : memref<128x64xi32, #tpu.memory_space<vmem>>, vector<16xi32>,
      %bitcast3A_290 = vector.bitcast %get3A_289 : vector<16xi32> to vector<32xbf16>
      %get3A_291 = arith.index_cast %add3A_263 : i32 to index
      %get3A_292 = arith.constant 32 : index
      %get3A_293 = tpu.vector_load %arg12[%get3A_291, %get3A_292] {strides = array<i32>} : memref<128x64xi32, #tpu.memory_space<vmem>>, vector<16xi32>,
      %bitcast3A_294 = vector.bitcast %get3A_293 : vector<16xi32> to vector<32xbf16>
      %add3A_295 = arith.addf %bitcast3A_290, %bitcast3A_294 : vector<32xbf16>
      %bitcast3A_296 = vector.bitcast %add3A_295 : vector<32xbf16> to vector<16xi32>
      %swap3A_297 = arith.index_cast %add3A_263 : i32 to index
      %swap3A_298 = arith.constant 32 : index
      %swap3A_299 = tpu.vector_load %arg9[%swap3A_297, %swap3A_298] {strides = array<i32>} : memref<128x64xi32, #tpu.memory_space<vmem>>, vector<16xi32>,
      tpu.vector_store %arg9[%swap3A_297, %swap3A_298], %bitcast3A_296 {strides = array<i32>} : memref<128x64xi32, #tpu.memory_space<vmem>>, vector<16xi32>,
      %get3A_300 = arith.index_cast %add3A_263 : i32 to index
      %get3A_301 = arith.constant 48 : index
      %get3A_302 = tpu.vector_load %arg9[%get3A_300, %get3A_301] {strides = array<i32>} : memref<128x64xi32, #tpu.memory_space<vmem>>, vector<16xi32>,
      %bitcast3A_303 = vector.bitcast %get3A_302 : vector<16xi32> to vector<32xbf16>
      %get3A_304 = arith.index_cast %add3A_263 : i32 to index
      %get3A_305 = arith.constant 48 : index
      %get3A_306 = tpu.vector_load %arg12[%get3A_304, %get3A_305] {strides = array<i32>} : memref<128x64xi32, #tpu.memory_space<vmem>>, vector<16xi32>,
      %bitcast3A_307 = vector.bitcast %get3A_306 : vector<16xi32> to vector<32xbf16>
      %add3A_308 = arith.addf %bitcast3A_303, %bitcast3A_307 : vector<32xbf16>
      %bitcast3A_309 = vector.bitcast %add3A_308 : vector<32xbf16> to vector<16xi32>
      %swap3A_310 = arith.index_cast %add3A_263 : i32 to index
      %swap3A_311 = arith.constant 48 : index
      %swap3A_312 = tpu.vector_load %arg9[%swap3A_310, %swap3A_311] {strides = array<i32>} : memref<128x64xi32, #tpu.memory_space<vmem>>, vector<16xi32>,
      tpu.vector_store %arg9[%swap3A_310, %swap3A_311], %bitcast3A_309 {strides = array<i32>} : memref<128x64xi32, #tpu.memory_space<vmem>>, vector<16xi32>,
    }
    %scan3A_197 = arith.constant 128 : i32
    %add3A_198 = arith.addi %select_n3A_8, %sub3A_152 : i32
    %mul3A_199 = arith.constant 128 : i32
    %mul3A_200 = arith.muli %add3A_198, %mul3A_199 : i32
    %multiple_of3A_201 = tpu.assume_multiple %mul3A_200, 128 : i32
    %dma_start3A_202 = arith.constant 0 : i32
    %dma_start3A_203 = tpu.memref_slice %arg5[%multiple_of3A_201, %dma_start3A_202] : memref<163840x64xi32, #tpu.memory_space<hbm>> -> memref<128x64xi32, #tpu.memory_space<hbm>>
    %dma_start3A_204 = arith.constant 0 : i32
    %dma_start3A_205 = tpu.memref_slice %arg5[%multiple_of3A_201, %dma_start3A_204] : memref<163840x64xi32, #tpu.memory_space<hbm>> -> memref<128x64xi32, #tpu.memory_space<hbm>>
    tpu.enqueue_dma source(%arg9 : memref<128x64xi32, #tpu.memory_space<vmem>>) target(%dma_start3A_205 : memref<128x64xi32, #tpu.memory_space<hbm>>) target_semaphore(%arg18 : memref<!tpu.dma_semaphore, #tpu.memory_space<semaphore_mem>>)
    %dma_wait3A_206 = arith.constant 0 : i32
    %dma_wait3A_207 = arith.constant 0 : i32
    %dma_wait3A_208 = tpu.memref_slice %arg6[%sub3A_154, %dma_wait3A_206, %dma_wait3A_207] : memref<61x2x128xi32, #tpu.memory_space<vmem>> -> memref<1x1x128xi32, #tpu.memory_space<vmem>>
    %dma_wait3A_209 = tpu.memref_squeeze %dma_wait3A_208 : memref<1x1x128xi32, #tpu.memory_space<vmem>> -> memref<128xi32, #tpu.memory_space<vmem>>
    %dma_wait3A_210 = arith.constant 0 : i32
    %dma_wait3A_211 = arith.constant 0 : i32
    %dma_wait3A_212 = tpu.memref_slice %arg2[%dma_wait3A_210, %dma_wait3A_211] : memref<10000x64xi32, #tpu.memory_space<hbm>> -> memref<10000x64xi32, #tpu.memory_space<hbm>>
    tpu.wait_indirect_dma semaphore(%arg13 : memref<!tpu.dma_semaphore, #tpu.memory_space<semaphore_mem>>) src(%dma_wait3A_212 : memref<10000x64xi32, #tpu.memory_space<hbm>>) dst(%arg7 : memref<128x64xi32, #tpu.memory_space<vmem>>)
    %dma_wait3A_213 = arith.constant 1 : i32
    %dma_wait3A_214 = arith.constant 0 : i32
    %dma_wait3A_215 = tpu.memref_slice %arg6[%sub3A_154, %dma_wait3A_213, %dma_wait3A_214] : memref<61x2x128xi32, #tpu.memory_space<vmem>> -> memref<1x1x128xi32, #tpu.memory_space<vmem>>
    %dma_wait3A_216 = tpu.memref_squeeze %dma_wait3A_215 : memref<1x1x128xi32, #tpu.memory_space<vmem>> -> memref<128xi32, #tpu.memory_space<vmem>>
    %dma_wait3A_217 = arith.constant 0 : i32
    %dma_wait3A_218 = arith.constant 0 : i32
    %dma_wait3A_219 = tpu.memref_slice %arg3[%dma_wait3A_217, %dma_wait3A_218] : memref<10000x64xi32, #tpu.memory_space<hbm>> -> memref<10000x64xi32, #tpu.memory_space<hbm>>
    tpu.wait_indirect_dma semaphore(%arg13 : memref<!tpu.dma_semaphore, #tpu.memory_space<semaphore_mem>>) src(%dma_wait3A_219 : memref<10000x64xi32, #tpu.memory_space<hbm>>) dst(%arg10 : memref<128x64xi32, #tpu.memory_space<vmem>>)
    %sub3A_220 = arith.constant 2 : i32
    %sub3A_221 = arith.subi %sub3A_154, %sub3A_220 : i32
    %add3A_222 = arith.addi %select_n3A_8, %sub3A_221 : i32
    %mul3A_223 = arith.constant 128 : i32
    %mul3A_224 = arith.muli %add3A_222, %mul3A_223 : i32
    %multiple_of3A_225 = tpu.assume_multiple %mul3A_224, 128 : i32
    %dma_wait3A_226 = arith.constant 0 : i32
    %dma_wait3A_227 = tpu.memref_slice %arg5[%multiple_of3A_225, %dma_wait3A_226] : memref<163840x64xi32, #tpu.memory_space<hbm>> -> memref<128x64xi32, #tpu.memory_space<hbm>>
    %dma_wait3A_228 = arith.constant 0 : i32
    %dma_wait3A_229 = tpu.memref_slice %arg5[%multiple_of3A_225, %dma_wait3A_228] : memref<163840x64xi32, #tpu.memory_space<hbm>> -> memref<128x64xi32, #tpu.memory_space<hbm>>
    tpu.wait_dma2 semaphore(%arg17 : memref<!tpu.dma_semaphore, #tpu.memory_space<semaphore_mem>>) src(%arg8 : memref<128x64xi32, #tpu.memory_space<vmem>>) dst(%dma_wait3A_229 : memref<128x64xi32, #tpu.memory_space<hbm>>)
    %scan3A_230 = arith.constant 0 : i32
    %scan3A_231 = arith.constant 128 : i32
    %scan3A_232 = arith.addi %scan3A_230, %scan3A_231 : i32
    %scan3A_233 = arith.constant 1 : i32
    scf.for %scan3A_259 = %scan3A_230 to %scan3A_232 step %scan3A_233  : i32 {
      %mul3A_260 = arith.constant 1 : i32
      %mul3A_261 = arith.muli %scan3A_259, %mul3A_260 : i32
      %add3A_262 = arith.constant 0 : i32
      %add3A_263 = arith.addi %add3A_262, %mul3A_261 : i32
      %get3A = arith.index_cast %add3A_263 : i32 to index
      %get3A_264 = arith.constant 0 : index
      %get3A_265 = tpu.vector_load %arg7[%get3A, %get3A_264] {strides = array<i32>} : memref<128x64xi32, #tpu.memory_space<vmem>>, vector<16xi32>,
      %bitcast3A = vector.bitcast %get3A_265 : vector<16xi32> to vector<32xbf16>
      %get3A_266 = arith.index_cast %add3A_263 : i32 to index
      %get3A_267 = arith.constant 0 : index
      %get3A_268 = tpu.vector_load %arg10[%get3A_266, %get3A_267] {strides = array<i32>} : memref<128x64xi32, #tpu.memory_space<vmem>>, vector<16xi32>,
      %bitcast3A_269 = vector.bitcast %get3A_268 : vector<16xi32> to vector<32xbf16>
      %add3A_270 = arith.addf %bitcast3A, %bitcast3A_269 : vector<32xbf16>
      %bitcast3A_271 = vector.bitcast %add3A_270 : vector<32xbf16> to vector<16xi32>
      %swap3A = arith.index_cast %add3A_263 : i32 to index
      %swap3A_272 = arith.constant 0 : index
      %swap3A_273 = tpu.vector_load %arg7[%swap3A, %swap3A_272] {strides = array<i32>} : memref<128x64xi32, #tpu.memory_space<vmem>>, vector<16xi32>,
      tpu.vector_store %arg7[%swap3A, %swap3A_272], %bitcast3A_271 {strides = array<i32>} : memref<128x64xi32, #tpu.memory_space<vmem>>, vector<16xi32>,
      %get3A_274 = arith.index_cast %add3A_263 : i32 to index
      %get3A_275 = arith.constant 16 : index
      %get3A_276 = tpu.vector_load %arg7[%get3A_274, %get3A_275] {strides = array<i32>} : memref<128x64xi32, #tpu.memory_space<vmem>>, vector<16xi32>,
      %bitcast3A_277 = vector.bitcast %get3A_276 : vector<16xi32> to vector<32xbf16>
      %get3A_278 = arith.index_cast %add3A_263 : i32 to index
      %get3A_279 = arith.constant 16 : index
      %get3A_280 = tpu.vector_load %arg10[%get3A_278, %get3A_279] {strides = array<i32>} : memref<128x64xi32, #tpu.memory_space<vmem>>, vector<16xi32>,
      %bitcast3A_281 = vector.bitcast %get3A_280 : vector<16xi32> to vector<32xbf16>
      %add3A_282 = arith.addf %bitcast3A_277, %bitcast3A_281 : vector<32xbf16>
      %bitcast3A_283 = vector.bitcast %add3A_282 : vector<32xbf16> to vector<16xi32>
      %swap3A_284 = arith.index_cast %add3A_263 : i32 to index
      %swap3A_285 = arith.constant 16 : index
      %swap3A_286 = tpu.vector_load %arg7[%swap3A_284, %swap3A_285] {strides = array<i32>} : memref<128x64xi32, #tpu.memory_space<vmem>>, vector<16xi32>,
      tpu.vector_store %arg7[%swap3A_284, %swap3A_285], %bitcast3A_283 {strides = array<i32>} : memref<128x64xi32, #tpu.memory_space<vmem>>, vector<16xi32>,
      %get3A_287 = arith.index_cast %add3A_263 : i32 to index
      %get3A_288 = arith.constant 32 : index
      %get3A_289 = tpu.vector_load %arg7[%get3A_287, %get3A_288] {strides = array<i32>} : memref<128x64xi32, #tpu.memory_space<vmem>>, vector<16xi32>,
      %bitcast3A_290 = vector.bitcast %get3A_289 : vector<16xi32> to vector<32xbf16>
      %get3A_291 = arith.index_cast %add3A_263 : i32 to index
      %get3A_292 = arith.constant 32 : index
      %get3A_293 = tpu.vector_load %arg10[%get3A_291, %get3A_292] {strides = array<i32>} : memref<128x64xi32, #tpu.memory_space<vmem>>, vector<16xi32>,
      %bitcast3A_294 = vector.bitcast %get3A_293 : vector<16xi32> to vector<32xbf16>
      %add3A_295 = arith.addf %bitcast3A_290, %bitcast3A_294 : vector<32xbf16>
      %bitcast3A_296 = vector.bitcast %add3A_295 : vector<32xbf16> to vector<16xi32>
      %swap3A_297 = arith.index_cast %add3A_263 : i32 to index
      %swap3A_298 = arith.constant 32 : index
      %swap3A_299 = tpu.vector_load %arg7[%swap3A_297, %swap3A_298] {strides = array<i32>} : memref<128x64xi32, #tpu.memory_space<vmem>>, vector<16xi32>,
      tpu.vector_store %arg7[%swap3A_297, %swap3A_298], %bitcast3A_296 {strides = array<i32>} : memref<128x64xi32, #tpu.memory_space<vmem>>, vector<16xi32>,
      %get3A_300 = arith.index_cast %add3A_263 : i32 to index
      %get3A_301 = arith.constant 48 : index
      %get3A_302 = tpu.vector_load %arg7[%get3A_300, %get3A_301] {strides = array<i32>} : memref<128x64xi32, #tpu.memory_space<vmem>>, vector<16xi32>,
      %bitcast3A_303 = vector.bitcast %get3A_302 : vector<16xi32> to vector<32xbf16>
      %get3A_304 = arith.index_cast %add3A_263 : i32 to index
      %get3A_305 = arith.constant 48 : index
      %get3A_306 = tpu.vector_load %arg10[%get3A_304, %get3A_305] {strides = array<i32>} : memref<128x64xi32, #tpu.memory_space<vmem>>, vector<16xi32>,
      %bitcast3A_307 = vector.bitcast %get3A_306 : vector<16xi32> to vector<32xbf16>
      %add3A_308 = arith.addf %bitcast3A_303, %bitcast3A_307 : vector<32xbf16>
      %bitcast3A_309 = vector.bitcast %add3A_308 : vector<32xbf16> to vector<16xi32>
      %swap3A_310 = arith.index_cast %add3A_263 : i32 to index
      %swap3A_311 = arith.constant 48 : index
      %swap3A_312 = tpu.vector_load %arg7[%swap3A_310, %swap3A_311] {strides = array<i32>} : memref<128x64xi32, #tpu.memory_space<vmem>>, vector<16xi32>,
      tpu.vector_store %arg7[%swap3A_310, %swap3A_311], %bitcast3A_309 {strides = array<i32>} : memref<128x64xi32, #tpu.memory_space<vmem>>, vector<16xi32>,
    }
    %scan3A_234 = arith.constant 128 : i32
    %add3A_235 = arith.addi %select_n3A_8, %sub3A_154 : i32
    %mul3A_236 = arith.constant 128 : i32
    %mul3A_237 = arith.muli %add3A_235, %mul3A_236 : i32
    %multiple_of3A_238 = tpu.assume_multiple %mul3A_237, 128 : i32
    %dma_start3A_239 = arith.constant 0 : i32
    %dma_start3A_240 = tpu.memref_slice %arg5[%multiple_of3A_238, %dma_start3A_239] : memref<163840x64xi32, #tpu.memory_space<hbm>> -> memref<128x64xi32, #tpu.memory_space<hbm>>
    %dma_start3A_241 = arith.constant 0 : i32
    %dma_start3A_242 = tpu.memref_slice %arg5[%multiple_of3A_238, %dma_start3A_241] : memref<163840x64xi32, #tpu.memory_space<hbm>> -> memref<128x64xi32, #tpu.memory_space<hbm>>
    tpu.enqueue_dma source(%arg7 : memref<128x64xi32, #tpu.memory_space<vmem>>) target(%dma_start3A_242 : memref<128x64xi32, #tpu.memory_space<hbm>>) target_semaphore(%arg16 : memref<!tpu.dma_semaphore, #tpu.memory_space<semaphore_mem>>)
    %add3A_243 = arith.addi %select_n3A_8, %sub3A_152 : i32
    %mul3A_244 = arith.constant 128 : i32
    %mul3A_245 = arith.muli %add3A_243, %mul3A_244 : i32
    %multiple_of3A_246 = tpu.assume_multiple %mul3A_245, 128 : i32
    %dma_wait3A_247 = arith.constant 0 : i32
    %dma_wait3A_248 = tpu.memref_slice %arg5[%multiple_of3A_246, %dma_wait3A_247] : memref<163840x64xi32, #tpu.memory_space<hbm>> -> memref<128x64xi32, #tpu.memory_space<hbm>>
    %dma_wait3A_249 = arith.constant 0 : i32
    %dma_wait3A_250 = tpu.memref_slice %arg5[%multiple_of3A_246, %dma_wait3A_249] : memref<163840x64xi32, #tpu.memory_space<hbm>> -> memref<128x64xi32, #tpu.memory_space<hbm>>
    tpu.wait_dma2 semaphore(%arg18 : memref<!tpu.dma_semaphore, #tpu.memory_space<semaphore_mem>>) src(%arg9 : memref<128x64xi32, #tpu.memory_space<vmem>>) dst(%dma_wait3A_250 : memref<128x64xi32, #tpu.memory_space<hbm>>)
    %add3A_251 = arith.addi %select_n3A_8, %sub3A_154 : i32
    %mul3A_252 = arith.constant 128 : i32
    %mul3A_253 = arith.muli %add3A_251, %mul3A_252 : i32
    %multiple_of3A_254 = tpu.assume_multiple %mul3A_253, 128 : i32
    %dma_wait3A_255 = arith.constant 0 : i32
    %dma_wait3A_256 = tpu.memref_slice %arg5[%multiple_of3A_254, %dma_wait3A_255] : memref<163840x64xi32, #tpu.memory_space<hbm>> -> memref<128x64xi32, #tpu.memory_space<hbm>>
    %dma_wait3A_257 = arith.constant 0 : i32
    %dma_wait3A_258 = tpu.memref_slice %arg5[%multiple_of3A_254, %dma_wait3A_257] : memref<163840x64xi32, #tpu.memory_space<hbm>> -> memref<128x64xi32, #tpu.memory_space<hbm>>
    tpu.wait_dma2 semaphore(%arg16 : memref<!tpu.dma_semaphore, #tpu.memory_space<semaphore_mem>>) src(%arg7 : memref<128x64xi32, #tpu.memory_space<vmem>>) dst(%dma_wait3A_258 : memref<128x64xi32, #tpu.memory_space<hbm>>)
    return
  }
}

module attributes {stable_mosaic.version = 14 : i64} {
  func.func @body(%arg0: i32, %arg1: memref<1000x128xf32, #tpu.memory_space<vmem>>, %arg2: memref<64x128xf32, #tpu.memory_space<vmem>>, %arg3: memref<1000x1xi32, #tpu.memory_space<vmem>>, %arg4: memref<128x128xf32, #tpu.memory_space<vmem>>, %arg5: memref<128x128xf32, #tpu.memory_space<vmem>>, %arg6: memref<128x128xf32, #tpu.memory_space<vmem>>, %arg7: memref<128x128xf32, #tpu.memory_space<vmem>>, %arg8: memref<128x128xf32, #tpu.memory_space<vmem>>, %arg9: memref<1x128xf32, #tpu.memory_space<vmem>>, %arg10: memref<1x128xf32, #tpu.memory_space<vmem>>, %arg11: memref<1000x64xi32, #tpu.memory_space<vmem>>, %arg12: memref<1000x64xi32, #tpu.memory_space<vmem>>, %arg13: memref<1000x128xf32, #tpu.memory_space<vmem>>) attributes {dimension_semantics = [#tpu.dimension_semantics<arbitrary>], iteration_bounds = array<i64: 10>, scalar_prefetch = 0 : i64, scratch_operands = 0 : i64, tpu.core_type = #tpu.core_type<tc>, window_params = [{transform_indices = @transform_0, window_bounds = array<i64: 1000, 128>}, {pipeline_mode = #tpu.pipeline_mode<synchronous>, transform_indices = @transform_1, window_bounds = array<i64: 64, 128>}, {transform_indices = @transform_2, window_bounds = array<i64: 1000, 1>}, {pipeline_mode = #tpu.pipeline_mode<synchronous>, transform_indices = @transform_3, window_bounds = array<i64: 128, 128>}, {pipeline_mode = #tpu.pipeline_mode<synchronous>, transform_indices = @transform_4, window_bounds = array<i64: 128, 128>}, {pipeline_mode = #tpu.pipeline_mode<synchronous>, transform_indices = @transform_5, window_bounds = array<i64: 128, 128>}, {pipeline_mode = #tpu.pipeline_mode<synchronous>, transform_indices = @transform_6, window_bounds = array<i64: 128, 128>}, {pipeline_mode = #tpu.pipeline_mode<synchronous>, transform_indices = @transform_7, window_bounds = array<i64: 128, 128>}, {pipeline_mode = #tpu.pipeline_mode<synchronous>, transform_indices = @transform_8, window_bounds = array<i64: 1, 128>}, {pipeline_mode = #tpu.pipeline_mode<synchronous>, transform_indices = @transform_9, window_bounds = array<i64: 1, 128>}, {transform_indices = @transform_10, window_bounds = array<i64: 1000, 64>}, {transform_indices = @transform_11, window_bounds = array<i64: 1000, 64>}, {transform_indices = @transform_12, window_bounds = array<i64: 1000, 128>}]} {
    %get3A = arith.constant 0 : index
    %get3A_0 = arith.constant 0 : index
    %get3A_1 = vector.load %arg3[%get3A, %get3A_0] : memref<1000x1xi32, #tpu.memory_space<vmem>>, vector<1000x1xi32>
    %iota3A = tpu.iota {dimensions = array<i32: 1>} : vector<1x64xi32>
    %eq3A = vector.broadcast %get3A_1 : vector<1000x1xi32> to vector<1000x64xi32>
    %eq3A_2 = vector.broadcast %iota3A : vector<1x64xi32> to vector<1000x64xi32>
    %eq3A_3 = arith.cmpi eq, %eq3A, %eq3A_2 : vector<1000x64xi32>
    %convert_element_type3A = arith.extui %eq3A_3 : vector<1000x64xi1> to vector<1000x64xi32>
    %convert_element_type3A_4 = arith.sitofp %convert_element_type3A : vector<1000x64xi32> to vector<1000x64xf32>
    %get3A_5 = arith.constant 0 : index
    %get3A_6 = arith.constant 0 : index
    %get3A_7 = vector.load %arg2[%get3A_5, %get3A_6] : memref<64x128xf32, #tpu.memory_space<vmem>>, vector<64x128xf32>
    %get3A_8 = arith.constant 0 : index
    %get3A_9 = arith.constant 0 : index
    %get3A_10 = vector.load %arg6[%get3A_8, %get3A_9] : memref<128x128xf32, #tpu.memory_space<vmem>>, vector<128x128xf32>
    %dot_general3A = arith.constant dense<0.000000e+00> : vector<64x128xf32>
    %dot_general3A_11 = tpu.matmul %get3A_7, %get3A_10, %dot_general3A {dimension_numbers = #tpu.dot_dimension_numbers<[1], [0], [0], [1], [0, 0, 1, 1], [], []>, transpose_lhs_hint = false} : vector<64x128xf32>, vector<128x128xf32>, vector<64x128xf32> -> vector<64x128xf32>
    %get3A_12 = arith.constant 0 : index
    %get3A_13 = arith.constant 0 : index
    %get3A_14 = vector.load %arg2[%get3A_12, %get3A_13] : memref<64x128xf32, #tpu.memory_space<vmem>>, vector<64x128xf32>
    %get3A_15 = arith.constant 0 : index
    %get3A_16 = arith.constant 0 : index
    %get3A_17 = vector.load %arg8[%get3A_15, %get3A_16] : memref<128x128xf32, #tpu.memory_space<vmem>>, vector<128x128xf32>
    %dot_general3A_18 = arith.constant dense<0.000000e+00> : vector<64x128xf32>
    %dot_general3A_19 = tpu.matmul %get3A_14, %get3A_17, %dot_general3A_18 {dimension_numbers = #tpu.dot_dimension_numbers<[1], [0], [0], [1], [0, 0, 1, 1], [], []>, transpose_lhs_hint = false} : vector<64x128xf32>, vector<128x128xf32>, vector<64x128xf32> -> vector<64x128xf32>
    %get3A_20 = arith.constant 0 : index
    %get3A_21 = arith.constant 0 : index
    %get3A_22 = vector.load %arg1[%get3A_20, %get3A_21] : memref<1000x128xf32, #tpu.memory_space<vmem>>, vector<1000x128xf32>
    %get3A_23 = arith.constant 0 : index
    %get3A_24 = arith.constant 0 : index
    %get3A_25 = vector.load %arg4[%get3A_23, %get3A_24] : memref<128x128xf32, #tpu.memory_space<vmem>>, vector<128x128xf32>
    %dot_general3A_26 = arith.constant dense<0.000000e+00> : vector<1000x128xf32>
    %dot_general3A_27 = tpu.matmul %get3A_22, %get3A_25, %dot_general3A_26 {dimension_numbers = #tpu.dot_dimension_numbers<[1], [0], [0], [1], [0, 0, 1, 1], [], []>, transpose_lhs_hint = false} : vector<1000x128xf32>, vector<128x128xf32>, vector<1000x128xf32> -> vector<1000x128xf32>
    %dot_general3A_28 = arith.constant dense<0.000000e+00> : vector<1000x128xf32>
    %dot_general3A_29 = tpu.matmul %convert_element_type3A_4, %dot_general3A_11, %dot_general3A_28 {dimension_numbers = #tpu.dot_dimension_numbers<[1], [0], [0], [1], [0, 0, 1, 1], [], []>, transpose_lhs_hint = false} : vector<1000x64xf32>, vector<64x128xf32>, vector<1000x128xf32> -> vector<1000x128xf32>
    %add3A = arith.addf %dot_general3A_27, %dot_general3A_29 : vector<1000x128xf32>
    %get3A_30 = arith.constant 0 : index
    %get3A_31 = arith.constant 0 : index
    %get3A_32 = vector.load %arg9[%get3A_30, %get3A_31] : memref<1x128xf32, #tpu.memory_space<vmem>>, vector<1x128xf32>
    %add3A_33 = vector.broadcast %get3A_32 : vector<1x128xf32> to vector<1000x128xf32>
    %add3A_34 = arith.addf %add3A, %add3A_33 : vector<1000x128xf32>
    %slice3A = vector.extract_strided_slice %add3A_34 {offsets = [0, 0], sizes = [1000, 64], strides = [1, 1]} : vector<1000x128xf32> to vector<1000x64xf32>
    %convert_element_type3A_35 = arith.truncf %slice3A : vector<1000x64xf32> to vector<1000x64xbf16>
    %bitcast_convert_type3A = tpu.bitcast %convert_element_type3A_35 : vector<1000x64xbf16> -> vector<1000x64xi16>
    %convert_element_type3A_36 = arith.extui %bitcast_convert_type3A : vector<1000x64xi16> to vector<1000x64xi32>
    %slice3A_37 = vector.extract_strided_slice %add3A_34 {offsets = [0, 64], sizes = [1000, 64], strides = [1, 1]} : vector<1000x128xf32> to vector<1000x64xf32>
    %convert_element_type3A_38 = arith.truncf %slice3A_37 : vector<1000x64xf32> to vector<1000x64xbf16>
    %bitcast_convert_type3A_39 = tpu.bitcast %convert_element_type3A_38 : vector<1000x64xbf16> -> vector<1000x64xi16>
    %convert_element_type3A_40 = arith.extui %bitcast_convert_type3A_39 : vector<1000x64xi16> to vector<1000x64xi32>
    %shift_left3A = arith.constant 16 : i32
    %shift_left3A_41 = vector.broadcast %shift_left3A : i32 to vector<1000x64xi32>
    %shift_left3A_42 = arith.shli %convert_element_type3A_40, %shift_left3A_41 : vector<1000x64xi32>
    %or3A = arith.ori %convert_element_type3A_36, %shift_left3A_42 : vector<1000x64xi32>
    %swap3A = arith.constant 0 : index
    %swap3A_43 = arith.constant 0 : index
    %swap3A_44 = vector.load %arg11[%swap3A, %swap3A_43] : memref<1000x64xi32, #tpu.memory_space<vmem>>, vector<1000x64xi32>
    tpu.vector_store %arg11[%swap3A, %swap3A_43], %or3A {strides = array<i32>} : memref<1000x64xi32, #tpu.memory_space<vmem>>, vector<1000x64xi32>,
    %get3A_45 = arith.constant 0 : index
    %get3A_46 = arith.constant 0 : index
    %get3A_47 = vector.load %arg5[%get3A_45, %get3A_46] : memref<128x128xf32, #tpu.memory_space<vmem>>, vector<128x128xf32>
    %dot_general3A_48 = arith.constant dense<0.000000e+00> : vector<1000x128xf32>
    %dot_general3A_49 = tpu.matmul %get3A_22, %get3A_47, %dot_general3A_48 {dimension_numbers = #tpu.dot_dimension_numbers<[1], [0], [0], [1], [0, 0, 1, 1], [], []>, transpose_lhs_hint = false} : vector<1000x128xf32>, vector<128x128xf32>, vector<1000x128xf32> -> vector<1000x128xf32>
    %slice3A_50 = vector.extract_strided_slice %dot_general3A_49 {offsets = [0, 0], sizes = [1000, 64], strides = [1, 1]} : vector<1000x128xf32> to vector<1000x64xf32>
    %convert_element_type3A_51 = arith.truncf %slice3A_50 : vector<1000x64xf32> to vector<1000x64xbf16>
    %bitcast_convert_type3A_52 = tpu.bitcast %convert_element_type3A_51 : vector<1000x64xbf16> -> vector<1000x64xi16>
    %convert_element_type3A_53 = arith.extui %bitcast_convert_type3A_52 : vector<1000x64xi16> to vector<1000x64xi32>
    %slice3A_54 = vector.extract_strided_slice %dot_general3A_49 {offsets = [0, 64], sizes = [1000, 64], strides = [1, 1]} : vector<1000x128xf32> to vector<1000x64xf32>
    %convert_element_type3A_55 = arith.truncf %slice3A_54 : vector<1000x64xf32> to vector<1000x64xbf16>
    %bitcast_convert_type3A_56 = tpu.bitcast %convert_element_type3A_55 : vector<1000x64xbf16> -> vector<1000x64xi16>
    %convert_element_type3A_57 = arith.extui %bitcast_convert_type3A_56 : vector<1000x64xi16> to vector<1000x64xi32>
    %shift_left3A_58 = arith.constant 16 : i32
    %shift_left3A_59 = vector.broadcast %shift_left3A_58 : i32 to vector<1000x64xi32>
    %shift_left3A_60 = arith.shli %convert_element_type3A_57, %shift_left3A_59 : vector<1000x64xi32>
    %or3A_61 = arith.ori %convert_element_type3A_53, %shift_left3A_60 : vector<1000x64xi32>
    %swap3A_62 = arith.constant 0 : index
    %swap3A_63 = arith.constant 0 : index
    %swap3A_64 = vector.load %arg12[%swap3A_62, %swap3A_63] : memref<1000x64xi32, #tpu.memory_space<vmem>>, vector<1000x64xi32>
    tpu.vector_store %arg12[%swap3A_62, %swap3A_63], %or3A_61 {strides = array<i32>} : memref<1000x64xi32, #tpu.memory_space<vmem>>, vector<1000x64xi32>,
    %get3A_65 = arith.constant 0 : index
    %get3A_66 = arith.constant 0 : index
    %get3A_67 = vector.load %arg7[%get3A_65, %get3A_66] : memref<128x128xf32, #tpu.memory_space<vmem>>, vector<128x128xf32>
    %dot_general3A_68 = arith.constant dense<0.000000e+00> : vector<1000x128xf32>
    %dot_general3A_69 = tpu.matmul %get3A_22, %get3A_67, %dot_general3A_68 {dimension_numbers = #tpu.dot_dimension_numbers<[1], [0], [0], [1], [0, 0, 1, 1], [], []>, transpose_lhs_hint = false} : vector<1000x128xf32>, vector<128x128xf32>, vector<1000x128xf32> -> vector<1000x128xf32>
    %dot_general3A_70 = arith.constant dense<0.000000e+00> : vector<1000x128xf32>
    %dot_general3A_71 = tpu.matmul %convert_element_type3A_4, %dot_general3A_19, %dot_general3A_70 {dimension_numbers = #tpu.dot_dimension_numbers<[1], [0], [0], [1], [0, 0, 1, 1], [], []>, transpose_lhs_hint = false} : vector<1000x64xf32>, vector<64x128xf32>, vector<1000x128xf32> -> vector<1000x128xf32>
    %add3A_72 = arith.addf %dot_general3A_69, %dot_general3A_71 : vector<1000x128xf32>
    %get3A_73 = arith.constant 0 : index
    %get3A_74 = arith.constant 0 : index
    %get3A_75 = vector.load %arg10[%get3A_73, %get3A_74] : memref<1x128xf32, #tpu.memory_space<vmem>>, vector<1x128xf32>
    %add3A_76 = vector.broadcast %get3A_75 : vector<1x128xf32> to vector<1000x128xf32>
    %add3A_77 = arith.addf %add3A_72, %add3A_76 : vector<1000x128xf32>
    %swap3A_78 = arith.constant 0 : index
    %swap3A_79 = arith.constant 0 : index
    %swap3A_80 = vector.load %arg13[%swap3A_78, %swap3A_79] : memref<1000x128xf32, #tpu.memory_space<vmem>>, vector<1000x128xf32>
    tpu.vector_store %arg13[%swap3A_78, %swap3A_79], %add3A_77 {strides = array<i32>} : memref<1000x128xf32, #tpu.memory_space<vmem>>, vector<1000x128xf32>,
    return
  }
  func.func @transform_0(%arg0: i32) -> (i32, i32) {
    %c0_i32 = arith.constant 0 : i32
    %c0_i32_0 = arith.constant 0 : i32
    return %arg0, %c0_i32 : i32, i32
  }
  func.func @transform_1(%arg0: i32) -> (i32, i32) {
    %c0_i32 = arith.constant 0 : i32
    %c0_i32_0 = arith.constant 0 : i32
    %c0_i32_1 = arith.constant 0 : i32
    return %c0_i32, %c0_i32_0 : i32, i32
  }
  func.func @transform_2(%arg0: i32) -> (i32, i32) {
    %c0_i32 = arith.constant 0 : i32
    %c0_i32_0 = arith.constant 0 : i32
    return %arg0, %c0_i32 : i32, i32
  }
  func.func @transform_3(%arg0: i32) -> (i32, i32) {
    %c0_i32 = arith.constant 0 : i32
    %c0_i32_0 = arith.constant 0 : i32
    %c0_i32_1 = arith.constant 0 : i32
    return %c0_i32, %c0_i32_0 : i32, i32
  }
  func.func @transform_4(%arg0: i32) -> (i32, i32) {
    %c0_i32 = arith.constant 0 : i32
    %c0_i32_0 = arith.constant 0 : i32
    %c0_i32_1 = arith.constant 0 : i32
    return %c0_i32, %c0_i32_0 : i32, i32
  }
  func.func @transform_5(%arg0: i32) -> (i32, i32) {
    %c0_i32 = arith.constant 0 : i32
    %c0_i32_0 = arith.constant 0 : i32
    %c0_i32_1 = arith.constant 0 : i32
    return %c0_i32, %c0_i32_0 : i32, i32
  }
  func.func @transform_6(%arg0: i32) -> (i32, i32) {
    %c0_i32 = arith.constant 0 : i32
    %c0_i32_0 = arith.constant 0 : i32
    %c0_i32_1 = arith.constant 0 : i32
    return %c0_i32, %c0_i32_0 : i32, i32
  }
  func.func @transform_7(%arg0: i32) -> (i32, i32) {
    %c0_i32 = arith.constant 0 : i32
    %c0_i32_0 = arith.constant 0 : i32
    %c0_i32_1 = arith.constant 0 : i32
    return %c0_i32, %c0_i32_0 : i32, i32
  }
  func.func @transform_8(%arg0: i32) -> (i32, i32) {
    %c0_i32 = arith.constant 0 : i32
    %c0_i32_0 = arith.constant 0 : i32
    %c0_i32_1 = arith.constant 0 : i32
    return %c0_i32, %c0_i32_0 : i32, i32
  }
  func.func @transform_9(%arg0: i32) -> (i32, i32) {
    %c0_i32 = arith.constant 0 : i32
    %c0_i32_0 = arith.constant 0 : i32
    %c0_i32_1 = arith.constant 0 : i32
    return %c0_i32, %c0_i32_0 : i32, i32
  }
  func.func @transform_10(%arg0: i32) -> (i32, i32) {
    %c0_i32 = arith.constant 0 : i32
    %c0_i32_0 = arith.constant 0 : i32
    return %arg0, %c0_i32 : i32, i32
  }
  func.func @transform_11(%arg0: i32) -> (i32, i32) {
    %c0_i32 = arith.constant 0 : i32
    %c0_i32_0 = arith.constant 0 : i32
    return %arg0, %c0_i32 : i32, i32
  }
  func.func @transform_12(%arg0: i32) -> (i32, i32) {
    %c0_i32 = arith.constant 0 : i32
    %c0_i32_0 = arith.constant 0 : i32
    return %arg0, %c0_i32 : i32, i32
  }
}

module attributes {stable_mosaic.version = 14 : i64} {
  func.func @body(%arg0: i32, %arg1: memref<4000x64xi32, #tpu.memory_space<vmem>>, %arg2: memref<4000x128xf32, #tpu.memory_space<vmem>>, %arg3: memref<128x128xf32, #tpu.memory_space<vmem>>, %arg4: memref<128x128xf32, #tpu.memory_space<vmem>>, %arg5: memref<1x128xf32, #tpu.memory_space<vmem>>, %arg6: memref<4000x128xf32, #tpu.memory_space<vmem>>) attributes {dimension_semantics = [#tpu.dimension_semantics<arbitrary>], iteration_bounds = array<i64: 40>, scalar_prefetch = 0 : i64, scratch_operands = 0 : i64, tpu.core_type = #tpu.core_type<tc>, window_params = [{transform_indices = @transform_0, window_bounds = array<i64: 4000, 64>}, {transform_indices = @transform_1, window_bounds = array<i64: 4000, 128>}, {pipeline_mode = #tpu.pipeline_mode<synchronous>, transform_indices = @transform_2, window_bounds = array<i64: 128, 128>}, {pipeline_mode = #tpu.pipeline_mode<synchronous>, transform_indices = @transform_3, window_bounds = array<i64: 128, 128>}, {pipeline_mode = #tpu.pipeline_mode<synchronous>, transform_indices = @transform_4, window_bounds = array<i64: 1, 128>}, {transform_indices = @transform_5, window_bounds = array<i64: 4000, 128>}]} {
    %get3A = arith.constant 0 : index
    %get3A_0 = arith.constant 0 : index
    %get3A_1 = vector.load %arg1[%get3A, %get3A_0] : memref<4000x64xi32, #tpu.memory_space<vmem>>, vector<4000x64xi32>
    %shift_left3A = arith.constant 16 : i32
    %shift_left3A_2 = vector.broadcast %shift_left3A : i32 to vector<4000x64xi32>
    %shift_left3A_3 = arith.shli %get3A_1, %shift_left3A_2 : vector<4000x64xi32>
    %bitcast_convert_type3A = tpu.bitcast %shift_left3A_3 : vector<4000x64xi32> -> vector<4000x64xf32>
    %and3A = arith.constant -65536 : i32
    %and3A_4 = vector.broadcast %and3A : i32 to vector<4000x64xi32>
    %and3A_5 = arith.andi %get3A_1, %and3A_4 : vector<4000x64xi32>
    %bitcast_convert_type3A_6 = tpu.bitcast %and3A_5 : vector<4000x64xi32> -> vector<4000x64xf32>
    %concatenate3A = tpu.concatenate %bitcast_convert_type3A, %bitcast_convert_type3A_6 in 1 : vector<4000x64xf32>, vector<4000x64xf32> -> vector<4000x128xf32>
    %get3A_7 = arith.constant 0 : index
    %get3A_8 = arith.constant 0 : index
    %get3A_9 = vector.load %arg2[%get3A_7, %get3A_8] : memref<4000x128xf32, #tpu.memory_space<vmem>>, vector<4000x128xf32>
    %get3A_10 = arith.constant 0 : index
    %get3A_11 = arith.constant 0 : index
    %get3A_12 = vector.load %arg3[%get3A_10, %get3A_11] : memref<128x128xf32, #tpu.memory_space<vmem>>, vector<128x128xf32>
    %dot_general3A = arith.constant dense<0.000000e+00> : vector<4000x128xf32>
    %dot_general3A_13 = tpu.matmul %get3A_9, %get3A_12, %dot_general3A {dimension_numbers = #tpu.dot_dimension_numbers<[1], [0], [0], [1], [0, 0, 1, 1], [], []>, transpose_lhs_hint = false} : vector<4000x128xf32>, vector<128x128xf32>, vector<4000x128xf32> -> vector<4000x128xf32>
    %add3A = arith.addf %concatenate3A, %dot_general3A_13 : vector<4000x128xf32>
    %logistic3A = arith.negf %add3A : vector<4000x128xf32>
    %logistic3A_14 = math.exp %logistic3A : vector<4000x128xf32>
    %logistic3A_15 = arith.constant 1.000000e+00 : f32
    %logistic3A_16 = vector.broadcast %logistic3A_15 : f32 to vector<4000x128xf32>
    %logistic3A_17 = arith.addf %logistic3A_16, %logistic3A_14 : vector<4000x128xf32>
    %logistic3A_18 = arith.divf %logistic3A_16, %logistic3A_17 : vector<4000x128xf32>
    %mul3A = arith.mulf %add3A, %logistic3A_18 : vector<4000x128xf32>
    %get3A_19 = arith.constant 0 : index
    %get3A_20 = arith.constant 0 : index
    %get3A_21 = vector.load %arg4[%get3A_19, %get3A_20] : memref<128x128xf32, #tpu.memory_space<vmem>>, vector<128x128xf32>
    %dot_general3A_22 = arith.constant dense<0.000000e+00> : vector<4000x128xf32>
    %dot_general3A_23 = tpu.matmul %mul3A, %get3A_21, %dot_general3A_22 {dimension_numbers = #tpu.dot_dimension_numbers<[1], [0], [0], [1], [0, 0, 1, 1], [], []>, transpose_lhs_hint = false} : vector<4000x128xf32>, vector<128x128xf32>, vector<4000x128xf32> -> vector<4000x128xf32>
    %get3A_24 = arith.constant 0 : index
    %get3A_25 = arith.constant 0 : index
    %get3A_26 = vector.load %arg5[%get3A_24, %get3A_25] : memref<1x128xf32, #tpu.memory_space<vmem>>, vector<1x128xf32>
    %add3A_27 = vector.broadcast %get3A_26 : vector<1x128xf32> to vector<4000x128xf32>
    %add3A_28 = arith.addf %dot_general3A_23, %add3A_27 : vector<4000x128xf32>
    %logistic3A_29 = arith.negf %add3A_28 : vector<4000x128xf32>
    %logistic3A_30 = math.exp %logistic3A_29 : vector<4000x128xf32>
    %logistic3A_31 = arith.constant 1.000000e+00 : f32
    %logistic3A_32 = vector.broadcast %logistic3A_31 : f32 to vector<4000x128xf32>
    %logistic3A_33 = arith.addf %logistic3A_32, %logistic3A_30 : vector<4000x128xf32>
    %logistic3A_34 = arith.divf %logistic3A_32, %logistic3A_33 : vector<4000x128xf32>
    %mul3A_35 = arith.mulf %add3A_28, %logistic3A_34 : vector<4000x128xf32>
    %swap3A = arith.constant 0 : index
    %swap3A_36 = arith.constant 0 : index
    %swap3A_37 = vector.load %arg6[%swap3A, %swap3A_36] : memref<4000x128xf32, #tpu.memory_space<vmem>>, vector<4000x128xf32>
    tpu.vector_store %arg6[%swap3A, %swap3A_36], %mul3A_35 {strides = array<i32>} : memref<4000x128xf32, #tpu.memory_space<vmem>>, vector<4000x128xf32>,
    return
  }
  func.func @transform_0(%arg0: i32) -> (i32, i32) {
    %c0_i32 = arith.constant 0 : i32
    %c0_i32_0 = arith.constant 0 : i32
    return %arg0, %c0_i32 : i32, i32
  }
  func.func @transform_1(%arg0: i32) -> (i32, i32) {
    %c0_i32 = arith.constant 0 : i32
    %c0_i32_0 = arith.constant 0 : i32
    return %arg0, %c0_i32 : i32, i32
  }
  func.func @transform_2(%arg0: i32) -> (i32, i32) {
    %c0_i32 = arith.constant 0 : i32
    %c0_i32_0 = arith.constant 0 : i32
    %c0_i32_1 = arith.constant 0 : i32
    return %c0_i32, %c0_i32_0 : i32, i32
  }
  func.func @transform_3(%arg0: i32) -> (i32, i32) {
    %c0_i32 = arith.constant 0 : i32
    %c0_i32_0 = arith.constant 0 : i32
    %c0_i32_1 = arith.constant 0 : i32
    return %c0_i32, %c0_i32_0 : i32, i32
  }
  func.func @transform_4(%arg0: i32) -> (i32, i32) {
    %c0_i32 = arith.constant 0 : i32
    %c0_i32_0 = arith.constant 0 : i32
    %c0_i32_1 = arith.constant 0 : i32
    return %c0_i32, %c0_i32_0 : i32, i32
  }
  func.func @transform_5(%arg0: i32) -> (i32, i32) {
    %c0_i32 = arith.constant 0 : i32
    %c0_i32_0 = arith.constant 0 : i32
    return %arg0, %c0_i32 : i32, i32
  }
}

module attributes {stable_mosaic.version = 14 : i64} {
  func.func @body(%arg0: i32, %arg1: memref<1000x128xf32, #tpu.memory_space<vmem>>, %arg2: memref<1000x128xf32, #tpu.memory_space<vmem>>, %arg3: memref<1000x128xf32, #tpu.memory_space<vmem>>, %arg4: memref<1x1x1000xi32, #tpu.memory_space<vmem>>, %arg5: memref<128x128xf32, #tpu.memory_space<vmem>>, %arg6: memref<128x128xf32, #tpu.memory_space<vmem>>, %arg7: memref<1x128xf32, #tpu.memory_space<vmem>>, %arg8: memref<1000x128xf32, #tpu.memory_space<vmem>>, %arg9: memref<64x128xf32, #tpu.memory_space<vmem>>, %arg10: memref<64x128xf32, #tpu.memory_space<vmem>>) attributes {dimension_semantics = [#tpu.dimension_semantics<arbitrary>], iteration_bounds = array<i64: 10>, scalar_prefetch = 0 : i64, scratch_operands = 0 : i64, tpu.core_type = #tpu.core_type<tc>, window_params = [{transform_indices = @transform_0, window_bounds = array<i64: 1000, 128>}, {transform_indices = @transform_1, window_bounds = array<i64: 1000, 128>}, {transform_indices = @transform_2, window_bounds = array<i64: 1000, 128>}, {transform_indices = @transform_3, window_bounds = array<i64: 1, 1, 1000>}, {pipeline_mode = #tpu.pipeline_mode<synchronous>, transform_indices = @transform_4, window_bounds = array<i64: 128, 128>}, {pipeline_mode = #tpu.pipeline_mode<synchronous>, transform_indices = @transform_5, window_bounds = array<i64: 128, 128>}, {pipeline_mode = #tpu.pipeline_mode<synchronous>, transform_indices = @transform_6, window_bounds = array<i64: 1, 128>}, {transform_indices = @transform_7, window_bounds = array<i64: 1000, 128>}, {pipeline_mode = #tpu.pipeline_mode<synchronous>, transform_indices = @transform_8, window_bounds = array<i64: 64, 128>}, {pipeline_mode = #tpu.pipeline_mode<synchronous>, transform_indices = @transform_9, window_bounds = array<i64: 64, 128>}]} {
    %get3A = arith.constant 0 : index
    %get3A_0 = arith.constant 0 : index
    %get3A_1 = vector.load %arg1[%get3A, %get3A_0] : memref<1000x128xf32, #tpu.memory_space<vmem>>, vector<1000x128xf32>
    %get3A_2 = arith.constant 0 : index
    %get3A_3 = arith.constant 0 : index
    %get3A_4 = vector.load %arg2[%get3A_2, %get3A_3] : memref<1000x128xf32, #tpu.memory_space<vmem>>, vector<1000x128xf32>
    %add3A = arith.addf %get3A_1, %get3A_4 : vector<1000x128xf32>
    %get3A_5 = arith.constant 0 : index
    %get3A_6 = arith.constant 0 : index
    %get3A_7 = vector.load %arg3[%get3A_5, %get3A_6] : memref<1000x128xf32, #tpu.memory_space<vmem>>, vector<1000x128xf32>
    %get3A_8 = arith.constant 0 : index
    %get3A_9 = arith.constant 0 : index
    %get3A_10 = vector.load %arg5[%get3A_8, %get3A_9] : memref<128x128xf32, #tpu.memory_space<vmem>>, vector<128x128xf32>
    %dot_general3A = arith.constant dense<0.000000e+00> : vector<1000x128xf32>
    %dot_general3A_11 = tpu.matmul %add3A, %get3A_10, %dot_general3A {dimension_numbers = #tpu.dot_dimension_numbers<[1], [0], [0], [1], [0, 0, 1, 1], [], []>, transpose_lhs_hint = false} : vector<1000x128xf32>, vector<128x128xf32>, vector<1000x128xf32> -> vector<1000x128xf32>
    %add3A_12 = arith.addf %get3A_7, %dot_general3A_11 : vector<1000x128xf32>
    %logistic3A = arith.negf %add3A_12 : vector<1000x128xf32>
    %logistic3A_13 = math.exp %logistic3A : vector<1000x128xf32>
    %logistic3A_14 = arith.constant 1.000000e+00 : f32
    %logistic3A_15 = vector.broadcast %logistic3A_14 : f32 to vector<1000x128xf32>
    %logistic3A_16 = arith.addf %logistic3A_15, %logistic3A_13 : vector<1000x128xf32>
    %logistic3A_17 = arith.divf %logistic3A_15, %logistic3A_16 : vector<1000x128xf32>
    %mul3A = arith.mulf %add3A_12, %logistic3A_17 : vector<1000x128xf32>
    %get3A_18 = arith.constant 0 : index
    %get3A_19 = arith.constant 0 : index
    %get3A_20 = vector.load %arg6[%get3A_18, %get3A_19] : memref<128x128xf32, #tpu.memory_space<vmem>>, vector<128x128xf32>
    %dot_general3A_21 = arith.constant dense<0.000000e+00> : vector<1000x128xf32>
    %dot_general3A_22 = tpu.matmul %mul3A, %get3A_20, %dot_general3A_21 {dimension_numbers = #tpu.dot_dimension_numbers<[1], [0], [0], [1], [0, 0, 1, 1], [], []>, transpose_lhs_hint = false} : vector<1000x128xf32>, vector<128x128xf32>, vector<1000x128xf32> -> vector<1000x128xf32>
    %get3A_23 = arith.constant 0 : index
    %get3A_24 = arith.constant 0 : index
    %get3A_25 = vector.load %arg7[%get3A_23, %get3A_24] : memref<1x128xf32, #tpu.memory_space<vmem>>, vector<1x128xf32>
    %add3A_26 = vector.broadcast %get3A_25 : vector<1x128xf32> to vector<1000x128xf32>
    %add3A_27 = arith.addf %dot_general3A_22, %add3A_26 : vector<1000x128xf32>
    %logistic3A_28 = arith.negf %add3A_27 : vector<1000x128xf32>
    %logistic3A_29 = math.exp %logistic3A_28 : vector<1000x128xf32>
    %logistic3A_30 = arith.constant 1.000000e+00 : f32
    %logistic3A_31 = vector.broadcast %logistic3A_30 : f32 to vector<1000x128xf32>
    %logistic3A_32 = arith.addf %logistic3A_31, %logistic3A_29 : vector<1000x128xf32>
    %logistic3A_33 = arith.divf %logistic3A_31, %logistic3A_32 : vector<1000x128xf32>
    %mul3A_34 = arith.mulf %add3A_27, %logistic3A_33 : vector<1000x128xf32>
    %swap3A = arith.constant 0 : index
    %swap3A_35 = arith.constant 0 : index
    %swap3A_36 = vector.load %arg8[%swap3A, %swap3A_35] : memref<1000x128xf32, #tpu.memory_space<vmem>>, vector<1000x128xf32>
    tpu.vector_store %arg8[%swap3A, %swap3A_35], %mul3A_34 {strides = array<i32>} : memref<1000x128xf32, #tpu.memory_space<vmem>>, vector<1000x128xf32>,
    %iota3A = tpu.iota {dimensions = array<i32: 0>} : vector<64x1xi32>
    %get3A_37 = arith.constant 0 : index
    %get3A_38 = arith.constant 0 : index
    %get3A_39 = arith.constant 0 : index
    %get3A_40 = vector.load %arg4[%get3A_37, %get3A_38, %get3A_39] : memref<1x1x1000xi32, #tpu.memory_space<vmem>>, vector<1x1x1000xi32>
    %get3A_41 = vector.shape_cast %get3A_40 : vector<1x1x1000xi32> to vector<1x1000xi32>
    %eq3A = vector.broadcast %iota3A : vector<64x1xi32> to vector<64x1000xi32>
    %eq3A_42 = vector.broadcast %get3A_41 : vector<1x1000xi32> to vector<64x1000xi32>
    %eq3A_43 = arith.cmpi eq, %eq3A, %eq3A_42 : vector<64x1000xi32>
    %convert_element_type3A = arith.extui %eq3A_43 : vector<64x1000xi1> to vector<64x1000xi32>
    %convert_element_type3A_44 = arith.sitofp %convert_element_type3A : vector<64x1000xi32> to vector<64x1000xf32>
    %dot_general3A_45 = arith.constant dense<0.000000e+00> : vector<64x128xf32>
    %dot_general3A_46 = tpu.matmul %convert_element_type3A_44, %add3A, %dot_general3A_45 {dimension_numbers = #tpu.dot_dimension_numbers<[1], [0], [0], [1], [0, 0, 1, 1], [], []>, transpose_lhs_hint = false} : vector<64x1000xf32>, vector<1000x128xf32>, vector<64x128xf32> -> vector<64x128xf32>
    %dot_general3A_47 = arith.constant dense<0.000000e+00> : vector<64x128xf32>
    %dot_general3A_48 = tpu.matmul %convert_element_type3A_44, %mul3A_34, %dot_general3A_47 {dimension_numbers = #tpu.dot_dimension_numbers<[1], [0], [0], [1], [0, 0, 1, 1], [], []>, transpose_lhs_hint = false} : vector<64x1000xf32>, vector<1000x128xf32>, vector<64x128xf32> -> vector<64x128xf32>
    %eq3A_49 = arith.constant 0 : i32
    %eq3A_50 = arith.cmpi eq, %arg0, %eq3A_49 : i32
    %convert_element_type3A_51 = arith.extui %eq3A_50 : i1 to i32
    %cond3A = arith.constant 0 : i32
    %cond3A_52 = arith.cmpi ne, %convert_element_type3A_51, %cond3A : i32
    scf.if %cond3A_52 {
      %swap3A_57 = arith.constant 0 : index
      %swap3A_58 = arith.constant 0 : index
      %swap3A_59 = vector.load %arg9[%swap3A_57, %swap3A_58] : memref<64x128xf32, #tpu.memory_space<vmem>>, vector<64x128xf32>
      tpu.vector_store %arg9[%swap3A_57, %swap3A_58], %dot_general3A_46 {strides = array<i32>} : memref<64x128xf32, #tpu.memory_space<vmem>>, vector<64x128xf32>,
      %swap3A_60 = arith.constant 0 : index
      %swap3A_61 = arith.constant 0 : index
      %swap3A_62 = vector.load %arg10[%swap3A_60, %swap3A_61] : memref<64x128xf32, #tpu.memory_space<vmem>>, vector<64x128xf32>
      tpu.vector_store %arg10[%swap3A_60, %swap3A_61], %dot_general3A_48 {strides = array<i32>} : memref<64x128xf32, #tpu.memory_space<vmem>>, vector<64x128xf32>,
    } else {
    }
    %ne3A = arith.constant 0 : i32
    %ne3A_53 = arith.cmpi ne, %arg0, %ne3A : i32
    %convert_element_type3A_54 = arith.extui %ne3A_53 : i1 to i32
    %cond3A_55 = arith.constant 0 : i32
    %cond3A_56 = arith.cmpi ne, %convert_element_type3A_54, %cond3A_55 : i32
    scf.if %cond3A_56 {
      %get3A_57 = arith.constant 0 : index
      %get3A_58 = arith.constant 0 : index
      %get3A_59 = vector.load %arg9[%get3A_57, %get3A_58] : memref<64x128xf32, #tpu.memory_space<vmem>>, vector<64x128xf32>
      %add3A_60 = arith.addf %get3A_59, %dot_general3A_46 : vector<64x128xf32>
      %swap3A_61 = arith.constant 0 : index
      %swap3A_62 = arith.constant 0 : index
      %swap3A_63 = vector.load %arg9[%swap3A_61, %swap3A_62] : memref<64x128xf32, #tpu.memory_space<vmem>>, vector<64x128xf32>
      tpu.vector_store %arg9[%swap3A_61, %swap3A_62], %add3A_60 {strides = array<i32>} : memref<64x128xf32, #tpu.memory_space<vmem>>, vector<64x128xf32>,
      %get3A_64 = arith.constant 0 : index
      %get3A_65 = arith.constant 0 : index
      %get3A_66 = vector.load %arg10[%get3A_64, %get3A_65] : memref<64x128xf32, #tpu.memory_space<vmem>>, vector<64x128xf32>
      %add3A_67 = arith.addf %get3A_66, %dot_general3A_48 : vector<64x128xf32>
      %swap3A_68 = arith.constant 0 : index
      %swap3A_69 = arith.constant 0 : index
      %swap3A_70 = vector.load %arg10[%swap3A_68, %swap3A_69] : memref<64x128xf32, #tpu.memory_space<vmem>>, vector<64x128xf32>
      tpu.vector_store %arg10[%swap3A_68, %swap3A_69], %add3A_67 {strides = array<i32>} : memref<64x128xf32, #tpu.memory_space<vmem>>, vector<64x128xf32>,
    } else {
    }
    return
  }
  func.func @transform_0(%arg0: i32) -> (i32, i32) {
    %c0_i32 = arith.constant 0 : i32
    %c0_i32_0 = arith.constant 0 : i32
    return %arg0, %c0_i32 : i32, i32
  }
  func.func @transform_1(%arg0: i32) -> (i32, i32) {
    %c0_i32 = arith.constant 0 : i32
    %c0_i32_0 = arith.constant 0 : i32
    return %arg0, %c0_i32 : i32, i32
  }
  func.func @transform_2(%arg0: i32) -> (i32, i32) {
    %c0_i32 = arith.constant 0 : i32
    %c0_i32_0 = arith.constant 0 : i32
    return %arg0, %c0_i32 : i32, i32
  }
  func.func @transform_3(%arg0: i32) -> (i32, i32, i32) {
    %c0_i32 = arith.constant 0 : i32
    %c0_i32_0 = arith.constant 0 : i32
    %c0_i32_1 = arith.constant 0 : i32
    return %arg0, %c0_i32, %c0_i32_0 : i32, i32, i32
  }
  func.func @transform_4(%arg0: i32) -> (i32, i32) {
    %c0_i32 = arith.constant 0 : i32
    %c0_i32_0 = arith.constant 0 : i32
    %c0_i32_1 = arith.constant 0 : i32
    return %c0_i32, %c0_i32_0 : i32, i32
  }
  func.func @transform_5(%arg0: i32) -> (i32, i32) {
    %c0_i32 = arith.constant 0 : i32
    %c0_i32_0 = arith.constant 0 : i32
    %c0_i32_1 = arith.constant 0 : i32
    return %c0_i32, %c0_i32_0 : i32, i32
  }
  func.func @transform_6(%arg0: i32) -> (i32, i32) {
    %c0_i32 = arith.constant 0 : i32
    %c0_i32_0 = arith.constant 0 : i32
    %c0_i32_1 = arith.constant 0 : i32
    return %c0_i32, %c0_i32_0 : i32, i32
  }
  func.func @transform_7(%arg0: i32) -> (i32, i32) {
    %c0_i32 = arith.constant 0 : i32
    %c0_i32_0 = arith.constant 0 : i32
    return %arg0, %c0_i32 : i32, i32
  }
  func.func @transform_8(%arg0: i32) -> (i32, i32) {
    %c0_i32 = arith.constant 0 : i32
    %c0_i32_0 = arith.constant 0 : i32
    %c0_i32_1 = arith.constant 0 : i32
    return %c0_i32, %c0_i32_0 : i32, i32
  }
  func.func @transform_9(%arg0: i32) -> (i32, i32) {
    %c0_i32 = arith.constant 0 : i32
    %c0_i32_0 = arith.constant 0 : i32
    %c0_i32_1 = arith.constant 0 : i32
    return %c0_i32, %c0_i32_0 : i32, i32
  }
}

module attributes {stable_mosaic.version = 14 : i64} {
  func.func @body(%arg0: memref<64x128xf32, #tpu.memory_space<vmem>>, %arg1: memref<64x128xf32, #tpu.memory_space<vmem>>, %arg2: memref<64x128xf32, #tpu.memory_space<vmem>>, %arg3: memref<128x128xf32, #tpu.memory_space<vmem>>, %arg4: memref<128x128xf32, #tpu.memory_space<vmem>>, %arg5: memref<128x128xf32, #tpu.memory_space<vmem>>, %arg6: memref<1x128xf32, #tpu.memory_space<vmem>>, %arg7: memref<128x128xf32, #tpu.memory_space<vmem>>, %arg8: memref<1x128xf32, #tpu.memory_space<vmem>>, %arg9: memref<64x128xf32, #tpu.memory_space<vmem>>) attributes {dimension_semantics = [], scalar_prefetch = 0 : i64, scratch_operands = 0 : i64, tpu.core_type = #tpu.core_type<tc>} {
    %get3A = arith.constant 0 : index
    %get3A_0 = arith.constant 0 : index
    %get3A_1 = vector.load %arg0[%get3A, %get3A_0] : memref<64x128xf32, #tpu.memory_space<vmem>>, vector<64x128xf32>
    %get3A_2 = arith.constant 0 : index
    %get3A_3 = arith.constant 0 : index
    %get3A_4 = vector.load %arg3[%get3A_2, %get3A_3] : memref<128x128xf32, #tpu.memory_space<vmem>>, vector<128x128xf32>
    %dot_general3A = arith.constant dense<0.000000e+00> : vector<64x128xf32>
    %dot_general3A_5 = tpu.matmul %get3A_1, %get3A_4, %dot_general3A {dimension_numbers = #tpu.dot_dimension_numbers<[1], [0], [0], [1], [0, 0, 1, 1], [], []>, transpose_lhs_hint = false} : vector<64x128xf32>, vector<128x128xf32>, vector<64x128xf32> -> vector<64x128xf32>
    %get3A_6 = arith.constant 0 : index
    %get3A_7 = arith.constant 0 : index
    %get3A_8 = vector.load %arg1[%get3A_6, %get3A_7] : memref<64x128xf32, #tpu.memory_space<vmem>>, vector<64x128xf32>
    %get3A_9 = arith.constant 0 : index
    %get3A_10 = arith.constant 0 : index
    %get3A_11 = vector.load %arg4[%get3A_9, %get3A_10] : memref<128x128xf32, #tpu.memory_space<vmem>>, vector<128x128xf32>
    %dot_general3A_12 = arith.constant dense<0.000000e+00> : vector<64x128xf32>
    %dot_general3A_13 = tpu.matmul %get3A_8, %get3A_11, %dot_general3A_12 {dimension_numbers = #tpu.dot_dimension_numbers<[1], [0], [0], [1], [0, 0, 1, 1], [], []>, transpose_lhs_hint = false} : vector<64x128xf32>, vector<128x128xf32>, vector<64x128xf32> -> vector<64x128xf32>
    %add3A = arith.addf %dot_general3A_5, %dot_general3A_13 : vector<64x128xf32>
    %get3A_14 = arith.constant 0 : index
    %get3A_15 = arith.constant 0 : index
    %get3A_16 = vector.load %arg2[%get3A_14, %get3A_15] : memref<64x128xf32, #tpu.memory_space<vmem>>, vector<64x128xf32>
    %get3A_17 = arith.constant 0 : index
    %get3A_18 = arith.constant 0 : index
    %get3A_19 = vector.load %arg5[%get3A_17, %get3A_18] : memref<128x128xf32, #tpu.memory_space<vmem>>, vector<128x128xf32>
    %dot_general3A_20 = arith.constant dense<0.000000e+00> : vector<64x128xf32>
    %dot_general3A_21 = tpu.matmul %get3A_16, %get3A_19, %dot_general3A_20 {dimension_numbers = #tpu.dot_dimension_numbers<[1], [0], [0], [1], [0, 0, 1, 1], [], []>, transpose_lhs_hint = false} : vector<64x128xf32>, vector<128x128xf32>, vector<64x128xf32> -> vector<64x128xf32>
    %add3A_22 = arith.addf %add3A, %dot_general3A_21 : vector<64x128xf32>
    %get3A_23 = arith.constant 0 : index
    %get3A_24 = arith.constant 0 : index
    %get3A_25 = vector.load %arg6[%get3A_23, %get3A_24] : memref<1x128xf32, #tpu.memory_space<vmem>>, vector<1x128xf32>
    %add3A_26 = vector.broadcast %get3A_25 : vector<1x128xf32> to vector<64x128xf32>
    %add3A_27 = arith.addf %add3A_22, %add3A_26 : vector<64x128xf32>
    %logistic3A = arith.negf %add3A_27 : vector<64x128xf32>
    %logistic3A_28 = math.exp %logistic3A : vector<64x128xf32>
    %logistic3A_29 = arith.constant 1.000000e+00 : f32
    %logistic3A_30 = vector.broadcast %logistic3A_29 : f32 to vector<64x128xf32>
    %logistic3A_31 = arith.addf %logistic3A_30, %logistic3A_28 : vector<64x128xf32>
    %logistic3A_32 = arith.divf %logistic3A_30, %logistic3A_31 : vector<64x128xf32>
    %mul3A = arith.mulf %add3A_27, %logistic3A_32 : vector<64x128xf32>
    %get3A_33 = arith.constant 0 : index
    %get3A_34 = arith.constant 0 : index
    %get3A_35 = vector.load %arg7[%get3A_33, %get3A_34] : memref<128x128xf32, #tpu.memory_space<vmem>>, vector<128x128xf32>
    %dot_general3A_36 = arith.constant dense<0.000000e+00> : vector<64x128xf32>
    %dot_general3A_37 = tpu.matmul %mul3A, %get3A_35, %dot_general3A_36 {dimension_numbers = #tpu.dot_dimension_numbers<[1], [0], [0], [1], [0, 0, 1, 1], [], []>, transpose_lhs_hint = false} : vector<64x128xf32>, vector<128x128xf32>, vector<64x128xf32> -> vector<64x128xf32>
    %get3A_38 = arith.constant 0 : index
    %get3A_39 = arith.constant 0 : index
    %get3A_40 = vector.load %arg8[%get3A_38, %get3A_39] : memref<1x128xf32, #tpu.memory_space<vmem>>, vector<1x128xf32>
    %add3A_41 = vector.broadcast %get3A_40 : vector<1x128xf32> to vector<64x128xf32>
    %add3A_42 = arith.addf %dot_general3A_37, %add3A_41 : vector<64x128xf32>
    %logistic3A_43 = arith.negf %add3A_42 : vector<64x128xf32>
    %logistic3A_44 = math.exp %logistic3A_43 : vector<64x128xf32>
    %logistic3A_45 = arith.constant 1.000000e+00 : f32
    %logistic3A_46 = vector.broadcast %logistic3A_45 : f32 to vector<64x128xf32>
    %logistic3A_47 = arith.addf %logistic3A_46, %logistic3A_44 : vector<64x128xf32>
    %logistic3A_48 = arith.divf %logistic3A_46, %logistic3A_47 : vector<64x128xf32>
    %mul3A_49 = arith.mulf %add3A_42, %logistic3A_48 : vector<64x128xf32>
    %swap3A = arith.constant 0 : index
    %swap3A_50 = arith.constant 0 : index
    %swap3A_51 = vector.load %arg9[%swap3A, %swap3A_50] : memref<64x128xf32, #tpu.memory_space<vmem>>, vector<64x128xf32>
    tpu.vector_store %arg9[%swap3A, %swap3A_50], %mul3A_49 {strides = array<i32>} : memref<64x128xf32, #tpu.memory_space<vmem>>, vector<64x128xf32>,
    return
  }
}

</mosaic_0001>

<sc_bundles>
// kernel: kernel.11.cloned.1.call-start
scs
__scs_entry_jumppad:
0x0: {  	(pc) =	sbr.rel $0x88, $3  }
0x1: {  	(tag) =	ssettag $0x0;
	lr =	simm.s32 $0x1  }
0x2: {  	[smem:$0x3F90] =	sst lr;
	_ =	strace $0xD0000000  }
0x3: {  	_ = 	snop  }
0x4: {  	_ = 	snop  }
0x5: {  	_ = 	snop  }
0x6: {  	_ = 	snop  }
0x7: {  	_ = 	snop  }
__scs_overlays_trampoline_lowered:
0x8: {  	[smem:$0x3F9F] =	sst s0  }
0x9: {  	[smem:$0x3FA0] =	sst s1  }
0xa: {  	[smem:$0x3FA1] =	sst s2  }
0xb: {  	[smem:$0x3FA2] =	sst s3  }
0xc: {  	[smem:$0x3FA3] =	sst s4  }
0xd: {  	[smem:$0x3FA4] =	sst s5  }
0xe: {  	[smem:$0x3FA5] =	sst s6  }
0xf: {  	[smem:$0x3FA6] =	sst s7  }
0x10: {  	[smem:$0x3FA7] =	sst s8  }
0x11: {  	[smem:$0x3FA8] =	sst s9;
	s0 =	simm.s32 @!p0 $0x0  }
0x12: {  	s1 =	sld [smem:$0x3F8E];
	s0 =	simm.s32 @p0 $0x1  }
0x13: {  	[smem:$0x3FA9] =	sst s0;
	s0 =	simm.s32 @!p1 $0x0  }
0x14: {  	s2 =	sld [smem:$0x3F8D];
	s0 =	simm.s32 @p1 $0x1  }
0x15: {  	[smem:$0x3FAA] =	sst s0;
	s0 =	simm.s32 @!p2 $0x0  }
0x16: {  	s3 =	sld [smem:$0x3FDB];
	s0 =	simm.s32 @p2 $0x1  }
0x17: {  	s4 =	simm.s32 $0x1BF5;
	[smem:$0x3FAC] =	sst s0  }
0x18: {  	s0 =	sld [smem:$0x3F8F];
	_ =	swait.ge [sflag:s4], $0x0  }
0x19: {  	s7 =	sld [smem:$0x3F90]  }
0x1a: {  	s8 =	sadd.s32 $0xFFFFE003, lr  }
0x1b: {  	s9 =	sadd.s32 $0xFFFFFEF7, lr;
	s5 =	simm.s32 $0xFFFFFFFF;
	p2 =	slt.u32 s8, $0xFFFFF086  }
0x1c: {  	p1 =	slt.u32 s9, $0xF7A;
	s5 =	simm.s32 @!p2 $0x0  }
0x1d: {  	s5 =	simm.s32 @p1 $0x1;
	p0 =	seq.s32 s7, s2  }
0x1e: {  	s7 =	smul.u32 @!p0 $0xF7A, s2;
	p2 =	seq.s32 @!p0 s5, $0x0  }
0x1f: {  	s9 =	smul.u32 $0xF7A, s1;
	s8 =	simm.s32 @!p0 $0x1BF5;
	p2 =	por !p2, p0  }
0x20: {  	[sflag:s8] =	ssyncset.s32 @!p0 $0xFFFFF086;
	s6 =	sadd.s32 @!p0 s3, s7;
	s7 =	simm.s32 @!p0 $0x108  }
0x21: {  	s3 =	sadd.s32 s3, s9;
	s6 =	sadd.s32 @!p0 $0x88, s6;
	s7 =	simm.s32 @p2 $0x1082  }
0x22: {  	[simem:s7], [sflag:s8] =	dma.local @!p0 [hbm:s6], $0xF7A  }
0x23: {  	s9 =	sor.u32 $0xD0000000, s2;
	s6 =	simm.s32 $0x108;
	_ =	swait.ge @!p0 [sflag:s8], $0x0  }
0x24: {  	s3 =	sadd.s32 $0x88, s3;
	s6 =	simm.s32 @!p1 $0x1082;
	[sflag:s4] =	ssyncset.s32 $0xFFFFF086  }
0x25: {  	[simem:s6], [sflag:s4] =	dma.local [hbm:s3], $0xF7A  }
0x26: {  	[smem:$0x3F90] =	sst s1;
	(tag) =	ssettag s2;
	_ =	strace s9  }
0x27: {  	s1 =	sld [smem:$0x3FA0]  }
0x28: {  	s2 =	sld [smem:$0x3FA1]  }
0x29: {  	s4 =	sld [smem:$0x3FA3]  }
0x2a: {  	p0 =	seq.s32 s5, $0x0;
	s5 =	sld [smem:$0x3FA4]  }
0x2b: {  	s6 =	sld [smem:$0x3FA5]  }
0x2c: {  	s7 =	sld [smem:$0x3FA6]  }
0x2d: {  	s3 =	simm.s32 $0x108;
	s8 =	sld [smem:$0x3FA7]  }
0x2e: {  	s3 =	simm.s32 @!p0 $0x1082;
	s9 =	sld [smem:$0x3FA8]  }
0x2f: {  	lr =	sadd.s32 s0, s3;
	s0 =	sld [smem:$0x3F9F]  }
0x30: {  	s3 =	sld [smem:$0x3FA2]  }
0x31: {  	[smem:$0x3FAB] =	sst s10  }
0x32: {  	s10 =	sld [smem:$0x3FA9];
	_ =	sdelay $0x3  }
0x33: {  	p0 =	seq.s32 s10, $0x1;
	s10 =	sld [smem:$0x3FAB];
	_ =	sdelay $0x3  }
0x34: {  	[smem:$0x3FAB] =	sst s10  }
0x35: {  	s10 =	sld [smem:$0x3FAA];
	_ =	sdelay $0x3  }
0x36: {  	p1 =	seq.s32 s10, $0x1;
	s10 =	sld [smem:$0x3FAB];
	_ =	sdelay $0x3  }
0x37: {  	[smem:$0x3FAB] =	sst s10  }
0x38: {  	s10 =	sld [smem:$0x3FAC]  }
0x39: {  	_ = 	snop;
	(pc) =	sbr.ind lr, $3  }
0x3a: {  	_ = 	snop  }
0x3b: {  	_ = 	snop  }
0x3c: {  	p2 =	seq.s32 s10, $0x1;
	s10 =	sld [smem:$0x3FAB]  }
0x3d: {  	_ =	shalt  }
0x3e: {  	_ =	shalt  }
0x3f: {  	_ =	shalt  }
0x40: {  	_ =	shalt  }
0x41: {  	_ =	shalt  }
0x42: {  	_ =	shalt  }
0x43: {  	_ =	shalt  }
0x44: {  	_ =	shalt  }
0x45: {  	_ =	shalt  }
0x46: {  	_ =	shalt  }
0x47: {  	_ =	shalt  }
0x48: {  	_ =	shalt  }
0x49: {  	_ =	shalt  }
0x4a: {  	_ =	shalt  }
0x4b: {  	_ =	shalt  }
0x4c: {  	_ =	shalt  }
0x4d: {  	_ =	shalt  }
0x4e: {  	_ =	shalt  }
0x4f: {  	_ =	shalt  }
0x50: {  	_ =	shalt  }
0x51: {  	_ =	shalt  }
0x52: {  	_ =	shalt  }
0x53: {  	_ =	shalt  }
0x54: {  	_ =	shalt  }
0x55: {  	_ =	shalt  }
0x56: {  	_ =	shalt  }
0x57: {  	_ =	shalt  }
0x58: {  	_ =	shalt  }
0x59: {  	_ =	shalt  }
0x5a: {  	_ =	shalt  }
0x5b: {  	_ =	shalt  }
0x5c: {  	_ =	shalt  }
0x5d: {  	_ =	shalt  }
0x5e: {  	_ =	shalt  }
0x5f: {  	_ =	shalt  }
0x60: {  	_ =	shalt  }
0x61: {  	_ =	shalt  }
0x62: {  	_ =	shalt  }
0x63: {  	_ =	shalt  }
0x64: {  	_ =	shalt  }
0x65: {  	_ =	shalt  }
0x66: {  	_ =	shalt  }
0x67: {  	_ =	shalt  }
0x68: {  	_ =	shalt  }
0x69: {  	_ =	shalt  }
0x6a: {  	_ =	shalt  }
0x6b: {  	_ =	shalt  }
0x6c: {  	_ =	shalt  }
0x6d: {  	_ =	shalt  }
0x6e: {  	_ =	shalt  }
0x6f: {  	_ =	shalt  }
0x70: {  	_ =	shalt  }
0x71: {  	_ =	shalt  }
0x72: {  	_ =	shalt  }
0x73: {  	_ =	shalt  }
0x74: {  	_ =	shalt  }
0x75: {  	_ =	shalt  }
0x76: {  	_ =	shalt  }
0x77: {  	_ =	shalt  }
0x78: {  	_ =	shalt  }
0x79: {  	_ =	shalt  }
0x7a: {  	_ =	shalt  }
0x7b: {  	_ =	shalt  }
0x7c: {  	_ =	shalt  }
0x7d: {  	_ =	shalt  }
0x7e: {  	_ =	shalt  }
0x7f: {  	_ =	shalt  }
0x80: {  	_ =	shalt  }
0x81: {  	_ =	shalt  }
0x82: {  	_ =	shalt  }
0x83: {  	_ =	shalt  }
0x84: {  	_ =	shalt  }
0x85: {  	_ =	shalt  }
0x86: {  	_ =	shalt  }
0x87: {  	_ =	shalt  }
.Lfunc_end0:
.L_simem_size_0:
called_computation.1_lowered:
.L_overlay_start_0:
0x88: {  	s2 =	sld [smem:$0x3FD9]  }
0x89: {  	s3 =	sld [smem:$0x3FFE];
	_ =	sdelay $0x1  }
0x8a: {  	s1 =	srdreg.scid  }
0x8b: {  	s0 =	sand.u32 $0x1, s1  }
0x8c: {  	s14 =	sshll.u32 s0, $0xA;
	s2 =	sadd.s32 s3, s2  }
0x8d: {  	s2 =	sadd.s32 s2, s14  }
0x8e: {  	[smem:$0x3FB7] =	sst s2  }
0x8f: {  	_ = 	snop  }
0x90: {  	s2 =	sld [smem:$0x3FD0];
	_ =	sdelay $0x2  }
0x91: {  	s15 =	simm.s32 $0xA;
	s4 =	simm.s32 $0x10  }
0x92: {  	[smem:s4], [sflag:s15] =	dma.local [hbm:s2], $0x1  }
0x93: {  	_ =	swait.eq [sflag:s15], $0x1  }
0x94: {  	[sflag:s15] =	ssyncset.done $0x0  }
0x95: {  	[sflag:s15] =	ssyncadd.s32 $0xFFFFFFFF  }
0x96: {  	s16 =	sld [smem:$0x11];
	(tm) =	ssettm $0x1  }
0x97: {  	s17 =	sld [smem:$0x3FFB];
	_ =	sdelay $0x3  }
0x98: {  	_ =	strace s17  }
0x99: {  	s3 =	sld [smem:$0x3FFC];
	_ =	sdelay $0x3  }
0x9a: {  	_ =	strace s3  }
0x9b: {  	s3 =	sld [smem:$0x3FFD];
	_ =	sdelay $0x3  }
0x9c: {  	_ =	strace s3  }
0x9d: {  	_ =	strace $0x8FFFFFFF  }
0x9e: {  	s18 =	sld [smem:$0x3FDB];
	_ =	sdelay $0x1  }
0x9f: {  	s19 =	simm.s32 $_scs_section_size  }
0xa0: {  	s5 =	simm.s32 $_size__tile_overlayer_lowered;
	s6 =	simm.s32 $_tile_overlayer_lowered  }
0xa1: {  	s22 =	simm.s32 $0x1BFF;
	s21 =	sshll.u32 s6, $0x1;
	s3 =	sadd.s32 s19, s18  }
0xa2: {  	s7 =	simm.s32 $0x0;
	s20 =	sshll.u32 s5, $0x1;
	s5 =	sadd.s32 s21, s3  }
0xa3: {  	[timem:s7], [sflag:s22] =	dma.local [hbm:s5], s20  }
0xa4: {  	_ =	swait.ge [sflag:s22], s20  }
0xa5: {  	s4 =	ssub.s32 $0x0, s20;
	[sflag:s22] =	ssyncset.done $0x0  }
0xa6: {  	[sflag:s22] =	ssyncadd.s32 s4;
	_ =	sdelay $0x1  }
0xa7: {  	s23 =	simm.s32 $0x1B8B  }
0xa8: {  	_ =	swait.ge [sflag:s23], $0x1  }
0xa9: {  	[sflag:s23] =	ssyncset.done $0x0  }
0xaa: {  	s25 =	simm.s32 $0x1B8E;
	s24 =	sld [smem:$0x3FFE];
	[sflag:s23] =	ssyncadd.s32 $0xFFFFFFFF  }
0xab: {  	s26 =	simm.s32 $execute0_lowered;
	[smem:$0x3FD2] =	sst s25  }
0xac: {  	s5 =	sshll.u32 s26, $0x1;
	_ =	strace $0x80000049;
	[dreg:$0x1] =	wrdreg $0xFFFFFFFF  }
0xad: {  	s28 =	simm.s32 $_size_execute0_lowered;
	s3 =	sadd.s32 s3, s5;
	[dreg:$0x0] =	wrdreg $0x0  }
0xae: {  	s5 =	sshll.u32 s28, $0x1;
	[dreg:$0x2] =	wrdreg s3  }
0xaf: {  	[dreg:$0x3] =	wrdreg s5  }
0xb0: {  	[dreg:$0x4] =	wrdreg $0xC0  }
0xb1: {  	_ =	task [dreg:s7], $0x5FFFF  }
0xb2: {  	[dreg:$0x1] =	wrdreg $0xFFFFFFFF  }
0xb3: {  	[dreg:$0x0] =	wrdreg $0x60  }
0xb4: {  	[dreg:$0x2] =	wrdreg s16  }
0xb5: {  	[dreg:$0x3] =	wrdreg s24  }
0xb6: {  	[dreg:$0x4] =	wrdreg $0x94000  }
0xb7: {  	[dreg:$0x5] =	wrdreg $0x9  }
0xb8: {  	_ =	task.clear_ibuf [dreg:s7], $0x6FFFF;
	_ =	strace $0x90000049  }
0xb9: {  	s29 =	simm.s32 $0x9;
	_ =	strace $0x8000004B  }
0xba: {  	_ =	swait.ge [sflag:s29], $0x1  }
0xbb: {  	[sflag:s29] =	ssyncadd.s32 $0xFFFFFFFF  }
0xbc: {  	_ =	strace $0x9000004B  }
0xbd: {  	_ =	sfence  }
0xbe: {  	s30 =	sld [smem:$0x0];
	_ =	sdelay $0x2  }
0xbf: {  	s31 =	sshll.u32 s1, $0xD;
	s1 =	sshrl.u32 s1, $0x2  }
0xc0: {  	s3 =	sand.u32 $0x4000, s31;
	s1 =	sadd.s32 s1, s30  }
0xc1: {  	s0 =	sor.u32 s3, s0;
	s1 =	sshll.u32 s1, $0x11  }
0xc2: {  	s0 =	sor.u32 s1, s0  }
0xc3: {  	s0 =	sadd.s32 $0x8F2B, s0  }
0xc4: {  	[sflag:s0] =	ssyncadd.remote.s32 $0x1  }
0xc5: {  	_ =	sfence.sel $0xFFFF  }
0xc6: {  	[dreg:$0x0] =	wrdreg $0xFFFFFFFF;
	(pc) =	sbr.abs _section_cstart, $3  }
0xc7: {  	[dreg:$0x1] =	wrdreg $0xFFFFFFFF  }
0xc8: {  	_ =	task.clear_ibuf [dreg:s7], $0x2FFFF;
	_ =	strace $0x9FFFFFFF  }
0xc9: {  	(tm) =	ssettm $0x7FFFFFFF  }
tec
execute0_lowered:
.L_overlay_start_1:
0x0: {  	(tag) =	ssettag $0x1  }
0x1: {  	s1 =	rddreg [dreg:$0x0]  }
0x2: {  	s5 =	rddreg [dreg:$0x1]  }
0x3: {  	s3 =	rddreg [dreg:$0x2];
	s2 =	srdreg.scid  }
0x4: {  	s0 =	rddreg [dreg:$0x3];
	s4 =	simm.s32 $0x0;
	s16 =	simm.s32 $0x5  }
0x5: {  	s17 =	simm.s32 $0x1400;
	s18 =	simm.s32 $0x1;
	s19 =	simm.s32 $0x5400  }
0x6: {  	s20 =	simm.s32 $0x80;
	s21 =	simm.s32 $0x2;
	s9 =	sand.u32 $0x1, s2  }
0x7: {  	s22 =	simm.s32 $0x3;
	s2 =	stileid.u32;
	s6 =	smul.u32 $0x13C000, s9  }
0x8: {  	s23 =	simm.s32 $0x4;
	s24 =	simm.s32 $0x1380;
	s8 =	smul.u32 $0x13C00, s2  }
0x9: {  	s25 =	simm.s32 $0x0;
	[smem:$0x7FF] =	sst s4;
	s11 =	smul.u32 $0x4F000, s2  }
0xa: {  	s7 =	sshll.u32 s2, $0x1;
	_ =	strace $0x8000004A;
	s14 =	smul.u32 $0x50, s2  }
0xb: {  	s28 =	ssub.s32 $0x2, s9;
	s15 =	smul.u32 $0x28, s9;
	s7 =	sor.u32 s9, s7  }
0xc: {  	s29 =	sshrl.u32 s28, $0x1;
	s10 =	smul.u32 $0x280, s7;
	s6 =	sadd.s32 s8, s6  }
0xd: {  	s13 =	ssub.s32 s28, s29;
	s30 =	sshrl.u32 s11, $0x2;
	s31 =	smul.u32 $0x14000, s7  }
0xe: {  	s15 =	sadd.s32 s15, s14;
	s6 =	sshrl.u32 s6, $0x3;
	s11 =	smax.u32 s13, $0x1  }
0xf: {  	s15 =	sor.u32 $0x3, s15;
	s10 =	sadd.s32 s10, s5;
	s12 =	sadd.s32 s6, s5  }
0x10: {  	s6 =	sadd.s32 s30, s3;
	s8 =	sadd.s32 s1, s31;
	s5 =	sadd.s32 $0x36600, s10  }
0x11: {  	s7 =	sadd.s32 $0x10000, s6;
	s9 =	sadd.s32 $0x800, s8;
	s10 =	sadd.s32 $0x3B600, s12  }
0x12: {  	v0 =	vimm.f32 $0.0e+00;
	s12 =	sadd.s32 $0x4000, s6;
	s13 =	sadd.s32 $0x8000, s6;
	s14 =	sadd.s32 $0xC000, s6  }
.LBB2_1:
0x13: {  	[tilespmem:s4], [sflag:$0x5] =	stream.linear.gather [hbm4b:s5+s4], $0x1400, $0x38;
	[tilespmem:$0x1D000] =	vst v63  }
0x14: {  	_ =	swait.ge [sflag:s16], $0x1400  }
0x15: {  	[sflag:s16] =	ssyncset.done $0x0  }
0x16: {  	s26 =	simm.s32 $0x0;
	s28 =	simm.s32 $0x200;
	[sflag:s16] =	ssyncadd.s32 $0xFFFFEC00  }
.LBB2_2:
0x17: {  	p0 =	sne.s32 s28, $0xFE00;
	[tilespmem:s26+$0x1470] =	vst v0  }
0x18: {  	[tilespmem:s26+$0x1400] =	vst v0  }
0x19: {  	[tilespmem:s26+$0x1410] =	vst v0  }
.Ltmp0:
0x1a: {  	[tilespmem:s26+$0x1420] =	vst v0;
	(pc) =	sbr.rel @p0 .LBB2_2-.Ltmp0, $4  }
0x1b: {  	[tilespmem:s26+$0x1430] =	vst v0  }
0x1c: {  	[tilespmem:s26+$0x1440] =	vst v0  }
0x1d: {  	[tilespmem:s26+$0x1450] =	vst v0  }
0x1e: {  	[tilespmem:s26+$0x1460] =	vst v0;
	s26 =	sshra.s32 s28, $0x2;
	s28 =	sadd.s32 $0x200, s28  }
0x1f: {  	[tilespmem:s26+$0x1470] =	vst v0  }
0x20: {  	[tilespmem:s26+$0x1400] =	vst v0  }
0x21: {  	[tilespmem:s26+$0x1410] =	vst v0  }
0x22: {  	[tilespmem:s26+$0x1420] =	vst v0  }
0x23: {  	[tilespmem:s26+$0x1430] =	vst v0  }
0x24: {  	[tilespmem:s26+$0x1440] =	vst v0  }
0x25: {  	[tilespmem:s26+$0x1450] =	vst v0  }
0x26: {  	[tilespmem:s26+$0x1460] =	vst v0  }
0x27: {  	[spmem:s6] =	stream.linear.scatter [tilespmem:s17], [sflag:$0x5], $0x4000, $0x38;
	[tilespmem:$0x1D000] =	vst v63  }
0x28: {  	_ =	swait.ge [sflag:s16], $0x4000  }
0x29: {  	[sflag:s16] =	ssyncset.done $0x0  }
0x2a: {  	[sflag:s16] =	ssyncadd.s32 $0xFFFFC000  }
0x2b: {  	[spmem:s12] =	stream.linear.scatter [tilespmem:s17], [sflag:$0x5], $0x4000, $0x38;
	[tilespmem:$0x1D000] =	vst v63  }
0x2c: {  	_ =	swait.ge [sflag:s16], $0x4000  }
0x2d: {  	[sflag:s16] =	ssyncset.done $0x0  }
0x2e: {  	[sflag:s16] =	ssyncadd.s32 $0xFFFFC000  }
0x2f: {  	[spmem:s13] =	stream.linear.scatter [tilespmem:s17], [sflag:$0x5], $0x4000, $0x38;
	[tilespmem:$0x1D000] =	vst v63  }
0x30: {  	_ =	swait.ge [sflag:s16], $0x4000  }
0x31: {  	[sflag:s16] =	ssyncset.done $0x0  }
0x32: {  	[sflag:s16] =	ssyncadd.s32 $0xFFFFC000  }
0x33: {  	[spmem:s14] =	stream.linear.scatter [tilespmem:s17], [sflag:$0x5], $0x4000, $0x38;
	[tilespmem:$0x1D000] =	vst v63  }
0x34: {  	_ =	swait.ge [sflag:s16], $0x4000  }
0x35: {  	[sflag:s16] =	ssyncset.done $0x0  }
0x36: {  	[sflag:s16] =	ssyncadd.s32 $0xFFFFC000  }
0x37: {  	[spmem:s7] =	stream.linear.scatter [tilespmem:s17], [sflag:$0x5], $0x3C00, $0x38;
	[tilespmem:$0x1D000] =	vst v63  }
0x38: {  	_ =	swait.ge [sflag:s16], $0x3C00  }
0x39: {  	[sflag:s16] =	ssyncset.done $0x0  }
0x3a: {  	[sflag:s16] =	ssyncadd.s32 $0xFFFFC400  }
0x3b: {  	[bflag:$0x0] =	sbarrier.arrive $0xFFFF  }
0x3c: {  	[tilespmem:s17], [sflag:$0x1] =	stream.linear.gather [hbm4b:s8+s4], $0x4000, $0x38;
	[tilespmem:$0x1D000] =	vst v63  }
0x3d: {  	_ =	swait.ge [sflag:s18], $0x4000  }
0x3e: {  	[sflag:s18] =	ssyncset.done $0x0  }
0x3f: {  	[sflag:s18] =	ssyncadd.s32 $0xFFFFC000  }
0x40: {  	[tilespmem:s19], [sflag:$0x2] =	stream.linear.gather [hbm4b:s9+s4], $0x4000, $0x38;
	[tilespmem:$0x1D000] =	vst v63  }
0x41: {  	_ = 	snop  }
0x42: {  	[spmem:s3] =	stream.indirect.scatter.add.f32 [tilespmem:s17], [sflag:$0x3], $0x80, s4, s20, $0xb8;
	[tilespmem:$0x1D000] =	vst v63  }
0x43: {  	_ =	swait.ge [sflag:s21], $0x4000  }
0x44: {  	s26 =	sadd.s32 $0xFFFFFFFF, s15;
	[sflag:s21] =	ssyncset.done $0x0  }
0x45: {  	p0 =	slt.s32 s26, $0x4E1;
	[sflag:s21] =	ssyncadd.s32 $0xFFFFC000  }
0x46: {  	s26 =	simm.s32 @!p0 $0x4E1;
	_ =	swait.ge [sflag:s22], $0x4000  }
0x47: {  	s26 =	sshll.u32 s26, $0xB;
	[sflag:s22] =	ssyncset.done $0x0  }
0x48: {  	s26 =	sadd.s32 s1, s26;
	[sflag:s22] =	ssyncadd.s32 $0xFFFFC000  }
0x49: {  	[tilespmem:s17], [sflag:$0x1] =	stream.linear.gather [hbm4b:s26+s4], $0x4000, $0x38;
	[tilespmem:$0x1D000] =	vst v63  }
0x4a: {  	s31 =	simm.s32 $0x80  }
0x4b: {  	[spmem:s3] =	stream.indirect.scatter.add.f32 [tilespmem:s19], [sflag:$0x4], $0x80, s31, s20, $0xb8;
	[tilespmem:$0x1D000] =	vst v63  }
0x4c: {  	_ =	swait.ge [sflag:s18], $0x4000  }
0x4d: {  	[sflag:s18] =	ssyncset.done $0x0  }
0x4e: {  	p0 =	slt.s32 s15, $0x4E1;
	s26 =	smov.u32 s15;
	[sflag:s18] =	ssyncadd.s32 $0xFFFFC000  }
0x4f: {  	s26 =	simm.s32 @!p0 $0x4E1;
	_ =	swait.ge [sflag:s23], $0x4000  }
0x50: {  	s26 =	sshll.u32 s26, $0xB;
	[sflag:s23] =	ssyncset.done $0x0  }
0x51: {  	s26 =	sadd.s32 s1, s26;
	[sflag:s23] =	ssyncadd.s32 $0xFFFFC000  }
0x52: {  	[tilespmem:s19], [sflag:$0x2] =	stream.linear.gather [hbm4b:s26+s4], $0x4000, $0x38;
	[tilespmem:$0x1D000] =	vst v63  }
0x53: {  	s29 =	simm.s32 $0x100;
	s28 =	sadd.s32 $0x2, s15;
	s26 =	simm.s32 $0xFFFFB800  }
.LBB2_4:
0x54: {  	[spmem:s3] =	stream.indirect.scatter.add.f32 [tilespmem:s17], [sflag:$0x3], $0x80, s29, s20, $0xb8;
	[tilespmem:$0x1D000] =	vst v63  }
0x55: {  	s29 =	smov.u32 s26  }
0x56: {  	p0 =	sne.s32 s26, $0xFFFFFC00;
	s26 =	sadd.s32 $0x400, s26;
	_ =	swait.ge [sflag:s21], $0x4000  }
0x57: {  	s30 =	sadd.s32 $0xFFFFFFFF, s28;
	[sflag:s21] =	ssyncset.done $0x0  }
0x58: {  	p1 =	slt.s32 s30, $0x4E1;
	[sflag:s21] =	ssyncadd.s32 $0xFFFFC000  }
0x59: {  	s30 =	simm.s32 @!p1 $0x4E1;
	_ =	swait.ge [sflag:s22], $0x4000  }
0x5a: {  	s30 =	sshll.u32 s30, $0xB;
	[sflag:s22] =	ssyncset.done $0x0  }
0x5b: {  	s29 =	sshra.s32 s29, $0x2;
	s30 =	sadd.s32 s1, s30;
	[sflag:s22] =	ssyncadd.s32 $0xFFFFC000  }
0x5c: {  	[tilespmem:s17], [sflag:$0x1] =	stream.linear.gather [hbm4b:s30+s4], $0x4000, $0x38;
	[tilespmem:$0x1D000] =	vst v63  }
0x5d: {  	s30 =	sadd.s32 $0x1380, s29  }
0x5e: {  	[spmem:s3] =	stream.indirect.scatter.add.f32 [tilespmem:s19], [sflag:$0x4], $0x80, s30, s20, $0xb8;
	[tilespmem:$0x1D000] =	vst v63  }
0x5f: {  	_ =	swait.ge [sflag:s18], $0x4000  }
0x60: {  	[sflag:s18] =	ssyncset.done $0x0  }
0x61: {  	p1 =	slt.s32 s28, $0x4E1;
	s30 =	smov.u32 s28;
	[sflag:s18] =	ssyncadd.s32 $0xFFFFC000  }
.Ltmp1:
0x62: {  	s30 =	simm.s32 @!p1 $0x4E1;
	_ =	swait.ge [sflag:s23], $0x4000;
	(pc) =	sbr.rel @p0 .LBB2_4-.Ltmp1, $4  }
0x63: {  	s30 =	sshll.u32 s30, $0xB;
	[sflag:s23] =	ssyncset.done $0x0  }
0x64: {  	s30 =	sadd.s32 s1, s30;
	[sflag:s23] =	ssyncadd.s32 $0xFFFFC000  }
0x65: {  	[tilespmem:s19], [sflag:$0x2] =	stream.linear.gather [hbm4b:s30+s4], $0x4000, $0x38;
	[tilespmem:$0x1D000] =	vst v63  }
0x66: {  	s29 =	sadd.s32 $0x1400, s29;
	s28 =	sadd.s32 $0x2, s28  }
0x67: {  	[spmem:s3] =	stream.indirect.scatter.add.f32 [tilespmem:s17], [sflag:$0x3], $0x80, s29, s20, $0xb8;
	[tilespmem:$0x1D000] =	vst v63  }
0x68: {  	_ =	swait.ge [sflag:s21], $0x4000  }
0x69: {  	[sflag:s21] =	ssyncset.done $0x0  }
0x6a: {  	[sflag:s21] =	ssyncadd.s32 $0xFFFFC000  }
0x6b: {  	_ =	swait.ge [sflag:s22], $0x4000  }
0x6c: {  	[sflag:s22] =	ssyncset.done $0x0  }
0x6d: {  	[sflag:s22] =	ssyncadd.s32 $0xFFFFC000  }
0x6e: {  	[spmem:s3] =	stream.indirect.scatter.add.f32 [tilespmem:s19], [sflag:$0x4], $0x80, s24, s20, $0xb8;
	[tilespmem:$0x1D000] =	vst v63  }
0x6f: {  	_ =	swait.ge [sflag:s23], $0x4000  }
0x70: {  	s26 =	sshll.u32 s2, $0x6;
	s25 =	sadd.s32 $0x1, s25;
	[sflag:s23] =	ssyncset.done $0x0  }
0x71: {  	s28 =	sshrl.u32 s6, $0x3;
	p0 =	sne.s32 s25, s11;
	[sflag:s23] =	ssyncadd.s32 $0xFFFFC000  }
.Ltmp2:
0x72: {  	s26 =	sor.u32 $0x1C05, s26;
	[bflag:$0x0] =	sbarrier.arrive $0xFFFF;
	(pc) =	sbr.rel @p0 .LBB2_1-.Ltmp2, $4  }
0x73: {  	[hbm:s10], [sflag:s26] =	dma.local [spmem:s28], $0x2780  }
0x74: {  	_ =	swait.ge [sflag:s16], $0x2780  }
0x75: {  	[sflag:s16] =	ssyncset.done $0x0  }
0x76: {  	[sflag:s16] =	ssyncadd.s32 $0xFFFFD880  }
0x77: {  	_ =	sfence.sel $0x180000  }
0x78: {  	[bflag:$0x0] =	sbarrier.arrive $0xFFFF  }
0x79: {  	p0 =	sne.s32 s2, $0x0;
	_ =	strace $0x9000004A  }
0x7a: {  	s0 =	sadd.s32 @!p0 $0x100000, s0;
	[bflag:$0x2] =	sbarrier.arrive $0xFFFF  }
0x7b: {  	[sflag:s0] =	ssyncadd.tile.s32 @!p0 $0x1;
	_ =	shalt  }
.Lfunc_end2:
_tile_overlayer_lowered:
.L_overlay_start_2:
0x7c: {  	(tag) =	ssettag $0x2  }
0x7d: {  	s0 =	rddreg [dreg:$0x0];
	s2 =	stileid.u32  }
0x7e: {  	s1 =	rddreg [dreg:$0x1];
	p0 =	sne.s32 s2, $0x0  }
0x7f: {  	s3 =	rddreg [dreg:$0x2];
	[bflag:$0x3] =	sbarrier.arrive $0xFFFF;
	s2 =	simm.s32 @!p0 $0x1C05  }
0x80: {  	[timem:s3], [sflag:s2] =	dma.local @!p0 [hbm:s0], s1  }
0x81: {  	s0 =	simm.s32 @!p0 $0x5  }
0x82: {  	_ =	swait.ge @!p0 [sflag:s0], s1  }
0x83: {  	s1 =	ssub.s32 @!p0 $0x0, s1;
	[sflag:s0] =	ssyncset.done @!p0 $0x0  }
0x84: {  	[sflag:s0] =	ssyncadd.s32 @!p0 s1  }
0x85: {  	[bflag:$0x3] =	sbarrier.arrive $0xFFFF  }
0x86: {  	_ =	shalt  }

// kernel: kernel.8.cloned.1.call-start
scs
__scs_entry_jumppad:
0x0: {  	(pc) =	sbr.rel $0x88, $3  }
0x1: {  	(tag) =	ssettag $0x0;
	lr =	simm.s32 $0x1  }
0x2: {  	[smem:$0x3F90] =	sst lr;
	_ =	strace $0xD0000000  }
0x3: {  	_ = 	snop  }
0x4: {  	_ = 	snop  }
0x5: {  	_ = 	snop  }
0x6: {  	_ = 	snop  }
0x7: {  	_ = 	snop  }
__scs_overlays_trampoline_lowered:
0x8: {  	[smem:$0x3F9F] =	sst s0  }
0x9: {  	[smem:$0x3FA0] =	sst s1  }
0xa: {  	[smem:$0x3FA1] =	sst s2  }
0xb: {  	[smem:$0x3FA2] =	sst s3  }
0xc: {  	[smem:$0x3FA3] =	sst s4  }
0xd: {  	[smem:$0x3FA4] =	sst s5  }
0xe: {  	[smem:$0x3FA5] =	sst s6  }
0xf: {  	[smem:$0x3FA6] =	sst s7  }
0x10: {  	[smem:$0x3FA7] =	sst s8  }
0x11: {  	[smem:$0x3FA8] =	sst s9;
	s0 =	simm.s32 @!p0 $0x0  }
0x12: {  	s1 =	sld [smem:$0x3F8E];
	s0 =	simm.s32 @p0 $0x1  }
0x13: {  	[smem:$0x3FA9] =	sst s0;
	s0 =	simm.s32 @!p1 $0x0  }
0x14: {  	s2 =	sld [smem:$0x3F8D];
	s0 =	simm.s32 @p1 $0x1  }
0x15: {  	[smem:$0x3FAA] =	sst s0;
	s0 =	simm.s32 @!p2 $0x0  }
0x16: {  	s3 =	sld [smem:$0x3FDB];
	s0 =	simm.s32 @p2 $0x1  }
0x17: {  	s4 =	simm.s32 $0x1BF5;
	[smem:$0x3FAC] =	sst s0  }
0x18: {  	s0 =	sld [smem:$0x3F8F];
	_ =	swait.ge [sflag:s4], $0x0  }
0x19: {  	s7 =	sld [smem:$0x3F90]  }
0x1a: {  	s8 =	sadd.s32 $0xFFFFE003, lr  }
0x1b: {  	s9 =	sadd.s32 $0xFFFFFEF7, lr;
	s5 =	simm.s32 $0xFFFFFFFF;
	p2 =	slt.u32 s8, $0xFFFFF086  }
0x1c: {  	p1 =	slt.u32 s9, $0xF7A;
	s5 =	simm.s32 @!p2 $0x0  }
0x1d: {  	s5 =	simm.s32 @p1 $0x1;
	p0 =	seq.s32 s7, s2  }
0x1e: {  	s7 =	smul.u32 @!p0 $0xF7A, s2;
	p2 =	seq.s32 @!p0 s5, $0x0  }
0x1f: {  	s9 =	smul.u32 $0xF7A, s1;
	s8 =	simm.s32 @!p0 $0x1BF5;
	p2 =	por !p2, p0  }
0x20: {  	[sflag:s8] =	ssyncset.s32 @!p0 $0xFFFFF086;
	s6 =	sadd.s32 @!p0 s3, s7;
	s7 =	simm.s32 @!p0 $0x108  }
0x21: {  	s3 =	sadd.s32 s3, s9;
	s6 =	sadd.s32 @!p0 $0x88, s6;
	s7 =	simm.s32 @p2 $0x1082  }
0x22: {  	[simem:s7], [sflag:s8] =	dma.local @!p0 [hbm:s6], $0xF7A  }
0x23: {  	s9 =	sor.u32 $0xD0000000, s2;
	s6 =	simm.s32 $0x108;
	_ =	swait.ge @!p0 [sflag:s8], $0x0  }
0x24: {  	s3 =	sadd.s32 $0x88, s3;
	s6 =	simm.s32 @!p1 $0x1082;
	[sflag:s4] =	ssyncset.s32 $0xFFFFF086  }
0x25: {  	[simem:s6], [sflag:s4] =	dma.local [hbm:s3], $0xF7A  }
0x26: {  	[smem:$0x3F90] =	sst s1;
	(tag) =	ssettag s2;
	_ =	strace s9  }
0x27: {  	s1 =	sld [smem:$0x3FA0]  }
0x28: {  	s2 =	sld [smem:$0x3FA1]  }
0x29: {  	s4 =	sld [smem:$0x3FA3]  }
0x2a: {  	p0 =	seq.s32 s5, $0x0;
	s5 =	sld [smem:$0x3FA4]  }
0x2b: {  	s6 =	sld [smem:$0x3FA5]  }
0x2c: {  	s7 =	sld [smem:$0x3FA6]  }
0x2d: {  	s3 =	simm.s32 $0x108;
	s8 =	sld [smem:$0x3FA7]  }
0x2e: {  	s3 =	simm.s32 @!p0 $0x1082;
	s9 =	sld [smem:$0x3FA8]  }
0x2f: {  	lr =	sadd.s32 s0, s3;
	s0 =	sld [smem:$0x3F9F]  }
0x30: {  	s3 =	sld [smem:$0x3FA2]  }
0x31: {  	[smem:$0x3FAB] =	sst s10  }
0x32: {  	s10 =	sld [smem:$0x3FA9];
	_ =	sdelay $0x3  }
0x33: {  	p0 =	seq.s32 s10, $0x1;
	s10 =	sld [smem:$0x3FAB];
	_ =	sdelay $0x3  }
0x34: {  	[smem:$0x3FAB] =	sst s10  }
0x35: {  	s10 =	sld [smem:$0x3FAA];
	_ =	sdelay $0x3  }
0x36: {  	p1 =	seq.s32 s10, $0x1;
	s10 =	sld [smem:$0x3FAB];
	_ =	sdelay $0x3  }
0x37: {  	[smem:$0x3FAB] =	sst s10  }
0x38: {  	s10 =	sld [smem:$0x3FAC]  }
0x39: {  	_ = 	snop;
	(pc) =	sbr.ind lr, $3  }
0x3a: {  	_ = 	snop  }
0x3b: {  	_ = 	snop  }
0x3c: {  	p2 =	seq.s32 s10, $0x1;
	s10 =	sld [smem:$0x3FAB]  }
0x3d: {  	_ =	shalt  }
0x3e: {  	_ =	shalt  }
0x3f: {  	_ =	shalt  }
0x40: {  	_ =	shalt  }
0x41: {  	_ =	shalt  }
0x42: {  	_ =	shalt  }
0x43: {  	_ =	shalt  }
0x44: {  	_ =	shalt  }
0x45: {  	_ =	shalt  }
0x46: {  	_ =	shalt  }
0x47: {  	_ =	shalt  }
0x48: {  	_ =	shalt  }
0x49: {  	_ =	shalt  }
0x4a: {  	_ =	shalt  }
0x4b: {  	_ =	shalt  }
0x4c: {  	_ =	shalt  }
0x4d: {  	_ =	shalt  }
0x4e: {  	_ =	shalt  }
0x4f: {  	_ =	shalt  }
0x50: {  	_ =	shalt  }
0x51: {  	_ =	shalt  }
0x52: {  	_ =	shalt  }
0x53: {  	_ =	shalt  }
0x54: {  	_ =	shalt  }
0x55: {  	_ =	shalt  }
0x56: {  	_ =	shalt  }
0x57: {  	_ =	shalt  }
0x58: {  	_ =	shalt  }
0x59: {  	_ =	shalt  }
0x5a: {  	_ =	shalt  }
0x5b: {  	_ =	shalt  }
0x5c: {  	_ =	shalt  }
0x5d: {  	_ =	shalt  }
0x5e: {  	_ =	shalt  }
0x5f: {  	_ =	shalt  }
0x60: {  	_ =	shalt  }
0x61: {  	_ =	shalt  }
0x62: {  	_ =	shalt  }
0x63: {  	_ =	shalt  }
0x64: {  	_ =	shalt  }
0x65: {  	_ =	shalt  }
0x66: {  	_ =	shalt  }
0x67: {  	_ =	shalt  }
0x68: {  	_ =	shalt  }
0x69: {  	_ =	shalt  }
0x6a: {  	_ =	shalt  }
0x6b: {  	_ =	shalt  }
0x6c: {  	_ =	shalt  }
0x6d: {  	_ =	shalt  }
0x6e: {  	_ =	shalt  }
0x6f: {  	_ =	shalt  }
0x70: {  	_ =	shalt  }
0x71: {  	_ =	shalt  }
0x72: {  	_ =	shalt  }
0x73: {  	_ =	shalt  }
0x74: {  	_ =	shalt  }
0x75: {  	_ =	shalt  }
0x76: {  	_ =	shalt  }
0x77: {  	_ =	shalt  }
0x78: {  	_ =	shalt  }
0x79: {  	_ =	shalt  }
0x7a: {  	_ =	shalt  }
0x7b: {  	_ =	shalt  }
0x7c: {  	_ =	shalt  }
0x7d: {  	_ =	shalt  }
0x7e: {  	_ =	shalt  }
0x7f: {  	_ =	shalt  }
0x80: {  	_ =	shalt  }
0x81: {  	_ =	shalt  }
0x82: {  	_ =	shalt  }
0x83: {  	_ =	shalt  }
0x84: {  	_ =	shalt  }
0x85: {  	_ =	shalt  }
0x86: {  	_ =	shalt  }
0x87: {  	_ =	shalt  }
.Lfunc_end0:
.L_simem_size_0:
called_computation_lowered:
.L_overlay_start_0:
0x88: {  	s2 =	sld [smem:$0x3FD9]  }
0x89: {  	s3 =	sld [smem:$0x3FFE];
	_ =	sdelay $0x1  }
0x8a: {  	s1 =	srdreg.scid  }
0x8b: {  	s0 =	sand.u32 $0x1, s1  }
0x8c: {  	s14 =	sshll.u32 s0, $0xA;
	s2 =	sadd.s32 s3, s2  }
0x8d: {  	s2 =	sadd.s32 s2, s14  }
0x8e: {  	[smem:$0x3FB7] =	sst s2  }
0x8f: {  	_ = 	snop  }
0x90: {  	s2 =	sld [smem:$0x3FD0];
	_ =	sdelay $0x2  }
0x91: {  	s15 =	simm.s32 $0xA;
	s4 =	simm.s32 $0x10  }
0x92: {  	[smem:s4], [sflag:s15] =	dma.local [hbm:s2], $0x1  }
0x93: {  	_ =	swait.eq [sflag:s15], $0x1  }
0x94: {  	[sflag:s15] =	ssyncset.done $0x0  }
0x95: {  	[sflag:s15] =	ssyncadd.s32 $0xFFFFFFFF  }
0x96: {  	s16 =	sld [smem:$0x11];
	(tm) =	ssettm $0x1  }
0x97: {  	s17 =	sld [smem:$0x3FFB];
	_ =	sdelay $0x3  }
0x98: {  	_ =	strace s17  }
0x99: {  	s3 =	sld [smem:$0x3FFC];
	_ =	sdelay $0x3  }
0x9a: {  	_ =	strace s3  }
0x9b: {  	s3 =	sld [smem:$0x3FFD];
	_ =	sdelay $0x3  }
0x9c: {  	_ =	strace s3  }
0x9d: {  	_ =	strace $0x8FFFFFFF  }
0x9e: {  	s18 =	sld [smem:$0x3FDB];
	_ =	sdelay $0x1  }
0x9f: {  	s19 =	simm.s32 $_scs_section_size  }
0xa0: {  	s5 =	simm.s32 $_size__tile_overlayer_lowered;
	s6 =	simm.s32 $_tile_overlayer_lowered  }
0xa1: {  	s22 =	simm.s32 $0x1BFF;
	s21 =	sshll.u32 s6, $0x1;
	s3 =	sadd.s32 s19, s18  }
0xa2: {  	s7 =	simm.s32 $0x0;
	s20 =	sshll.u32 s5, $0x1;
	s5 =	sadd.s32 s21, s3  }
0xa3: {  	[timem:s7], [sflag:s22] =	dma.local [hbm:s5], s20  }
0xa4: {  	_ =	swait.ge [sflag:s22], s20  }
0xa5: {  	s4 =	ssub.s32 $0x0, s20;
	[sflag:s22] =	ssyncset.done $0x0  }
0xa6: {  	[sflag:s22] =	ssyncadd.s32 s4;
	_ =	sdelay $0x1  }
0xa7: {  	s23 =	simm.s32 $0x1B8B  }
0xa8: {  	_ =	swait.ge [sflag:s23], $0x1  }
0xa9: {  	[sflag:s23] =	ssyncset.done $0x0  }
0xaa: {  	s25 =	simm.s32 $0x1B8E;
	s24 =	sld [smem:$0x3FFE];
	[sflag:s23] =	ssyncadd.s32 $0xFFFFFFFF  }
0xab: {  	s26 =	simm.s32 $execute0_lowered;
	[smem:$0x3FD2] =	sst s25  }
0xac: {  	s5 =	sshll.u32 s26, $0x1;
	_ =	strace $0x80000046;
	[dreg:$0x1] =	wrdreg $0xFFFFFFFF  }
0xad: {  	s28 =	simm.s32 $_size_execute0_lowered;
	s3 =	sadd.s32 s3, s5;
	[dreg:$0x0] =	wrdreg $0x0  }
0xae: {  	s5 =	sshll.u32 s28, $0x1;
	[dreg:$0x2] =	wrdreg s3  }
0xaf: {  	[dreg:$0x3] =	wrdreg s5  }
0xb0: {  	[dreg:$0x4] =	wrdreg $0xC0  }
0xb1: {  	_ =	task [dreg:s7], $0x5FFFF  }
0xb2: {  	[dreg:$0x1] =	wrdreg $0xFFFFFFFF  }
0xb3: {  	[dreg:$0x0] =	wrdreg $0x60  }
0xb4: {  	[dreg:$0x2] =	wrdreg s24  }
0xb5: {  	[dreg:$0x3] =	wrdreg s16  }
0xb6: {  	[dreg:$0x4] =	wrdreg $0x9  }
0xb7: {  	_ =	task.clear_ibuf [dreg:s7], $0x5FFFF;
	_ =	strace $0x90000046  }
0xb8: {  	s29 =	simm.s32 $0x9;
	_ =	strace $0x80000048  }
0xb9: {  	_ =	swait.ge [sflag:s29], $0x1  }
0xba: {  	[sflag:s29] =	ssyncadd.s32 $0xFFFFFFFF  }
0xbb: {  	_ =	strace $0x90000048  }
0xbc: {  	_ =	sfence  }
0xbd: {  	s30 =	sld [smem:$0x0];
	_ =	sdelay $0x2  }
0xbe: {  	s31 =	sshll.u32 s1, $0xD;
	s1 =	sshrl.u32 s1, $0x2  }
0xbf: {  	s3 =	sand.u32 $0x4000, s31;
	s1 =	sadd.s32 s1, s30  }
0xc0: {  	s0 =	sor.u32 s3, s0;
	s1 =	sshll.u32 s1, $0x11  }
0xc1: {  	s0 =	sor.u32 s1, s0  }
0xc2: {  	s0 =	sadd.s32 $0x8F2B, s0  }
0xc3: {  	[sflag:s0] =	ssyncadd.remote.s32 $0x1  }
0xc4: {  	_ =	sfence.sel $0xFFFF  }
0xc5: {  	[dreg:$0x0] =	wrdreg $0xFFFFFFFF;
	(pc) =	sbr.abs _section_cstart, $3  }
0xc6: {  	[dreg:$0x1] =	wrdreg $0xFFFFFFFF  }
0xc7: {  	_ =	task.clear_ibuf [dreg:s7], $0x2FFFF;
	_ =	strace $0x9FFFFFFF  }
0xc8: {  	(tm) =	ssettm $0x7FFFFFFF  }
0xc9: {  	_ =	shalt  }
tec
execute0_lowered:
.L_overlay_start_1:
0x0: {  	(tag) =	ssettag $0x1  }
0x1: {  	s0 =	rddreg [dreg:$0x0]  }
0x2: {  	s2 =	rddreg [dreg:$0x1]  }
0x3: {  	s3 =	simm.s32 $0x0;
	s4 =	stileid.u32;
	s1 =	srdreg.scid  }
0x4: {  	s17 =	simm.s32 $0x7;
	s18 =	simm.s32 $0x80;
	s19 =	simm.s32 $0x3D00  }
0x5: {  	s20 =	simm.s32 $0x9D00;
	s29 =	simm.s32 $0x7D00;
	s31 =	simm.s32 $0xDD00  }
0x6: {  	s28 =	simm.s32 $0x0;
	[smem:$0x7FF] =	sst s3;
	s5 =	smul.u32 $0x13, s4  }
0x7: {  	s1 =	sand.u32 $0x1, s1;
	s7 =	smul.u32 $0x3D, s4;
	s4 =	sadd.s32 $0x18400, s0  }
0x8: {  	s6 =	sadd.s32 $0x4A00, s0;
	p0 =	seq.s32 s1, $0x0;
	s1 =	ssub.s32 $0x2, s1  }
0x9: {  	_ =	strace $0x80000047;
	s5 =	sadd.s32 $0x3D0, s5;
	s21 =	sshrl.u32 s1, $0x1  }
0xa: {  	s5 =	smov.u32 @p0 s7;
	s7 =	simm.s32 $0x3D;
	s1 =	ssub.s32 s1, s21  }
0xb: {  	s21 =	simm.s32 $0x1;
	s8 =	sshll.u32 s5, $0x5;
	s7 =	simm.s32 @!p0 $0x13  }
0xc: {  	s22 =	sshll.u32 s5, $0xA;
	s11 =	sadd.s32 $0x2, s5;
	s16 =	smax.u32 s1, $0x1  }
0xd: {  	s1 =	simm.s32 $0x4;
	s0 =	sadd.s32 s8, s0;
	s9 =	smul.u32 $0x56, s7  }
0xe: {  	s8 =	sadd.s32 s2, s22;
	s24 =	sadd.s32 s5, s7;
	s7 =	sadd.s32 $0xFFFFFFFF, s7  }
0xf: {  	s22 =	simm.s32 $0x5;
	s0 =	sadd.s32 $0x2BE00, s0;
	s10 =	sadd.s32 $0x400, s8  }
0x10: {  	s25 =	sshll.u32 s24, $0xA;
	s12 =	sshll.u32 s7, $0x8;
	s7 =	sadd.s32 s7, s5  }
0x11: {  	s24 =	simm.s32 $0x6;
	[dreg:$0x3] =	wrdreg s0;
	s23 =	sadd.s32 $0xFFFFFEA8, s9  }
0x12: {  	[dreg:$0x4] =	wrdreg s10;
	s0 =	sadd.s32 $0x1FFFF800, s25;
	s26 =	sor.u32 $0x80, s12  }
0x13: {  	s30 =	sshll.u32 s7, $0xA;
	s25 =	simm.s32 $0xBD00;
	s0 =	sand.u32 $0x3FFC00, s0  }
0x14: {  	s10 =	sshrl.u32 s23, $0x8;
	[dreg:$0x5] =	wrdreg s26;
	s0 =	sadd.s32 s2, s0  }
0x15: {  	s23 =	simm.s32 $0x5D00;
	[dreg:$0x6] =	wrdreg s0;
	s0 =	sadd.s32 s2, s30  }
0x16: {  	s26 =	simm.s32 $0x2;
	[dreg:$0x7] =	wrdreg s0;
	s0 =	simm.s32 $0x3  }
.LBB2_1:
0x17: {  	s7 =	rddreg [dreg:$0x3]  }
0x18: {  	[tilespmem:s3], [sflag:$0x7] =	stream.linear.gather [hbm4b:s7+s3], $0x3D00, $0x38;
	[tilespmem:$0xFD00] =	vst v63  }
0x19: {  	_ =	swait.ge [sflag:s17], $0x3D00  }
0x1a: {  	[sflag:s17] =	ssyncset.done $0x0  }
0x1b: {  	[sflag:s17] =	ssyncadd.s32 $0xFFFFC300  }
0x1c: {  	[tilespmem:s19], [sflag:$0x1] =	stream.indirect.gather [hbm4b:s4+s18], $0x40, s3, s18, $0xb8;
	[tilespmem:$0xFD00] =	vst v63  }
0x1d: {  	_ = 	snop  }
0x1e: {  	[tilespmem:s20], [sflag:$0x1] =	stream.indirect.gather [hbm4b:s6+s18], $0x40, s18, s18, $0xb8;
	[tilespmem:$0xFD00] =	vst v63  }
0x1f: {  	_ =	swait.ge [sflag:s21], $0x2000  }
0x20: {  	[sflag:s21] =	ssyncset.done $0x0  }
0x21: {  	[sflag:s21] =	ssyncadd.s32 $0xFFFFE000  }
0x22: {  	_ =	swait.ge [sflag:s21], $0x2000  }
0x23: {  	[sflag:s21] =	ssyncset.done $0x0  }
0x24: {  	s15 =	simm.s32 $0x100;
	[sflag:s21] =	ssyncadd.s32 $0xFFFFE000  }
0x25: {  	[tilespmem:s23], [sflag:$0x2] =	stream.indirect.gather [hbm4b:s4+s18], $0x40, s15, s18, $0xb8;
	[tilespmem:$0xFD00] =	vst v63  }
0x26: {  	s30 =	simm.s32 $0x180;
	s7 =	simm.s32 $0x0  }
0x27: {  	[tilespmem:s25], [sflag:$0x2] =	stream.indirect.gather [hbm4b:s6+s18], $0x40, s30, s18, $0xb8;
	[tilespmem:$0xFD00] =	vst v63  }
0x28: {  	v5 =	vld [tilespmem:s7+$0x9D00]  }
0x29: {  	v6 =	vld [tilespmem:s7+$0x9D10]  }
0x2a: {  	v1 =	vld [tilespmem:s7+$0x9D20]  }
0x2b: {  	v0 =	vld [tilespmem:s7+$0x9D30]  }
0x2c: {  	v2 =	vld [tilespmem:s7+$0x3D00]  }
0x2d: {  	v4 =	vld [tilespmem:s7+$0x3D10]  }
0x2e: {  	s9 =	simm.s32 $0x100;
	v3 =	vld [tilespmem:s7+$0x3D20]  }
.LBB2_2:
0x2f: {  	s13 =	sshra.s32 s9, $0x2;
	p0 =	sne.s32 s9, $0x7F00;
	v7 =	vld [tilespmem:s7+$0x3D30];
	v8 =	vmov v1  }
0x30: {  	v9 =	vld [tilespmem:s13+$0x9D00];
	v10 =	vmov v0  }
0x31: {  	v11 =	vld [tilespmem:s13+$0x9D10];
	v2 =	vadd.bf16 v5, v2  }
.Ltmp0:
0x32: {  	v1 =	vld [tilespmem:s13+$0x9D20];
	v4 =	vadd.bf16 v6, v4;
	(pc) =	sbr.rel @p0 .LBB2_2-.Ltmp0, $4  }
0x33: {  	v0 =	vld [tilespmem:s13+$0x9D30];
	[tilespmem:s7+$0x3D00] =	vst v2;
	v3 =	vadd.bf16 v8, v3  }
0x34: {  	v2 =	vld [tilespmem:s13+$0x3D00];
	[tilespmem:s7+$0x3D10] =	vst v4;
	v7 =	vadd.bf16 v10, v7  }
0x35: {  	v4 =	vld [tilespmem:s13+$0x3D10];
	[tilespmem:s7+$0x3D20] =	vst v3;
	v5 =	vmov v9  }
0x36: {  	s9 =	sadd.s32 $0x100, s9;
	v3 =	vld [tilespmem:s13+$0x3D20];
	[tilespmem:s7+$0x3D30] =	vst v7;
	v6 =	vmov v11;
	s7 =	smov.u32 s13  }
0x37: {  	v7 =	vld [tilespmem:s7+$0x3D30];
	_ =	sdelay $0x1  }
0x38: {  	v2 =	vadd.bf16 v5, v2  }
0x39: {  	v4 =	vadd.bf16 v6, v4  }
0x3a: {  	[tilespmem:s7+$0x3D00] =	vst v2;
	v1 =	vadd.bf16 v1, v3  }
0x3b: {  	[tilespmem:s7+$0x3D10] =	vst v4;
	v0 =	vadd.bf16 v0, v7  }
0x3c: {  	[tilespmem:s7+$0x3D20] =	vst v1  }
0x3d: {  	s14 =	simm.s32 $0x0;
	[tilespmem:s7+$0x3D30] =	vst v0  }
0x3e: {  	[hbm4b:s8+s14] =	stream.linear.scatter [tilespmem:s19], [sflag:$0x4], $0x2000, $0x38;
	[tilespmem:$0xFD00] =	vst v63  }
0x3f: {  	_ =	swait.ge [sflag:s26], $0x2000  }
0x40: {  	[sflag:s26] =	ssyncset.done $0x0  }
0x41: {  	[sflag:s26] =	ssyncadd.s32 $0xFFFFE000  }
0x42: {  	_ =	swait.ge [sflag:s26], $0x2000  }
0x43: {  	[sflag:s26] =	ssyncset.done $0x0  }
0x44: {  	s15 =	simm.s32 $0x200;
	[sflag:s26] =	ssyncadd.s32 $0xFFFFE000  }
0x45: {  	[tilespmem:s29], [sflag:$0x3] =	stream.indirect.gather [hbm4b:s4+s18], $0x40, s15, s18, $0xb8;
	[tilespmem:$0xFD00] =	vst v63  }
0x46: {  	s30 =	simm.s32 $0x280;
	s7 =	simm.s32 $0x0  }
0x47: {  	[tilespmem:s31], [sflag:$0x3] =	stream.indirect.gather [hbm4b:s6+s18], $0x40, s30, s18, $0xb8;
	[tilespmem:$0xFD00] =	vst v63  }
0x48: {  	v5 =	vld [tilespmem:s7+$0xBD00]  }
0x49: {  	v6 =	vld [tilespmem:s7+$0xBD10]  }
0x4a: {  	v1 =	vld [tilespmem:s7+$0xBD20]  }
0x4b: {  	v0 =	vld [tilespmem:s7+$0xBD30]  }
0x4c: {  	v2 =	vld [tilespmem:s7+$0x5D00]  }
0x4d: {  	v4 =	vld [tilespmem:s7+$0x5D10]  }
0x4e: {  	s9 =	simm.s32 $0x100;
	v3 =	vld [tilespmem:s7+$0x5D20]  }
.LBB2_4:
0x4f: {  	s13 =	sshra.s32 s9, $0x2;
	p0 =	sne.s32 s9, $0x7F00;
	v7 =	vld [tilespmem:s7+$0x5D30];
	v8 =	vmov v1  }
0x50: {  	v9 =	vld [tilespmem:s13+$0xBD00];
	v10 =	vmov v0  }
0x51: {  	v11 =	vld [tilespmem:s13+$0xBD10];
	v2 =	vadd.bf16 v5, v2  }
.Ltmp1:
0x52: {  	v1 =	vld [tilespmem:s13+$0xBD20];
	v4 =	vadd.bf16 v6, v4;
	(pc) =	sbr.rel @p0 .LBB2_4-.Ltmp1, $4  }
0x53: {  	v0 =	vld [tilespmem:s13+$0xBD30];
	[tilespmem:s7+$0x5D00] =	vst v2;
	v3 =	vadd.bf16 v8, v3  }
0x54: {  	v2 =	vld [tilespmem:s13+$0x5D00];
	[tilespmem:s7+$0x5D10] =	vst v4;
	v7 =	vadd.bf16 v10, v7  }
0x55: {  	v4 =	vld [tilespmem:s13+$0x5D10];
	[tilespmem:s7+$0x5D20] =	vst v3;
	v5 =	vmov v9  }
0x56: {  	s9 =	sadd.s32 $0x100, s9;
	v3 =	vld [tilespmem:s13+$0x5D20];
	[tilespmem:s7+$0x5D30] =	vst v7;
	v6 =	vmov v11;
	s7 =	smov.u32 s13  }
0x57: {  	v7 =	vld [tilespmem:s7+$0x5D30];
	_ =	sdelay $0x1  }
0x58: {  	v2 =	vadd.bf16 v5, v2  }
0x59: {  	v4 =	vadd.bf16 v6, v4  }
0x5a: {  	[tilespmem:s7+$0x5D00] =	vst v2;
	v1 =	vadd.bf16 v1, v3  }
0x5b: {  	[tilespmem:s7+$0x5D10] =	vst v4;
	v0 =	vadd.bf16 v0, v7  }
0x5c: {  	[tilespmem:s7+$0x5D20] =	vst v1  }
0x5d: {  	s30 =	simm.s32 $0x0;
	s15 =	rddreg [dreg:$0x4];
	[tilespmem:s7+$0x5D30] =	vst v0  }
0x5e: {  	[hbm4b:s15+s30] =	stream.linear.scatter [tilespmem:s23], [sflag:$0x5], $0x2000, $0x38;
	[tilespmem:$0xFD00] =	vst v63  }
.LBB2_6:
0x5f: {  	_ =	swait.ge [sflag:s0], $0x2000  }
0x60: {  	[sflag:s0] =	ssyncset.done $0x0  }
0x61: {  	[sflag:s0] =	ssyncadd.s32 $0xFFFFE000  }
0x62: {  	_ =	swait.ge [sflag:s0], $0x2000  }
0x63: {  	s9 =	smul.u32 $0x3, s30;
	[sflag:s0] =	ssyncset.done $0x0  }
0x64: {  	[sflag:s0] =	ssyncadd.s32 $0xFFFFE000  }
0x65: {  	s7 =	sadd.s32 $0x3, s9;
	_ =	swait.ge [sflag:s1], $0x2000  }
0x66: {  	s13 =	sshll.u32 s7, $0xA;
	[sflag:s1] =	ssyncset.done $0x0  }
0x67: {  	s13 =	sshra.s32 s13, $0x2;
	[sflag:s1] =	ssyncadd.s32 $0xFFFFE000  }
0x68: {  	[tilespmem:s19], [sflag:$0x1] =	stream.indirect.gather [hbm4b:s4+s18], $0x40, s13, s18, $0xb8;
	[tilespmem:$0xFD00] =	vst v63  }
0x69: {  	s13 =	sor.u32 $0x80, s13  }
0x6a: {  	[tilespmem:s20], [sflag:$0x1] =	stream.indirect.gather [hbm4b:s6+s18], $0x40, s13, s18, $0xb8;
	[tilespmem:$0xFD00] =	vst v63  }
0x6b: {  	s13 =	simm.s32 $0x0  }
0x6c: {  	v5 =	vld [tilespmem:s13+$0xDD00]  }
0x6d: {  	v6 =	vld [tilespmem:s13+$0xDD10]  }
0x6e: {  	v1 =	vld [tilespmem:s13+$0xDD20]  }
0x6f: {  	v0 =	vld [tilespmem:s13+$0xDD30]  }
0x70: {  	v2 =	vld [tilespmem:s13+$0x7D00]  }
0x71: {  	v4 =	vld [tilespmem:s13+$0x7D10]  }
0x72: {  	s14 =	simm.s32 $0x100;
	v3 =	vld [tilespmem:s13+$0x7D20]  }
.LBB2_7:
0x73: {  	s15 =	sshra.s32 s14, $0x2;
	p0 =	sne.s32 s14, $0x7F00;
	v7 =	vld [tilespmem:s13+$0x7D30];
	v8 =	vmov v1  }
0x74: {  	v9 =	vld [tilespmem:s15+$0xDD00];
	v10 =	vmov v0  }
0x75: {  	v11 =	vld [tilespmem:s15+$0xDD10];
	v2 =	vadd.bf16 v5, v2  }
.Ltmp2:
0x76: {  	v1 =	vld [tilespmem:s15+$0xDD20];
	v4 =	vadd.bf16 v6, v4;
	(pc) =	sbr.rel @p0 .LBB2_7-.Ltmp2, $4  }
0x77: {  	v0 =	vld [tilespmem:s15+$0xDD30];
	[tilespmem:s13+$0x7D00] =	vst v2;
	v3 =	vadd.bf16 v8, v3  }
0x78: {  	v2 =	vld [tilespmem:s15+$0x7D00];
	[tilespmem:s13+$0x7D10] =	vst v4;
	v7 =	vadd.bf16 v10, v7  }
0x79: {  	v4 =	vld [tilespmem:s15+$0x7D10];
	[tilespmem:s13+$0x7D20] =	vst v3;
	v5 =	vmov v9  }
0x7a: {  	s14 =	sadd.s32 $0x100, s14;
	v3 =	vld [tilespmem:s15+$0x7D20];
	[tilespmem:s13+$0x7D30] =	vst v7;
	v6 =	vmov v11;
	s13 =	smov.u32 s15  }
0x7b: {  	v7 =	vld [tilespmem:s13+$0x7D30];
	_ =	sdelay $0x1  }
0x7c: {  	v2 =	vadd.bf16 v5, v2  }
0x7d: {  	v4 =	vadd.bf16 v6, v4  }
0x7e: {  	[tilespmem:s13+$0x7D00] =	vst v2;
	v1 =	vadd.bf16 v1, v3  }
0x7f: {  	s14 =	sadd.s32 s9, s11;
	[tilespmem:s13+$0x7D10] =	vst v4;
	v0 =	vadd.bf16 v0, v7  }
0x80: {  	s14 =	sshll.u32 s14, $0xA;
	[tilespmem:s13+$0x7D20] =	vst v1  }
0x81: {  	s15 =	simm.s32 $0x0;
	s14 =	sadd.s32 s2, s14;
	[tilespmem:s13+$0x7D30] =	vst v0  }
0x82: {  	[hbm4b:s14+s15] =	stream.linear.scatter [tilespmem:s29], [sflag:$0x6], $0x2000, $0x38;
	[tilespmem:$0xFD00] =	vst v63  }
0x83: {  	_ =	swait.ge [sflag:s21], $0x2000  }
0x84: {  	[sflag:s21] =	ssyncset.done $0x0  }
0x85: {  	[sflag:s21] =	ssyncadd.s32 $0xFFFFE000  }
0x86: {  	_ =	swait.ge [sflag:s21], $0x2000  }
0x87: {  	[sflag:s21] =	ssyncset.done $0x0  }
0x88: {  	[sflag:s21] =	ssyncadd.s32 $0xFFFFE000  }
0x89: {  	s9 =	sadd.s32 $0x4, s9;
	_ =	swait.ge [sflag:s22], $0x2000  }
0x8a: {  	s15 =	sshll.u32 s9, $0xA;
	[sflag:s22] =	ssyncset.done $0x0  }
0x8b: {  	s13 =	sshra.s32 s15, $0x2;
	[sflag:s22] =	ssyncadd.s32 $0xFFFFE000  }
0x8c: {  	[tilespmem:s23], [sflag:$0x2] =	stream.indirect.gather [hbm4b:s4+s18], $0x40, s13, s18, $0xb8;
	[tilespmem:$0xFD00] =	vst v63  }
0x8d: {  	s13 =	sor.u32 $0x80, s13  }
0x8e: {  	[tilespmem:s25], [sflag:$0x2] =	stream.indirect.gather [hbm4b:s6+s18], $0x40, s13, s18, $0xb8;
	[tilespmem:$0xFD00] =	vst v63  }
0x8f: {  	s13 =	simm.s32 $0x0  }
0x90: {  	v5 =	vld [tilespmem:s13+$0x9D00]  }
0x91: {  	v6 =	vld [tilespmem:s13+$0x9D10]  }
0x92: {  	v1 =	vld [tilespmem:s13+$0x9D20]  }
0x93: {  	v0 =	vld [tilespmem:s13+$0x9D30]  }
0x94: {  	v2 =	vld [tilespmem:s13+$0x3D00]  }
0x95: {  	v4 =	vld [tilespmem:s13+$0x3D10]  }
0x96: {  	s14 =	simm.s32 $0x100;
	v3 =	vld [tilespmem:s13+$0x3D20]  }
.LBB2_9:
0x97: {  	s15 =	sshra.s32 s14, $0x2;
	p0 =	sne.s32 s14, $0x7F00;
	v7 =	vld [tilespmem:s13+$0x3D30];
	v8 =	vmov v1  }
0x98: {  	v9 =	vld [tilespmem:s15+$0x9D00];
	v10 =	vmov v0  }
0x99: {  	v11 =	vld [tilespmem:s15+$0x9D10];
	v2 =	vadd.bf16 v5, v2  }
.Ltmp3:
0x9a: {  	v1 =	vld [tilespmem:s15+$0x9D20];
	v4 =	vadd.bf16 v6, v4;
	(pc) =	sbr.rel @p0 .LBB2_9-.Ltmp3, $4  }
0x9b: {  	v0 =	vld [tilespmem:s15+$0x9D30];
	[tilespmem:s13+$0x3D00] =	vst v2;
	v3 =	vadd.bf16 v8, v3  }
0x9c: {  	v2 =	vld [tilespmem:s15+$0x3D00];
	[tilespmem:s13+$0x3D10] =	vst v4;
	v7 =	vadd.bf16 v10, v7  }
0x9d: {  	v4 =	vld [tilespmem:s15+$0x3D10];
	[tilespmem:s13+$0x3D20] =	vst v3;
	v5 =	vmov v9  }
0x9e: {  	s14 =	sadd.s32 $0x100, s14;
	v3 =	vld [tilespmem:s15+$0x3D20];
	[tilespmem:s13+$0x3D30] =	vst v7;
	v6 =	vmov v11;
	s13 =	smov.u32 s15  }
0x9f: {  	v7 =	vld [tilespmem:s13+$0x3D30];
	_ =	sdelay $0x1  }
0xa0: {  	v2 =	vadd.bf16 v5, v2  }
0xa1: {  	v4 =	vadd.bf16 v6, v4  }
0xa2: {  	[tilespmem:s13+$0x3D00] =	vst v2;
	v1 =	vadd.bf16 v1, v3  }
0xa3: {  	s7 =	sadd.s32 s5, s7;
	[tilespmem:s13+$0x3D10] =	vst v4;
	v0 =	vadd.bf16 v0, v7  }
0xa4: {  	s7 =	sshll.u32 s7, $0xA;
	[tilespmem:s13+$0x3D20] =	vst v1  }
0xa5: {  	s15 =	simm.s32 $0x0;
	s7 =	sadd.s32 s2, s7;
	[tilespmem:s13+$0x3D30] =	vst v0  }
0xa6: {  	[hbm4b:s7+s15] =	stream.linear.scatter [tilespmem:s19], [sflag:$0x4], $0x2000, $0x38;
	[tilespmem:$0xFD00] =	vst v63  }
0xa7: {  	_ =	swait.ge [sflag:s26], $0x2000  }
0xa8: {  	[sflag:s26] =	ssyncset.done $0x0  }
0xa9: {  	[sflag:s26] =	ssyncadd.s32 $0xFFFFE000  }
0xaa: {  	_ =	swait.ge [sflag:s26], $0x2000  }
0xab: {  	[sflag:s26] =	ssyncset.done $0x0  }
0xac: {  	s14 =	smul.u32 $0xC00, s30;
	[sflag:s26] =	ssyncadd.s32 $0xFFFFE000  }
0xad: {  	_ =	swait.ge [sflag:s24], $0x2000  }
0xae: {  	s7 =	sshra.s32 s14, $0x2;
	[sflag:s24] =	ssyncset.done $0x0  }
0xaf: {  	s15 =	sadd.s32 $0x500, s7;
	[sflag:s24] =	ssyncadd.s32 $0xFFFFE000  }
0xb0: {  	[tilespmem:s29], [sflag:$0x3] =	stream.indirect.gather [hbm4b:s4+s18], $0x40, s15, s18, $0xb8;
	[tilespmem:$0xFD00] =	vst v63  }
0xb1: {  	s7 =	sadd.s32 $0x580, s7  }
0xb2: {  	[tilespmem:s31], [sflag:$0x3] =	stream.indirect.gather [hbm4b:s6+s18], $0x40, s7, s18, $0xb8;
	[tilespmem:$0xFD00] =	vst v63  }
0xb3: {  	s7 =	simm.s32 $0x0  }
0xb4: {  	v5 =	vld [tilespmem:s7+$0xBD00]  }
0xb5: {  	v6 =	vld [tilespmem:s7+$0xBD10]  }
0xb6: {  	v1 =	vld [tilespmem:s7+$0xBD20]  }
0xb7: {  	v0 =	vld [tilespmem:s7+$0xBD30]  }
0xb8: {  	v2 =	vld [tilespmem:s7+$0x5D00]  }
0xb9: {  	v4 =	vld [tilespmem:s7+$0x5D10]  }
0xba: {  	s13 =	simm.s32 $0x100;
	v3 =	vld [tilespmem:s7+$0x5D20]  }
.LBB2_11:
0xbb: {  	s14 =	sshra.s32 s13, $0x2;
	p0 =	sne.s32 s13, $0x7F00;
	v7 =	vld [tilespmem:s7+$0x5D30];
	v8 =	vmov v1  }
0xbc: {  	v9 =	vld [tilespmem:s14+$0xBD00];
	v10 =	vmov v0  }
0xbd: {  	v11 =	vld [tilespmem:s14+$0xBD10];
	v2 =	vadd.bf16 v5, v2  }
.Ltmp4:
0xbe: {  	v1 =	vld [tilespmem:s14+$0xBD20];
	v4 =	vadd.bf16 v6, v4;
	(pc) =	sbr.rel @p0 .LBB2_11-.Ltmp4, $4  }
0xbf: {  	v0 =	vld [tilespmem:s14+$0xBD30];
	[tilespmem:s7+$0x5D00] =	vst v2;
	v3 =	vadd.bf16 v8, v3  }
0xc0: {  	v2 =	vld [tilespmem:s14+$0x5D00];
	[tilespmem:s7+$0x5D10] =	vst v4;
	v7 =	vadd.bf16 v10, v7  }
0xc1: {  	v4 =	vld [tilespmem:s14+$0x5D10];
	[tilespmem:s7+$0x5D20] =	vst v3;
	v5 =	vmov v9  }
0xc2: {  	s13 =	sadd.s32 $0x100, s13;
	v3 =	vld [tilespmem:s14+$0x5D20];
	[tilespmem:s7+$0x5D30] =	vst v7;
	v6 =	vmov v11;
	s7 =	smov.u32 s14  }
0xc3: {  	v7 =	vld [tilespmem:s7+$0x5D30];
	_ =	sdelay $0x1  }
0xc4: {  	s30 =	sadd.s32 $0x1, s30;
	v2 =	vadd.bf16 v5, v2  }
0xc5: {  	p0 =	sne.s32 s30, s10;
	v4 =	vadd.bf16 v6, v4  }
.Ltmp5:
0xc6: {  	[tilespmem:s7+$0x5D00] =	vst v2;
	v1 =	vadd.bf16 v1, v3;
	(pc) =	sbr.rel @p0 .LBB2_6-.Ltmp5, $4  }
0xc7: {  	s9 =	sadd.s32 s5, s9;
	[tilespmem:s7+$0x5D10] =	vst v4;
	v0 =	vadd.bf16 v0, v7  }
0xc8: {  	s9 =	sshll.u32 s9, $0xA;
	[tilespmem:s7+$0x5D20] =	vst v1  }
0xc9: {  	s15 =	sadd.s32 s2, s9;
	[tilespmem:s7+$0x5D30] =	vst v0  }
0xca: {  	[hbm4b:s15+s3] =	stream.linear.scatter [tilespmem:s23], [sflag:$0x5], $0x2000, $0x38;
	[tilespmem:$0xFD00] =	vst v63  }
0xcb: {  	_ =	swait.ge [sflag:s0], $0x2000  }
0xcc: {  	[sflag:s0] =	ssyncset.done $0x0  }
0xcd: {  	[sflag:s0] =	ssyncadd.s32 $0xFFFFE000  }
0xce: {  	_ =	swait.ge [sflag:s0], $0x2000  }
0xcf: {  	[sflag:s0] =	ssyncset.done $0x0  }
0xd0: {  	[sflag:s0] =	ssyncadd.s32 $0xFFFFE000  }
0xd1: {  	_ =	swait.ge [sflag:s1], $0x2000  }
0xd2: {  	[sflag:s1] =	ssyncset.done $0x0  }
0xd3: {  	[sflag:s1] =	ssyncadd.s32 $0xFFFFE000  }
0xd4: {  	[tilespmem:s19], [sflag:$0x1] =	stream.indirect.gather [hbm4b:s4+s18], $0x40, s12, s18, $0xb8;
	[tilespmem:$0xFD00] =	vst v63  }
0xd5: {  	s7 =	rddreg [dreg:$0x5]  }
0xd6: {  	[tilespmem:s20], [sflag:$0x1] =	stream.indirect.gather [hbm4b:s6+s18], $0x40, s7, s18, $0xb8;
	[tilespmem:$0xFD00] =	vst v63  }
0xd7: {  	s7 =	simm.s32 $0x0  }
0xd8: {  	v5 =	vld [tilespmem:s7+$0xDD00]  }
0xd9: {  	v6 =	vld [tilespmem:s7+$0xDD10]  }
0xda: {  	v1 =	vld [tilespmem:s7+$0xDD20]  }
0xdb: {  	v0 =	vld [tilespmem:s7+$0xDD30]  }
0xdc: {  	v2 =	vld [tilespmem:s7+$0x7D00]  }
0xdd: {  	v4 =	vld [tilespmem:s7+$0x7D10]  }
0xde: {  	s9 =	simm.s32 $0x100;
	v3 =	vld [tilespmem:s7+$0x7D20]  }
.LBB2_14:
0xdf: {  	s13 =	sshra.s32 s9, $0x2;
	p0 =	sne.s32 s9, $0x7F00;
	v7 =	vld [tilespmem:s7+$0x7D30];
	v8 =	vmov v1  }
0xe0: {  	v9 =	vld [tilespmem:s13+$0xDD00];
	v10 =	vmov v0  }
0xe1: {  	v11 =	vld [tilespmem:s13+$0xDD10];
	v2 =	vadd.bf16 v5, v2  }
.Ltmp6:
0xe2: {  	v1 =	vld [tilespmem:s13+$0xDD20];
	v4 =	vadd.bf16 v6, v4;
	(pc) =	sbr.rel @p0 .LBB2_14-.Ltmp6, $4  }
0xe3: {  	v0 =	vld [tilespmem:s13+$0xDD30];
	[tilespmem:s7+$0x7D00] =	vst v2;
	v3 =	vadd.bf16 v8, v3  }
0xe4: {  	v2 =	vld [tilespmem:s13+$0x7D00];
	[tilespmem:s7+$0x7D10] =	vst v4;
	v7 =	vadd.bf16 v10, v7  }
0xe5: {  	v4 =	vld [tilespmem:s13+$0x7D10];
	[tilespmem:s7+$0x7D20] =	vst v3;
	v5 =	vmov v9  }
0xe6: {  	s9 =	sadd.s32 $0x100, s9;
	v3 =	vld [tilespmem:s13+$0x7D20];
	[tilespmem:s7+$0x7D30] =	vst v7;
	v6 =	vmov v11;
	s7 =	smov.u32 s13  }
0xe7: {  	v7 =	vld [tilespmem:s7+$0x7D30];
	_ =	sdelay $0x1  }
0xe8: {  	v2 =	vadd.bf16 v5, v2  }
0xe9: {  	v4 =	vadd.bf16 v6, v4  }
0xea: {  	[tilespmem:s7+$0x7D00] =	vst v2;
	v1 =	vadd.bf16 v1, v3  }
0xeb: {  	[tilespmem:s7+$0x7D10] =	vst v4;
	v0 =	vadd.bf16 v0, v7  }
0xec: {  	[tilespmem:s7+$0x7D20] =	vst v1  }
0xed: {  	s30 =	simm.s32 $0x0;
	s9 =	rddreg [dreg:$0x6];
	[tilespmem:s7+$0x7D30] =	vst v0  }
0xee: {  	[hbm4b:s9+s30] =	stream.linear.scatter [tilespmem:s29], [sflag:$0x6], $0x2000, $0x38;
	[tilespmem:$0xFD00] =	vst v63  }
0xef: {  	_ =	swait.ge [sflag:s21], $0x2000  }
0xf0: {  	[sflag:s21] =	ssyncset.done $0x0  }
0xf1: {  	[sflag:s21] =	ssyncadd.s32 $0xFFFFE000  }
0xf2: {  	_ =	swait.ge [sflag:s21], $0x2000  }
0xf3: {  	[sflag:s21] =	ssyncset.done $0x0  }
0xf4: {  	[sflag:s21] =	ssyncadd.s32 $0xFFFFE000  }
0xf5: {  	_ =	swait.ge [sflag:s22], $0x2000  }
0xf6: {  	[sflag:s22] =	ssyncset.done $0x0  }
0xf7: {  	s7 =	simm.s32 $0x0;
	[sflag:s22] =	ssyncadd.s32 $0xFFFFE000  }
0xf8: {  	v5 =	vld [tilespmem:s7+$0x9D00]  }
0xf9: {  	v6 =	vld [tilespmem:s7+$0x9D10]  }
0xfa: {  	v1 =	vld [tilespmem:s7+$0x9D20]  }
0xfb: {  	v0 =	vld [tilespmem:s7+$0x9D30]  }
0xfc: {  	v2 =	vld [tilespmem:s7+$0x3D00]  }
0xfd: {  	v4 =	vld [tilespmem:s7+$0x3D10]  }
0xfe: {  	s9 =	simm.s32 $0x100;
	v3 =	vld [tilespmem:s7+$0x3D20]  }
.LBB2_16:
0xff: {  	s13 =	sshra.s32 s9, $0x2;
	p0 =	sne.s32 s9, $0x7F00;
	v7 =	vld [tilespmem:s7+$0x3D30];
	v8 =	vmov v1  }
0x100: {  	v9 =	vld [tilespmem:s13+$0x9D00];
	v10 =	vmov v0  }
0x101: {  	v11 =	vld [tilespmem:s13+$0x9D10];
	v2 =	vadd.bf16 v5, v2  }
.Ltmp7:
0x102: {  	v1 =	vld [tilespmem:s13+$0x9D20];
	v4 =	vadd.bf16 v6, v4;
	(pc) =	sbr.rel @p0 .LBB2_16-.Ltmp7, $4  }
0x103: {  	v0 =	vld [tilespmem:s13+$0x9D30];
	[tilespmem:s7+$0x3D00] =	vst v2;
	v3 =	vadd.bf16 v8, v3  }
0x104: {  	v2 =	vld [tilespmem:s13+$0x3D00];
	[tilespmem:s7+$0x3D10] =	vst v4;
	v7 =	vadd.bf16 v10, v7  }
0x105: {  	v4 =	vld [tilespmem:s13+$0x3D10];
	[tilespmem:s7+$0x3D20] =	vst v3;
	v5 =	vmov v9  }
0x106: {  	s9 =	sadd.s32 $0x100, s9;
	v3 =	vld [tilespmem:s13+$0x3D20];
	[tilespmem:s7+$0x3D30] =	vst v7;
	v6 =	vmov v11;
	s7 =	smov.u32 s13  }
0x107: {  	v7 =	vld [tilespmem:s7+$0x3D30];
	_ =	sdelay $0x1  }
0x108: {  	v2 =	vadd.bf16 v5, v2  }
0x109: {  	v4 =	vadd.bf16 v6, v4  }
0x10a: {  	[tilespmem:s7+$0x3D00] =	vst v2;
	v1 =	vadd.bf16 v1, v3  }
0x10b: {  	[tilespmem:s7+$0x3D10] =	vst v4;
	v0 =	vadd.bf16 v0, v7  }
0x10c: {  	[tilespmem:s7+$0x3D20] =	vst v1  }
0x10d: {  	s30 =	rddreg [dreg:$0x7];
	s28 =	sadd.s32 $0x1, s28;
	[tilespmem:s7+$0x3D30] =	vst v0  }
0x10e: {  	[hbm4b:s30+s3] =	stream.linear.scatter [tilespmem:s19], [sflag:$0x4], $0x2000, $0x38;
	[tilespmem:$0xFD00] =	vst v63  }
0x10f: {  	p0 =	sne.s32 s28, s16;
	_ =	swait.ge [sflag:s24], $0x2000  }
.Ltmp8:
0x110: {  	[sflag:s24] =	ssyncset.done $0x0;
	(pc) =	sbr.rel @p0 .LBB2_1-.Ltmp8, $4  }
0x111: {  	[sflag:s24] =	ssyncadd.s32 $0xFFFFE000  }
0x112: {  	_ =	swait.ge [sflag:s1], $0x2000  }
0x113: {  	[sflag:s1] =	ssyncset.done $0x0  }
0x114: {  	[sflag:s1] =	ssyncadd.s32 $0xFFFFE000  }
0x115: {  	_ =	sfence.sel $0x180000  }
0x116: {  	[bflag:$0x0] =	sbarrier.arrive $0xFFFF  }
0x117: {  	_ =	strace $0x90000047  }
0x118: {  	s0 =	stileid.u32;
	[bflag:$0x2] =	sbarrier.arrive $0xFFFF  }
0x119: {  	p0 =	sne.s32 s0, $0x0;
	s0 =	rddreg [dreg:$0x2]  }
0x11a: {  	s0 =	sadd.s32 @!p0 $0x100000, s0  }
0x11b: {  	[sflag:s0] =	ssyncadd.tile.s32 @!p0 $0x1;
	_ =	shalt  }
.Lfunc_end2:
_tile_overlayer_lowered:
.L_overlay_start_2:
0x11c: {  	(tag) =	ssettag $0x2  }
0x11d: {  	s0 =	rddreg [dreg:$0x0];
	s2 =	stileid.u32  }
0x11e: {  	s1 =	rddreg [dreg:$0x1];
	p0 =	sne.s32 s2, $0x0  }
0x11f: {  	s3 =	rddreg [dreg:$0x2];
	[bflag:$0x3] =	sbarrier.arrive $0xFFFF;
	s2 =	simm.s32 @!p0 $0x1C07  }
0x120: {  	[timem:s3], [sflag:s2] =	dma.local @!p0 [hbm:s0], s1  }
0x121: {  	s0 =	simm.s32 @!p0 $0x7  }
0x122: {  	_ =	swait.ge @!p0 [sflag:s0], s1  }
0x123: {  	s1 =	ssub.s32 @!p0 $0x0, s1;
	[sflag:s0] =	ssyncset.done @!p0 $0x0  }
0x124: {  	[sflag:s0] =	ssyncadd.s32 @!p0 s1  }
0x125: {  	[bflag:$0x3] =	sbarrier.arrive $0xFFFF  }
0x126: {  	_ =	shalt  }

</sc_bundles>
